<compile_context>
chip_gen: v7x
topology: tpu7x:2x2x1
jax: 0.10.2.dev20260603
libtpu: 0.0.44.dev20260713+nightly
codegen_flags: <defaults>
</compile_context>

<pallas_src>
import functools

import jax
import jax.numpy as jnp
from jax import lax
from jax.experimental import pallas as pl
from jax.experimental.pallas import tpu as pltpu
from jax.experimental.pallas import tpu_sc as plsc

N = 10000
E = 320000
NP = 10240
IN_CH = 128
HID = 20
OUT = 10
D1 = 24
D2 = 16
DD = 8

NC = 2
NS = 16
NW = NC * NS
EPT = E // NW
K = 125
STEPS = EPT // K
R = 8
G = STEPS // R


def _sc_mesh():
    return plsc.VectorSubcoreMesh(
        core_axis_name="c", subcore_axis_name="s", num_cores=NC, num_subcores=NS
    )


_SC_PARAMS = pltpu.CompilerParams(
    use_tc_tiling_on_sc=False, needs_layout_passes=False
)


def _deg_pass(dst3, ones, zeros):

    @functools.partial(
        pl.kernel,
        out_type=jax.ShapeDtypeStruct((NC, NP, DD), jnp.float32),
        mesh=_sc_mesh(),
        compiler_params=_SC_PARAMS,
        scratch_types=[
            pltpu.VMEM((STEPS, K), jnp.int32),
            pltpu.VMEM((K, DD), jnp.float32),
            pltpu.VMEM_SHARED((NP, DD), jnp.float32),
            pltpu.SemaphoreType.DMA,
        ],
    )
    def body(dst_hbm, ones_hbm, zeros_hbm, out_hbm, dst_v, ones_v, acc, sem):
        c = lax.axis_index("c")
        s = lax.axis_index("s")
        wid = s * NC + c
        rps = NP // NS
        pltpu.sync_copy(zeros_hbm.at[pl.ds(s * rps, rps)], acc.at[pl.ds(s * rps, rps)])
        pltpu.sync_copy(dst_hbm.at[wid], dst_v)
        pltpu.sync_copy(ones_hbm, ones_v)
        plsc.subcore_barrier()

        LAG = 16

        def step(j, carry):
            pltpu.async_copy(ones_v, acc.at[dst_v.at[j]], sem, add=True)

            @pl.when(j >= LAG)
            def _():
                pltpu.make_async_copy(ones_v, acc.at[dst_v.at[0]], sem).wait()

            return carry

        lax.fori_loop(0, STEPS, step, 0)

        def drain(j, carry):
            pltpu.make_async_copy(ones_v, acc.at[dst_v.at[0]], sem).wait()
            return carry

        lax.fori_loop(0, LAG, drain, 0)
        plsc.subcore_barrier()
        pltpu.sync_copy(acc.at[pl.ds(s * rps, rps)], out_hbm.at[c, pl.ds(s * rps, rps)])

    return body(dst3, ones, zeros)


def _agg_pass(table, src3, dst3, zeros, d):

    @functools.partial(
        pl.kernel,
        out_type=jax.ShapeDtypeStruct((NC, NP, d), jnp.float32),
        mesh=_sc_mesh(),
        compiler_params=_SC_PARAMS,
        scratch_types=(
            [
                pltpu.VMEM((STEPS, K), jnp.int32),
                pltpu.VMEM((STEPS, K), jnp.int32),
                pltpu.VMEM_SHARED((NP, d), jnp.float32),
            ]
            + [pltpu.VMEM((K, d), jnp.float32) for _ in range(R)]
            + [pltpu.SemaphoreType.DMA for _ in range(2 * R)]
        ),
    )
    def body(tab_hbm, src_hbm, dst_hbm, zeros_hbm, out_hbm, src_v, dst_v, acc, *rest):
        bufs = rest[:R]
        gsems = rest[R : 2 * R]
        ssems = rest[2 * R : 3 * R]
        c = lax.axis_index("c")
        s = lax.axis_index("s")
        wid = s * NC + c
        rps = NP // NS
        pltpu.sync_copy(zeros_hbm.at[pl.ds(s * rps, rps)], acc.at[pl.ds(s * rps, rps)])
        pltpu.sync_copy(src_hbm.at[wid], src_v)
        pltpu.sync_copy(dst_hbm.at[wid], dst_v)
        plsc.subcore_barrier()

        def gather(j, b):
            pltpu.async_copy(tab_hbm.at[src_v.at[j]], bufs[b], gsems[b])

        def gather_wait(b):
            pltpu.make_async_copy(tab_hbm.at[src_v.at[0]], bufs[b], gsems[b]).wait()

        def scatter(j, b):
            pltpu.async_copy(bufs[b], acc.at[dst_v.at[j]], ssems[b], add=True)

        def scatter_wait(b):
            pltpu.make_async_copy(bufs[b], acc.at[dst_v.at[0]], ssems[b]).wait()

        for b in range(R):
            gather(b, b)

        def round_fn(g, carry):
            for b in range(R):
                gather_wait(b)
                scatter(g * R + b, b)
            for b in range(R):
                scatter_wait(b)
                jn = (g + 1) * R + b

                @pl.when(jn < STEPS)
                def _():
                    gather(jn, b)

            return carry

        lax.fori_loop(0, G, round_fn, 0)
        plsc.subcore_barrier()
        pltpu.sync_copy(acc.at[pl.ds(s * rps, rps)], out_hbm.at[c, pl.ds(s * rps, rps)])

    return body(table, src3, dst3, zeros)


def _tc1(x, w1p, degp):

    def body(x_ref, w_ref, degp_ref, g_ref, dis_ref):
        deg = degp_ref[0] + degp_ref[1]
        dis = lax.rsqrt(deg[:, 0:1] + 1.0)
        h = jnp.dot(x_ref[...], w_ref[...], preferred_element_type=jnp.float32)
        g_ref[...] = jnp.pad(h, ((0, NP - N), (0, 0))) * dis
        dis_ref[...] = dis

    return pl.pallas_call(
        body,
        out_shape=[
            jax.ShapeDtypeStruct((NP, D1), jnp.float32),
            jax.ShapeDtypeStruct((NP, 1), jnp.float32),
        ],
    )(x, w1p, degp)


def _tc2(agg1, g1, dis, w2p, b1p):

    def body(agg_ref, g1_ref, dis_ref, w_ref, b_ref, g2_ref):
        a = agg_ref[0] + agg_ref[1] + g1_ref[...]
        h = jnp.maximum(dis_ref[...] * a + b_ref[...], 0.0)
        g2_ref[...] = (
            jnp.dot(h, w_ref[...], preferred_element_type=jnp.float32) * dis_ref[...]
        )

    return pl.pallas_call(
        body, out_shape=jax.ShapeDtypeStruct((NP, D2), jnp.float32)
    )(agg1, g1, dis, w2p, b1p)


def _tc3(agg2, g2, dis, b2p):

    def body(agg_ref, g2_ref, dis_ref, b_ref, out_ref):
        a = agg_ref[0] + agg_ref[1] + g2_ref[...]
        out_ref[...] = lax.slice(dis_ref[...] * a + b_ref[...], (0, 0), (N, OUT))

    return pl.pallas_call(
        body, out_shape=jax.ShapeDtypeStruct((N, OUT), jnp.float32)
    )(agg2, g2, dis, b2p)


def kernel(x, edge_index, W1, b1, W2, b2):
    src3 = edge_index[0].reshape(NW, STEPS, K)
    dst3 = edge_index[1].reshape(NW, STEPS, K)

    ones = jnp.ones((K, DD), jnp.float32)
    degp = _deg_pass(dst3, ones, jnp.zeros((NP, DD), jnp.float32))

    w1p = jnp.pad(W1, ((0, 0), (0, D1 - HID)))
    g1, dis = _tc1(x, w1p, degp)

    agg1 = _agg_pass(g1, src3, dst3, jnp.zeros((NP, D1), jnp.float32), D1)

    w2p = jnp.pad(W2, ((0, D1 - HID), (0, D2 - OUT)))
    b1p = jnp.pad(b1, (0, D1 - HID)).reshape(1, D1)
    g2 = _tc2(agg1, g1, dis, w2p, b1p)

    agg2 = _agg_pass(g2, src3, dst3, jnp.zeros((NP, D2), jnp.float32), D2)

    b2p = jnp.pad(b2, (0, D2 - OUT)).reshape(1, D2)
    return _tc3(agg2, g2, dis, b2p)

# --- scband reference (transcript-rebuilt; emitter-appended) ---
"""Pipeline reference for scband-gcnencoder-5377299055294 (READ-ONLY COPY).

The authoritative reference and input builder live on the scoring server;
editing this copy changes nothing except your own understanding.
"""

import jax, jax.numpy as jnp
import numpy as np

N_NODES = 10000
N_EDGES = 320000
IN_CH = 128
OUT_CH = 10
HID_CH = 2 * OUT_CH


def setup_inputs(seed: int = 0) -> dict:
    key = jax.random.key(seed)
    k_x, k_e, k_w1, k_w2 = jax.random.split(key, 4)
    x = jax.random.normal(k_x, (N_NODES, IN_CH), dtype=jnp.float32)
    edge_index = jax.random.randint(k_e, (2, N_EDGES), 0, N_NODES, dtype=jnp.int32)
    # GCNConv layer 1: in=128 -> hidden=20 (glorot-ish init)
    W1 = jax.random.normal(k_w1, (IN_CH, HID_CH), dtype=jnp.float32) * (1.0 / np.sqrt(IN_CH))
    b1 = jnp.zeros((HID_CH,), dtype=jnp.float32)
    # GCNConv layer 2: hidden=20 -> out=10
    W2 = jax.random.normal(k_w2, (HID_CH, OUT_CH), dtype=jnp.float32) * (1.0 / np.sqrt(HID_CH))
    b2 = jnp.zeros((OUT_CH,), dtype=jnp.float32)
    return {"x": x, "edge_index": edge_index, "W1": W1, "b1": b1, "W2": W2, "b2": b2}


def _gcn_conv(x, src, dst, W, b, num_nodes):
    # PyG GCNConv semantics: add self-loops, symmetric normalization D^-1/2 (A+I) D^-1/2
    h = x @ W
    deg = jnp.zeros((num_nodes,), dtype=jnp.float32).at[dst].add(1.0)
    deg_inv_sqrt = jnp.where(deg > 0, jax.lax.rsqrt(jnp.maximum(deg, 1e-12)), 0.0)
    norm = deg_inv_sqrt[src] * deg_inv_sqrt[dst]
    msg = h[src] * norm[:, None]
    out = jnp.zeros((num_nodes, W.shape[1]), dtype=h.dtype).at[dst].add(msg)
    return out + b


def reference(x, edge_index, W1, b1, W2, b2):
    num_nodes = x.shape[0]
    loop = jnp.arange(num_nodes, dtype=edge_index.dtype)
    src = jnp.concatenate([edge_index[0], loop])
    dst = jnp.concatenate([edge_index[1], loop])
    h = _gcn_conv(x, src, dst, W1, b1, num_nodes)
    h = jax.nn.relu(h)
    out = _gcn_conv(h, src, dst, W2, b2, num_nodes)
    return out

if __name__ == "__main__":
    import jax
    _d = setup_inputs()
    print(jax.jit(kernel)(*tuple(_d.values())))

</pallas_src>

<mosaic_0001>
#map = affine_map<(d0, d1) -> (0, 0)>
#map1 = affine_map<(d0, d1) -> (0, 0, 0)>
module attributes {stable_mosaic.version = 14 : i64} {
  func.func @body(%arg0: i32, %arg1: i32, %arg2: memref<10240x24xf32, #tpu.memory_space<hbm>>, %arg3: memref<32x80x125xi32, #tpu.memory_space<hbm>>, %arg4: memref<32x80x125xi32, #tpu.memory_space<hbm>>, %arg5: memref<10240x24xf32, #tpu.memory_space<hbm>>, %arg6: memref<2x10240x24xf32, #tpu.memory_space<hbm>>, %arg7: memref<80x125xi32, #tpu.memory_space<vmem>>, %arg8: memref<80x125xi32, #tpu.memory_space<vmem>>, %arg9: memref<10240x24xf32, #tpu.memory_space<vmem_shared>>, %arg10: memref<125x24xf32, #tpu.memory_space<vmem>>, %arg11: memref<125x24xf32, #tpu.memory_space<vmem>>, %arg12: memref<125x24xf32, #tpu.memory_space<vmem>>, %arg13: memref<125x24xf32, #tpu.memory_space<vmem>>, %arg14: memref<125x24xf32, #tpu.memory_space<vmem>>, %arg15: memref<125x24xf32, #tpu.memory_space<vmem>>, %arg16: memref<125x24xf32, #tpu.memory_space<vmem>>, %arg17: memref<125x24xf32, #tpu.memory_space<vmem>>, %arg18: memref<!tpu.dma_semaphore, #tpu.memory_space<semaphore_mem>>, %arg19: memref<!tpu.dma_semaphore, #tpu.memory_space<semaphore_mem>>, %arg20: memref<!tpu.dma_semaphore, #tpu.memory_space<semaphore_mem>>, %arg21: memref<!tpu.dma_semaphore, #tpu.memory_space<semaphore_mem>>, %arg22: memref<!tpu.dma_semaphore, #tpu.memory_space<semaphore_mem>>, %arg23: memref<!tpu.dma_semaphore, #tpu.memory_space<semaphore_mem>>, %arg24: memref<!tpu.dma_semaphore, #tpu.memory_space<semaphore_mem>>, %arg25: memref<!tpu.dma_semaphore, #tpu.memory_space<semaphore_mem>>, %arg26: memref<!tpu.dma_semaphore, #tpu.memory_space<semaphore_mem>>, %arg27: memref<!tpu.dma_semaphore, #tpu.memory_space<semaphore_mem>>, %arg28: memref<!tpu.dma_semaphore, #tpu.memory_space<semaphore_mem>>, %arg29: memref<!tpu.dma_semaphore, #tpu.memory_space<semaphore_mem>>, %arg30: memref<!tpu.dma_semaphore, #tpu.memory_space<semaphore_mem>>, %arg31: memref<!tpu.dma_semaphore, #tpu.memory_space<semaphore_mem>>, %arg32: memref<!tpu.dma_semaphore, #tpu.memory_space<semaphore_mem>>, %arg33: memref<!tpu.dma_semaphore, #tpu.memory_space<semaphore_mem>>) attributes {dimension_semantics = [#tpu.dimension_semantics<core_parallel>, #tpu.dimension_semantics<subcore_parallel>], iteration_bounds = array<i64: 2, 16>, scalar_prefetch = 0 : i64, scratch_operands = 27 : i64, tpu.core_type = #tpu.core_type<sc_vector_subcore>, window_params = [{transform_indices = #map}, {transform_indices = #map1}, {transform_indices = #map1}, {transform_indices = #map}, {transform_indices = #map1}]} {
    %mul3A = arith.constant 2 : i32
    %mul3A_0 = arith.muli %arg1, %mul3A : i32
    %add3A = arith.addi %mul3A_0, %arg0 : i32
    %mul3A_1 = arith.constant 640 : i32
    %mul3A_2 = arith.muli %arg1, %mul3A_1 : i32
    %mul3A_3 = arith.constant 640 : i32
    %mul3A_4 = arith.muli %arg1, %mul3A_3 : i32
    "tpu.region"() ({
      %run_scoped3A = tpu.sem_alloc : memref<!tpu.dma_semaphore, #tpu.memory_space<semaphore_mem>>
      %dma_start3A_70 = arith.constant 0 : i32
      %dma_start3A_71 = tpu.memref_slice %arg9[%mul3A_4, %dma_start3A_70] : memref<10240x24xf32, #tpu.memory_space<vmem_shared>> -> memref<640x24xf32, #tpu.memory_space<vmem_shared>>
      %dma_start3A_72 = arith.constant 0 : i32
      %dma_start3A_73 = tpu.memref_slice %arg5[%mul3A_2, %dma_start3A_72] : memref<10240x24xf32, #tpu.memory_space<hbm>> -> memref<640x24xf32, #tpu.memory_space<hbm>>
      tpu.enqueue_dma source(%dma_start3A_73 : memref<640x24xf32, #tpu.memory_space<hbm>>) target(%dma_start3A_71 : memref<640x24xf32, #tpu.memory_space<vmem_shared>>) target_semaphore(%run_scoped3A : memref<!tpu.dma_semaphore, #tpu.memory_space<semaphore_mem>>)
      %dma_wait3A = arith.constant 0 : i32
      %dma_wait3A_74 = tpu.memref_slice %arg9[%mul3A_4, %dma_wait3A] : memref<10240x24xf32, #tpu.memory_space<vmem_shared>> -> memref<640x24xf32, #tpu.memory_space<vmem_shared>>
      %dma_wait3A_75 = arith.constant 0 : i32
      %dma_wait3A_76 = tpu.memref_slice %arg5[%mul3A_2, %dma_wait3A_75] : memref<10240x24xf32, #tpu.memory_space<hbm>> -> memref<640x24xf32, #tpu.memory_space<hbm>>
      tpu.wait_dma2 semaphore(%run_scoped3A : memref<!tpu.dma_semaphore, #tpu.memory_space<semaphore_mem>>) src(%dma_wait3A_76 : memref<640x24xf32, #tpu.memory_space<hbm>>) dst(%dma_wait3A_74 : memref<640x24xf32, #tpu.memory_space<vmem_shared>>)
      tpu.yield
    }) : () -> ()
    "tpu.region"() ({
      %run_scoped3A = tpu.sem_alloc : memref<!tpu.dma_semaphore, #tpu.memory_space<semaphore_mem>>
      %dma_start3A_70 = arith.constant 0 : i32
      %dma_start3A_71 = arith.constant 0 : i32
      %dma_start3A_72 = tpu.memref_slice %arg3[%add3A, %dma_start3A_70, %dma_start3A_71] : memref<32x80x125xi32, #tpu.memory_space<hbm>> -> memref<1x80x125xi32, #tpu.memory_space<hbm>>
      %dma_start3A_73 = tpu.memref_squeeze %dma_start3A_72 : memref<1x80x125xi32, #tpu.memory_space<hbm>> -> memref<80x125xi32, #tpu.memory_space<hbm>>
      %dma_start3A_74 = arith.constant 0 : i32
      %dma_start3A_75 = arith.constant 0 : i32
      %dma_start3A_76 = tpu.memref_slice %arg3[%add3A, %dma_start3A_74, %dma_start3A_75] : memref<32x80x125xi32, #tpu.memory_space<hbm>> -> memref<1x80x125xi32, #tpu.memory_space<hbm>>
      %dma_start3A_77 = tpu.memref_squeeze %dma_start3A_76 : memref<1x80x125xi32, #tpu.memory_space<hbm>> -> memref<80x125xi32, #tpu.memory_space<hbm>>
      tpu.enqueue_dma source(%dma_start3A_77 : memref<80x125xi32, #tpu.memory_space<hbm>>) target(%arg7 : memref<80x125xi32, #tpu.memory_space<vmem>>) target_semaphore(%run_scoped3A : memref<!tpu.dma_semaphore, #tpu.memory_space<semaphore_mem>>)
      %dma_wait3A = arith.constant 0 : i32
      %dma_wait3A_78 = arith.constant 0 : i32
      %dma_wait3A_79 = tpu.memref_slice %arg3[%add3A, %dma_wait3A, %dma_wait3A_78] : memref<32x80x125xi32, #tpu.memory_space<hbm>> -> memref<1x80x125xi32, #tpu.memory_space<hbm>>
      %dma_wait3A_80 = tpu.memref_squeeze %dma_wait3A_79 : memref<1x80x125xi32, #tpu.memory_space<hbm>> -> memref<80x125xi32, #tpu.memory_space<hbm>>
      %dma_wait3A_81 = arith.constant 0 : i32
      %dma_wait3A_82 = arith.constant 0 : i32
      %dma_wait3A_83 = tpu.memref_slice %arg3[%add3A, %dma_wait3A_81, %dma_wait3A_82] : memref<32x80x125xi32, #tpu.memory_space<hbm>> -> memref<1x80x125xi32, #tpu.memory_space<hbm>>
      %dma_wait3A_84 = tpu.memref_squeeze %dma_wait3A_83 : memref<1x80x125xi32, #tpu.memory_space<hbm>> -> memref<80x125xi32, #tpu.memory_space<hbm>>
      tpu.wait_dma2 semaphore(%run_scoped3A : memref<!tpu.dma_semaphore, #tpu.memory_space<semaphore_mem>>) src(%dma_wait3A_84 : memref<80x125xi32, #tpu.memory_space<hbm>>) dst(%arg7 : memref<80x125xi32, #tpu.memory_space<vmem>>)
      tpu.yield
    }) : () -> ()
    "tpu.region"() ({
      %run_scoped3A = tpu.sem_alloc : memref<!tpu.dma_semaphore, #tpu.memory_space<semaphore_mem>>
      %dma_start3A_70 = arith.constant 0 : i32
      %dma_start3A_71 = arith.constant 0 : i32
      %dma_start3A_72 = tpu.memref_slice %arg4[%add3A, %dma_start3A_70, %dma_start3A_71] : memref<32x80x125xi32, #tpu.memory_space<hbm>> -> memref<1x80x125xi32, #tpu.memory_space<hbm>>
      %dma_start3A_73 = tpu.memref_squeeze %dma_start3A_72 : memref<1x80x125xi32, #tpu.memory_space<hbm>> -> memref<80x125xi32, #tpu.memory_space<hbm>>
      %dma_start3A_74 = arith.constant 0 : i32
      %dma_start3A_75 = arith.constant 0 : i32
      %dma_start3A_76 = tpu.memref_slice %arg4[%add3A, %dma_start3A_74, %dma_start3A_75] : memref<32x80x125xi32, #tpu.memory_space<hbm>> -> memref<1x80x125xi32, #tpu.memory_space<hbm>>
      %dma_start3A_77 = tpu.memref_squeeze %dma_start3A_76 : memref<1x80x125xi32, #tpu.memory_space<hbm>> -> memref<80x125xi32, #tpu.memory_space<hbm>>
      tpu.enqueue_dma source(%dma_start3A_77 : memref<80x125xi32, #tpu.memory_space<hbm>>) target(%arg8 : memref<80x125xi32, #tpu.memory_space<vmem>>) target_semaphore(%run_scoped3A : memref<!tpu.dma_semaphore, #tpu.memory_space<semaphore_mem>>)
      %dma_wait3A = arith.constant 0 : i32
      %dma_wait3A_78 = arith.constant 0 : i32
      %dma_wait3A_79 = tpu.memref_slice %arg4[%add3A, %dma_wait3A, %dma_wait3A_78] : memref<32x80x125xi32, #tpu.memory_space<hbm>> -> memref<1x80x125xi32, #tpu.memory_space<hbm>>
      %dma_wait3A_80 = tpu.memref_squeeze %dma_wait3A_79 : memref<1x80x125xi32, #tpu.memory_space<hbm>> -> memref<80x125xi32, #tpu.memory_space<hbm>>
      %dma_wait3A_81 = arith.constant 0 : i32
      %dma_wait3A_82 = arith.constant 0 : i32
      %dma_wait3A_83 = tpu.memref_slice %arg4[%add3A, %dma_wait3A_81, %dma_wait3A_82] : memref<32x80x125xi32, #tpu.memory_space<hbm>> -> memref<1x80x125xi32, #tpu.memory_space<hbm>>
      %dma_wait3A_84 = tpu.memref_squeeze %dma_wait3A_83 : memref<1x80x125xi32, #tpu.memory_space<hbm>> -> memref<80x125xi32, #tpu.memory_space<hbm>>
      tpu.wait_dma2 semaphore(%run_scoped3A : memref<!tpu.dma_semaphore, #tpu.memory_space<semaphore_mem>>) src(%dma_wait3A_84 : memref<80x125xi32, #tpu.memory_space<hbm>>) dst(%arg8 : memref<80x125xi32, #tpu.memory_space<vmem>>)
      tpu.yield
    }) : () -> ()
    %barrier3A = arith.constant 0 : index
    tpu.barrier barrier_id(%barrier3A)
    %dma_start3A = arith.constant 0 : i32
    %dma_start3A_5 = arith.constant 0 : i32
    %dma_start3A_6 = tpu.memref_slice %arg7[%dma_start3A, %dma_start3A_5] : memref<80x125xi32, #tpu.memory_space<vmem>> -> memref<1x125xi32, #tpu.memory_space<vmem>>
    %dma_start3A_7 = tpu.memref_squeeze %dma_start3A_6 : memref<1x125xi32, #tpu.memory_space<vmem>> -> memref<125xi32, #tpu.memory_space<vmem>>
    %dma_start3A_8 = arith.constant 0 : i32
    %dma_start3A_9 = arith.constant 0 : i32
    %dma_start3A_10 = tpu.memref_slice %arg2[%dma_start3A_8, %dma_start3A_9] : memref<10240x24xf32, #tpu.memory_space<hbm>> -> memref<10240x24xf32, #tpu.memory_space<hbm>>
    tpu.enqueue_indirect_dma source(%dma_start3A_10 : memref<10240x24xf32, #tpu.memory_space<hbm>>) target(%arg10 : memref<125x24xf32, #tpu.memory_space<vmem>>) offsets(%dma_start3A_7 : memref<125xi32, #tpu.memory_space<vmem>>) semaphore(%arg18 : memref<!tpu.dma_semaphore, #tpu.memory_space<semaphore_mem>>)
    %dma_start3A_11 = arith.constant 1 : i32
    %dma_start3A_12 = arith.constant 0 : i32
    %dma_start3A_13 = tpu.memref_slice %arg7[%dma_start3A_11, %dma_start3A_12] : memref<80x125xi32, #tpu.memory_space<vmem>> -> memref<1x125xi32, #tpu.memory_space<vmem>>
    %dma_start3A_14 = tpu.memref_squeeze %dma_start3A_13 : memref<1x125xi32, #tpu.memory_space<vmem>> -> memref<125xi32, #tpu.memory_space<vmem>>
    %dma_start3A_15 = arith.constant 0 : i32
    %dma_start3A_16 = arith.constant 0 : i32
    %dma_start3A_17 = tpu.memref_slice %arg2[%dma_start3A_15, %dma_start3A_16] : memref<10240x24xf32, #tpu.memory_space<hbm>> -> memref<10240x24xf32, #tpu.memory_space<hbm>>
    tpu.enqueue_indirect_dma source(%dma_start3A_17 : memref<10240x24xf32, #tpu.memory_space<hbm>>) target(%arg11 : memref<125x24xf32, #tpu.memory_space<vmem>>) offsets(%dma_start3A_14 : memref<125xi32, #tpu.memory_space<vmem>>) semaphore(%arg19 : memref<!tpu.dma_semaphore, #tpu.memory_space<semaphore_mem>>)
    %dma_start3A_18 = arith.constant 2 : i32
    %dma_start3A_19 = arith.constant 0 : i32
    %dma_start3A_20 = tpu.memref_slice %arg7[%dma_start3A_18, %dma_start3A_19] : memref<80x125xi32, #tpu.memory_space<vmem>> -> memref<1x125xi32, #tpu.memory_space<vmem>>
    %dma_start3A_21 = tpu.memref_squeeze %dma_start3A_20 : memref<1x125xi32, #tpu.memory_space<vmem>> -> memref<125xi32, #tpu.memory_space<vmem>>
    %dma_start3A_22 = arith.constant 0 : i32
    %dma_start3A_23 = arith.constant 0 : i32
    %dma_start3A_24 = tpu.memref_slice %arg2[%dma_start3A_22, %dma_start3A_23] : memref<10240x24xf32, #tpu.memory_space<hbm>> -> memref<10240x24xf32, #tpu.memory_space<hbm>>
    tpu.enqueue_indirect_dma source(%dma_start3A_24 : memref<10240x24xf32, #tpu.memory_space<hbm>>) target(%arg12 : memref<125x24xf32, #tpu.memory_space<vmem>>) offsets(%dma_start3A_21 : memref<125xi32, #tpu.memory_space<vmem>>) semaphore(%arg20 : memref<!tpu.dma_semaphore, #tpu.memory_space<semaphore_mem>>)
    %dma_start3A_25 = arith.constant 3 : i32
    %dma_start3A_26 = arith.constant 0 : i32
    %dma_start3A_27 = tpu.memref_slice %arg7[%dma_start3A_25, %dma_start3A_26] : memref<80x125xi32, #tpu.memory_space<vmem>> -> memref<1x125xi32, #tpu.memory_space<vmem>>
    %dma_start3A_28 = tpu.memref_squeeze %dma_start3A_27 : memref<1x125xi32, #tpu.memory_space<vmem>> -> memref<125xi32, #tpu.memory_space<vmem>>
    %dma_start3A_29 = arith.constant 0 : i32
    %dma_start3A_30 = arith.constant 0 : i32
    %dma_start3A_31 = tpu.memref_slice %arg2[%dma_start3A_29, %dma_start3A_30] : memref<10240x24xf32, #tpu.memory_space<hbm>> -> memref<10240x24xf32, #tpu.memory_space<hbm>>
    tpu.enqueue_indirect_dma source(%dma_start3A_31 : memref<10240x24xf32, #tpu.memory_space<hbm>>) target(%arg13 : memref<125x24xf32, #tpu.memory_space<vmem>>) offsets(%dma_start3A_28 : memref<125xi32, #tpu.memory_space<vmem>>) semaphore(%arg21 : memref<!tpu.dma_semaphore, #tpu.memory_space<semaphore_mem>>)
    %dma_start3A_32 = arith.constant 4 : i32
    %dma_start3A_33 = arith.constant 0 : i32
    %dma_start3A_34 = tpu.memref_slice %arg7[%dma_start3A_32, %dma_start3A_33] : memref<80x125xi32, #tpu.memory_space<vmem>> -> memref<1x125xi32, #tpu.memory_space<vmem>>
    %dma_start3A_35 = tpu.memref_squeeze %dma_start3A_34 : memref<1x125xi32, #tpu.memory_space<vmem>> -> memref<125xi32, #tpu.memory_space<vmem>>
    %dma_start3A_36 = arith.constant 0 : i32
    %dma_start3A_37 = arith.constant 0 : i32
    %dma_start3A_38 = tpu.memref_slice %arg2[%dma_start3A_36, %dma_start3A_37] : memref<10240x24xf32, #tpu.memory_space<hbm>> -> memref<10240x24xf32, #tpu.memory_space<hbm>>
    tpu.enqueue_indirect_dma source(%dma_start3A_38 : memref<10240x24xf32, #tpu.memory_space<hbm>>) target(%arg14 : memref<125x24xf32, #tpu.memory_space<vmem>>) offsets(%dma_start3A_35 : memref<125xi32, #tpu.memory_space<vmem>>) semaphore(%arg22 : memref<!tpu.dma_semaphore, #tpu.memory_space<semaphore_mem>>)
    %dma_start3A_39 = arith.constant 5 : i32
    %dma_start3A_40 = arith.constant 0 : i32
    %dma_start3A_41 = tpu.memref_slice %arg7[%dma_start3A_39, %dma_start3A_40] : memref<80x125xi32, #tpu.memory_space<vmem>> -> memref<1x125xi32, #tpu.memory_space<vmem>>
    %dma_start3A_42 = tpu.memref_squeeze %dma_start3A_41 : memref<1x125xi32, #tpu.memory_space<vmem>> -> memref<125xi32, #tpu.memory_space<vmem>>
    %dma_start3A_43 = arith.constant 0 : i32
    %dma_start3A_44 = arith.constant 0 : i32
    %dma_start3A_45 = tpu.memref_slice %arg2[%dma_start3A_43, %dma_start3A_44] : memref<10240x24xf32, #tpu.memory_space<hbm>> -> memref<10240x24xf32, #tpu.memory_space<hbm>>
    tpu.enqueue_indirect_dma source(%dma_start3A_45 : memref<10240x24xf32, #tpu.memory_space<hbm>>) target(%arg15 : memref<125x24xf32, #tpu.memory_space<vmem>>) offsets(%dma_start3A_42 : memref<125xi32, #tpu.memory_space<vmem>>) semaphore(%arg23 : memref<!tpu.dma_semaphore, #tpu.memory_space<semaphore_mem>>)
    %dma_start3A_46 = arith.constant 6 : i32
    %dma_start3A_47 = arith.constant 0 : i32
    %dma_start3A_48 = tpu.memref_slice %arg7[%dma_start3A_46, %dma_start3A_47] : memref<80x125xi32, #tpu.memory_space<vmem>> -> memref<1x125xi32, #tpu.memory_space<vmem>>
    %dma_start3A_49 = tpu.memref_squeeze %dma_start3A_48 : memref<1x125xi32, #tpu.memory_space<vmem>> -> memref<125xi32, #tpu.memory_space<vmem>>
    %dma_start3A_50 = arith.constant 0 : i32
    %dma_start3A_51 = arith.constant 0 : i32
    %dma_start3A_52 = tpu.memref_slice %arg2[%dma_start3A_50, %dma_start3A_51] : memref<10240x24xf32, #tpu.memory_space<hbm>> -> memref<10240x24xf32, #tpu.memory_space<hbm>>
    tpu.enqueue_indirect_dma source(%dma_start3A_52 : memref<10240x24xf32, #tpu.memory_space<hbm>>) target(%arg16 : memref<125x24xf32, #tpu.memory_space<vmem>>) offsets(%dma_start3A_49 : memref<125xi32, #tpu.memory_space<vmem>>) semaphore(%arg24 : memref<!tpu.dma_semaphore, #tpu.memory_space<semaphore_mem>>)
    %dma_start3A_53 = arith.constant 7 : i32
    %dma_start3A_54 = arith.constant 0 : i32
    %dma_start3A_55 = tpu.memref_slice %arg7[%dma_start3A_53, %dma_start3A_54] : memref<80x125xi32, #tpu.memory_space<vmem>> -> memref<1x125xi32, #tpu.memory_space<vmem>>
    %dma_start3A_56 = tpu.memref_squeeze %dma_start3A_55 : memref<1x125xi32, #tpu.memory_space<vmem>> -> memref<125xi32, #tpu.memory_space<vmem>>
    %dma_start3A_57 = arith.constant 0 : i32
    %dma_start3A_58 = arith.constant 0 : i32
    %dma_start3A_59 = tpu.memref_slice %arg2[%dma_start3A_57, %dma_start3A_58] : memref<10240x24xf32, #tpu.memory_space<hbm>> -> memref<10240x24xf32, #tpu.memory_space<hbm>>
    tpu.enqueue_indirect_dma source(%dma_start3A_59 : memref<10240x24xf32, #tpu.memory_space<hbm>>) target(%arg17 : memref<125x24xf32, #tpu.memory_space<vmem>>) offsets(%dma_start3A_56 : memref<125xi32, #tpu.memory_space<vmem>>) semaphore(%arg25 : memref<!tpu.dma_semaphore, #tpu.memory_space<semaphore_mem>>)
    %scan3A = arith.constant 0 : i32
    %scan3A_60 = arith.constant 0 : i32
    %scan3A_61 = arith.constant 10 : i32
    %scan3A_62 = arith.addi %scan3A_60, %scan3A_61 : i32
    %scan3A_63 = arith.constant 1 : i32
    scf.for %scan3A_70 = %scan3A_60 to %scan3A_62 step %scan3A_63  : i32 {
      %dma_wait3A = arith.constant 0 : i32
      %dma_wait3A_71 = arith.constant 0 : i32
      %dma_wait3A_72 = tpu.memref_slice %arg7[%dma_wait3A, %dma_wait3A_71] : memref<80x125xi32, #tpu.memory_space<vmem>> -> memref<1x125xi32, #tpu.memory_space<vmem>>
      %dma_wait3A_73 = tpu.memref_squeeze %dma_wait3A_72 : memref<1x125xi32, #tpu.memory_space<vmem>> -> memref<125xi32, #tpu.memory_space<vmem>>
      %dma_wait3A_74 = arith.constant 0 : i32
      %dma_wait3A_75 = arith.constant 0 : i32
      %dma_wait3A_76 = tpu.memref_slice %arg2[%dma_wait3A_74, %dma_wait3A_75] : memref<10240x24xf32, #tpu.memory_space<hbm>> -> memref<10240x24xf32, #tpu.memory_space<hbm>>
      tpu.wait_indirect_dma semaphore(%arg18 : memref<!tpu.dma_semaphore, #tpu.memory_space<semaphore_mem>>) src(%dma_wait3A_76 : memref<10240x24xf32, #tpu.memory_space<hbm>>) dst(%arg10 : memref<125x24xf32, #tpu.memory_space<vmem>>)
      %mul3A_77 = arith.constant 8 : i32
      %mul3A_78 = arith.muli %scan3A_70, %mul3A_77 : i32
      %add3A_79 = arith.constant 0 : i32
      %add3A_80 = arith.addi %mul3A_78, %add3A_79 : i32
      %dma_start3A_81 = arith.constant 0 : i32
      %dma_start3A_82 = tpu.memref_slice %arg8[%add3A_80, %dma_start3A_81] : memref<80x125xi32, #tpu.memory_space<vmem>> -> memref<1x125xi32, #tpu.memory_space<vmem>>
      %dma_start3A_83 = tpu.memref_squeeze %dma_start3A_82 : memref<1x125xi32, #tpu.memory_space<vmem>> -> memref<125xi32, #tpu.memory_space<vmem>>
      %dma_start3A_84 = arith.constant 0 : i32
      %dma_start3A_85 = arith.constant 0 : i32
      %dma_start3A_86 = tpu.memref_slice %arg9[%dma_start3A_84, %dma_start3A_85] : memref<10240x24xf32, #tpu.memory_space<vmem_shared>> -> memref<10240x24xf32, #tpu.memory_space<vmem_shared>>
      tpu.enqueue_indirect_dma source(%arg10 : memref<125x24xf32, #tpu.memory_space<vmem>>) target(%dma_start3A_86 : memref<10240x24xf32, #tpu.memory_space<vmem_shared>>) offsets(%dma_start3A_83 : memref<125xi32, #tpu.memory_space<vmem>>) semaphore(%arg26 : memref<!tpu.dma_semaphore, #tpu.memory_space<semaphore_mem>>) {add = true}
      %dma_wait3A_87 = arith.constant 0 : i32
      %dma_wait3A_88 = arith.constant 0 : i32
      %dma_wait3A_89 = tpu.memref_slice %arg7[%dma_wait3A_87, %dma_wait3A_88] : memref<80x125xi32, #tpu.memory_space<vmem>> -> memref<1x125xi32, #tpu.memory_space<vmem>>
      %dma_wait3A_90 = tpu.memref_squeeze %dma_wait3A_89 : memref<1x125xi32, #tpu.memory_space<vmem>> -> memref<125xi32, #tpu.memory_space<vmem>>
      %dma_wait3A_91 = arith.constant 0 : i32
      %dma_wait3A_92 = arith.constant 0 : i32
      %dma_wait3A_93 = tpu.memref_slice %arg2[%dma_wait3A_91, %dma_wait3A_92] : memref<10240x24xf32, #tpu.memory_space<hbm>> -> memref<10240x24xf32, #tpu.memory_space<hbm>>
      tpu.wait_indirect_dma semaphore(%arg19 : memref<!tpu.dma_semaphore, #tpu.memory_space<semaphore_mem>>) src(%dma_wait3A_93 : memref<10240x24xf32, #tpu.memory_space<hbm>>) dst(%arg11 : memref<125x24xf32, #tpu.memory_space<vmem>>)
      %mul3A_94 = arith.constant 8 : i32
      %mul3A_95 = arith.muli %scan3A_70, %mul3A_94 : i32
      %add3A_96 = arith.constant 1 : i32
      %add3A_97 = arith.addi %mul3A_95, %add3A_96 : i32
      %dma_start3A_98 = arith.constant 0 : i32
      %dma_start3A_99 = tpu.memref_slice %arg8[%add3A_97, %dma_start3A_98] : memref<80x125xi32, #tpu.memory_space<vmem>> -> memref<1x125xi32, #tpu.memory_space<vmem>>
      %dma_start3A_100 = tpu.memref_squeeze %dma_start3A_99 : memref<1x125xi32, #tpu.memory_space<vmem>> -> memref<125xi32, #tpu.memory_space<vmem>>
      %dma_start3A_101 = arith.constant 0 : i32
      %dma_start3A_102 = arith.constant 0 : i32
      %dma_start3A_103 = tpu.memref_slice %arg9[%dma_start3A_101, %dma_start3A_102] : memref<10240x24xf32, #tpu.memory_space<vmem_shared>> -> memref<10240x24xf32, #tpu.memory_space<vmem_shared>>
      tpu.enqueue_indirect_dma source(%arg11 : memref<125x24xf32, #tpu.memory_space<vmem>>) target(%dma_start3A_103 : memref<10240x24xf32, #tpu.memory_space<vmem_shared>>) offsets(%dma_start3A_100 : memref<125xi32, #tpu.memory_space<vmem>>) semaphore(%arg27 : memref<!tpu.dma_semaphore, #tpu.memory_space<semaphore_mem>>) {add = true}
      %dma_wait3A_104 = arith.constant 0 : i32
      %dma_wait3A_105 = arith.constant 0 : i32
      %dma_wait3A_106 = tpu.memref_slice %arg7[%dma_wait3A_104, %dma_wait3A_105] : memref<80x125xi32, #tpu.memory_space<vmem>> -> memref<1x125xi32, #tpu.memory_space<vmem>>
      %dma_wait3A_107 = tpu.memref_squeeze %dma_wait3A_106 : memref<1x125xi32, #tpu.memory_space<vmem>> -> memref<125xi32, #tpu.memory_space<vmem>>
      %dma_wait3A_108 = arith.constant 0 : i32
      %dma_wait3A_109 = arith.constant 0 : i32
      %dma_wait3A_110 = tpu.memref_slice %arg2[%dma_wait3A_108, %dma_wait3A_109] : memref<10240x24xf32, #tpu.memory_space<hbm>> -> memref<10240x24xf32, #tpu.memory_space<hbm>>
      tpu.wait_indirect_dma semaphore(%arg20 : memref<!tpu.dma_semaphore, #tpu.memory_space<semaphore_mem>>) src(%dma_wait3A_110 : memref<10240x24xf32, #tpu.memory_space<hbm>>) dst(%arg12 : memref<125x24xf32, #tpu.memory_space<vmem>>)
      %mul3A_111 = arith.constant 8 : i32
      %mul3A_112 = arith.muli %scan3A_70, %mul3A_111 : i32
      %add3A_113 = arith.constant 2 : i32
      %add3A_114 = arith.addi %mul3A_112, %add3A_113 : i32
      %dma_start3A_115 = arith.constant 0 : i32
      %dma_start3A_116 = tpu.memref_slice %arg8[%add3A_114, %dma_start3A_115] : memref<80x125xi32, #tpu.memory_space<vmem>> -> memref<1x125xi32, #tpu.memory_space<vmem>>
      %dma_start3A_117 = tpu.memref_squeeze %dma_start3A_116 : memref<1x125xi32, #tpu.memory_space<vmem>> -> memref<125xi32, #tpu.memory_space<vmem>>
      %dma_start3A_118 = arith.constant 0 : i32
      %dma_start3A_119 = arith.constant 0 : i32
      %dma_start3A_120 = tpu.memref_slice %arg9[%dma_start3A_118, %dma_start3A_119] : memref<10240x24xf32, #tpu.memory_space<vmem_shared>> -> memref<10240x24xf32, #tpu.memory_space<vmem_shared>>
      tpu.enqueue_indirect_dma source(%arg12 : memref<125x24xf32, #tpu.memory_space<vmem>>) target(%dma_start3A_120 : memref<10240x24xf32, #tpu.memory_space<vmem_shared>>) offsets(%dma_start3A_117 : memref<125xi32, #tpu.memory_space<vmem>>) semaphore(%arg28 : memref<!tpu.dma_semaphore, #tpu.memory_space<semaphore_mem>>) {add = true}
      %dma_wait3A_121 = arith.constant 0 : i32
      %dma_wait3A_122 = arith.constant 0 : i32
      %dma_wait3A_123 = tpu.memref_slice %arg7[%dma_wait3A_121, %dma_wait3A_122] : memref<80x125xi32, #tpu.memory_space<vmem>> -> memref<1x125xi32, #tpu.memory_space<vmem>>
      %dma_wait3A_124 = tpu.memref_squeeze %dma_wait3A_123 : memref<1x125xi32, #tpu.memory_space<vmem>> -> memref<125xi32, #tpu.memory_space<vmem>>
      %dma_wait3A_125 = arith.constant 0 : i32
      %dma_wait3A_126 = arith.constant 0 : i32
      %dma_wait3A_127 = tpu.memref_slice %arg2[%dma_wait3A_125, %dma_wait3A_126] : memref<10240x24xf32, #tpu.memory_space<hbm>> -> memref<10240x24xf32, #tpu.memory_space<hbm>>
      tpu.wait_indirect_dma semaphore(%arg21 : memref<!tpu.dma_semaphore, #tpu.memory_space<semaphore_mem>>) src(%dma_wait3A_127 : memref<10240x24xf32, #tpu.memory_space<hbm>>) dst(%arg13 : memref<125x24xf32, #tpu.memory_space<vmem>>)
      %mul3A_128 = arith.constant 8 : i32
      %mul3A_129 = arith.muli %scan3A_70, %mul3A_128 : i32
      %add3A_130 = arith.constant 3 : i32
      %add3A_131 = arith.addi %mul3A_129, %add3A_130 : i32
      %dma_start3A_132 = arith.constant 0 : i32
      %dma_start3A_133 = tpu.memref_slice %arg8[%add3A_131, %dma_start3A_132] : memref<80x125xi32, #tpu.memory_space<vmem>> -> memref<1x125xi32, #tpu.memory_space<vmem>>
      %dma_start3A_134 = tpu.memref_squeeze %dma_start3A_133 : memref<1x125xi32, #tpu.memory_space<vmem>> -> memref<125xi32, #tpu.memory_space<vmem>>
      %dma_start3A_135 = arith.constant 0 : i32
      %dma_start3A_136 = arith.constant 0 : i32
      %dma_start3A_137 = tpu.memref_slice %arg9[%dma_start3A_135, %dma_start3A_136] : memref<10240x24xf32, #tpu.memory_space<vmem_shared>> -> memref<10240x24xf32, #tpu.memory_space<vmem_shared>>
      tpu.enqueue_indirect_dma source(%arg13 : memref<125x24xf32, #tpu.memory_space<vmem>>) target(%dma_start3A_137 : memref<10240x24xf32, #tpu.memory_space<vmem_shared>>) offsets(%dma_start3A_134 : memref<125xi32, #tpu.memory_space<vmem>>) semaphore(%arg29 : memref<!tpu.dma_semaphore, #tpu.memory_space<semaphore_mem>>) {add = true}
      %dma_wait3A_138 = arith.constant 0 : i32
      %dma_wait3A_139 = arith.constant 0 : i32
      %dma_wait3A_140 = tpu.memref_slice %arg7[%dma_wait3A_138, %dma_wait3A_139] : memref<80x125xi32, #tpu.memory_space<vmem>> -> memref<1x125xi32, #tpu.memory_space<vmem>>
      %dma_wait3A_141 = tpu.memref_squeeze %dma_wait3A_140 : memref<1x125xi32, #tpu.memory_space<vmem>> -> memref<125xi32, #tpu.memory_space<vmem>>
      %dma_wait3A_142 = arith.constant 0 : i32
      %dma_wait3A_143 = arith.constant 0 : i32
      %dma_wait3A_144 = tpu.memref_slice %arg2[%dma_wait3A_142, %dma_wait3A_143] : memref<10240x24xf32, #tpu.memory_space<hbm>> -> memref<10240x24xf32, #tpu.memory_space<hbm>>
      tpu.wait_indirect_dma semaphore(%arg22 : memref<!tpu.dma_semaphore, #tpu.memory_space<semaphore_mem>>) src(%dma_wait3A_144 : memref<10240x24xf32, #tpu.memory_space<hbm>>) dst(%arg14 : memref<125x24xf32, #tpu.memory_space<vmem>>)
      %mul3A_145 = arith.constant 8 : i32
      %mul3A_146 = arith.muli %scan3A_70, %mul3A_145 : i32
      %add3A_147 = arith.constant 4 : i32
      %add3A_148 = arith.addi %mul3A_146, %add3A_147 : i32
      %dma_start3A_149 = arith.constant 0 : i32
      %dma_start3A_150 = tpu.memref_slice %arg8[%add3A_148, %dma_start3A_149] : memref<80x125xi32, #tpu.memory_space<vmem>> -> memref<1x125xi32, #tpu.memory_space<vmem>>
      %dma_start3A_151 = tpu.memref_squeeze %dma_start3A_150 : memref<1x125xi32, #tpu.memory_space<vmem>> -> memref<125xi32, #tpu.memory_space<vmem>>
      %dma_start3A_152 = arith.constant 0 : i32
      %dma_start3A_153 = arith.constant 0 : i32
      %dma_start3A_154 = tpu.memref_slice %arg9[%dma_start3A_152, %dma_start3A_153] : memref<10240x24xf32, #tpu.memory_space<vmem_shared>> -> memref<10240x24xf32, #tpu.memory_space<vmem_shared>>
      tpu.enqueue_indirect_dma source(%arg14 : memref<125x24xf32, #tpu.memory_space<vmem>>) target(%dma_start3A_154 : memref<10240x24xf32, #tpu.memory_space<vmem_shared>>) offsets(%dma_start3A_151 : memref<125xi32, #tpu.memory_space<vmem>>) semaphore(%arg30 : memref<!tpu.dma_semaphore, #tpu.memory_space<semaphore_mem>>) {add = true}
      %dma_wait3A_155 = arith.constant 0 : i32
      %dma_wait3A_156 = arith.constant 0 : i32
      %dma_wait3A_157 = tpu.memref_slice %arg7[%dma_wait3A_155, %dma_wait3A_156] : memref<80x125xi32, #tpu.memory_space<vmem>> -> memref<1x125xi32, #tpu.memory_space<vmem>>
      %dma_wait3A_158 = tpu.memref_squeeze %dma_wait3A_157 : memref<1x125xi32, #tpu.memory_space<vmem>> -> memref<125xi32, #tpu.memory_space<vmem>>
      %dma_wait3A_159 = arith.constant 0 : i32
      %dma_wait3A_160 = arith.constant 0 : i32
      %dma_wait3A_161 = tpu.memref_slice %arg2[%dma_wait3A_159, %dma_wait3A_160] : memref<10240x24xf32, #tpu.memory_space<hbm>> -> memref<10240x24xf32, #tpu.memory_space<hbm>>
      tpu.wait_indirect_dma semaphore(%arg23 : memref<!tpu.dma_semaphore, #tpu.memory_space<semaphore_mem>>) src(%dma_wait3A_161 : memref<10240x24xf32, #tpu.memory_space<hbm>>) dst(%arg15 : memref<125x24xf32, #tpu.memory_space<vmem>>)
      %mul3A_162 = arith.constant 8 : i32
      %mul3A_163 = arith.muli %scan3A_70, %mul3A_162 : i32
      %add3A_164 = arith.constant 5 : i32
      %add3A_165 = arith.addi %mul3A_163, %add3A_164 : i32
      %dma_start3A_166 = arith.constant 0 : i32
      %dma_start3A_167 = tpu.memref_slice %arg8[%add3A_165, %dma_start3A_166] : memref<80x125xi32, #tpu.memory_space<vmem>> -> memref<1x125xi32, #tpu.memory_space<vmem>>
      %dma_start3A_168 = tpu.memref_squeeze %dma_start3A_167 : memref<1x125xi32, #tpu.memory_space<vmem>> -> memref<125xi32, #tpu.memory_space<vmem>>
      %dma_start3A_169 = arith.constant 0 : i32
      %dma_start3A_170 = arith.constant 0 : i32
      %dma_start3A_171 = tpu.memref_slice %arg9[%dma_start3A_169, %dma_start3A_170] : memref<10240x24xf32, #tpu.memory_space<vmem_shared>> -> memref<10240x24xf32, #tpu.memory_space<vmem_shared>>
      tpu.enqueue_indirect_dma source(%arg15 : memref<125x24xf32, #tpu.memory_space<vmem>>) target(%dma_start3A_171 : memref<10240x24xf32, #tpu.memory_space<vmem_shared>>) offsets(%dma_start3A_168 : memref<125xi32, #tpu.memory_space<vmem>>) semaphore(%arg31 : memref<!tpu.dma_semaphore, #tpu.memory_space<semaphore_mem>>) {add = true}
      %dma_wait3A_172 = arith.constant 0 : i32
      %dma_wait3A_173 = arith.constant 0 : i32
      %dma_wait3A_174 = tpu.memref_slice %arg7[%dma_wait3A_172, %dma_wait3A_173] : memref<80x125xi32, #tpu.memory_space<vmem>> -> memref<1x125xi32, #tpu.memory_space<vmem>>
      %dma_wait3A_175 = tpu.memref_squeeze %dma_wait3A_174 : memref<1x125xi32, #tpu.memory_space<vmem>> -> memref<125xi32, #tpu.memory_space<vmem>>
      %dma_wait3A_176 = arith.constant 0 : i32
      %dma_wait3A_177 = arith.constant 0 : i32
      %dma_wait3A_178 = tpu.memref_slice %arg2[%dma_wait3A_176, %dma_wait3A_177] : memref<10240x24xf32, #tpu.memory_space<hbm>> -> memref<10240x24xf32, #tpu.memory_space<hbm>>
      tpu.wait_indirect_dma semaphore(%arg24 : memref<!tpu.dma_semaphore, #tpu.memory_space<semaphore_mem>>) src(%dma_wait3A_178 : memref<10240x24xf32, #tpu.memory_space<hbm>>) dst(%arg16 : memref<125x24xf32, #tpu.memory_space<vmem>>)
      %mul3A_179 = arith.constant 8 : i32
      %mul3A_180 = arith.muli %scan3A_70, %mul3A_179 : i32
      %add3A_181 = arith.constant 6 : i32
      %add3A_182 = arith.addi %mul3A_180, %add3A_181 : i32
      %dma_start3A_183 = arith.constant 0 : i32
      %dma_start3A_184 = tpu.memref_slice %arg8[%add3A_182, %dma_start3A_183] : memref<80x125xi32, #tpu.memory_space<vmem>> -> memref<1x125xi32, #tpu.memory_space<vmem>>
      %dma_start3A_185 = tpu.memref_squeeze %dma_start3A_184 : memref<1x125xi32, #tpu.memory_space<vmem>> -> memref<125xi32, #tpu.memory_space<vmem>>
      %dma_start3A_186 = arith.constant 0 : i32
      %dma_start3A_187 = arith.constant 0 : i32
      %dma_start3A_188 = tpu.memref_slice %arg9[%dma_start3A_186, %dma_start3A_187] : memref<10240x24xf32, #tpu.memory_space<vmem_shared>> -> memref<10240x24xf32, #tpu.memory_space<vmem_shared>>
      tpu.enqueue_indirect_dma source(%arg16 : memref<125x24xf32, #tpu.memory_space<vmem>>) target(%dma_start3A_188 : memref<10240x24xf32, #tpu.memory_space<vmem_shared>>) offsets(%dma_start3A_185 : memref<125xi32, #tpu.memory_space<vmem>>) semaphore(%arg32 : memref<!tpu.dma_semaphore, #tpu.memory_space<semaphore_mem>>) {add = true}
      %dma_wait3A_189 = arith.constant 0 : i32
      %dma_wait3A_190 = arith.constant 0 : i32
      %dma_wait3A_191 = tpu.memref_slice %arg7[%dma_wait3A_189, %dma_wait3A_190] : memref<80x125xi32, #tpu.memory_space<vmem>> -> memref<1x125xi32, #tpu.memory_space<vmem>>
      %dma_wait3A_192 = tpu.memref_squeeze %dma_wait3A_191 : memref<1x125xi32, #tpu.memory_space<vmem>> -> memref<125xi32, #tpu.memory_space<vmem>>
      %dma_wait3A_193 = arith.constant 0 : i32
      %dma_wait3A_194 = arith.constant 0 : i32
      %dma_wait3A_195 = tpu.memref_slice %arg2[%dma_wait3A_193, %dma_wait3A_194] : memref<10240x24xf32, #tpu.memory_space<hbm>> -> memref<10240x24xf32, #tpu.memory_space<hbm>>
      tpu.wait_indirect_dma semaphore(%arg25 : memref<!tpu.dma_semaphore, #tpu.memory_space<semaphore_mem>>) src(%dma_wait3A_195 : memref<10240x24xf32, #tpu.memory_space<hbm>>) dst(%arg17 : memref<125x24xf32, #tpu.memory_space<vmem>>)
      %mul3A_196 = arith.constant 8 : i32
      %mul3A_197 = arith.muli %scan3A_70, %mul3A_196 : i32
      %add3A_198 = arith.constant 7 : i32
      %add3A_199 = arith.addi %mul3A_197, %add3A_198 : i32
      %dma_start3A_200 = arith.constant 0 : i32
      %dma_start3A_201 = tpu.memref_slice %arg8[%add3A_199, %dma_start3A_200] : memref<80x125xi32, #tpu.memory_space<vmem>> -> memref<1x125xi32, #tpu.memory_space<vmem>>
      %dma_start3A_202 = tpu.memref_squeeze %dma_start3A_201 : memref<1x125xi32, #tpu.memory_space<vmem>> -> memref<125xi32, #tpu.memory_space<vmem>>
      %dma_start3A_203 = arith.constant 0 : i32
      %dma_start3A_204 = arith.constant 0 : i32
      %dma_start3A_205 = tpu.memref_slice %arg9[%dma_start3A_203, %dma_start3A_204] : memref<10240x24xf32, #tpu.memory_space<vmem_shared>> -> memref<10240x24xf32, #tpu.memory_space<vmem_shared>>
      tpu.enqueue_indirect_dma source(%arg17 : memref<125x24xf32, #tpu.memory_space<vmem>>) target(%dma_start3A_205 : memref<10240x24xf32, #tpu.memory_space<vmem_shared>>) offsets(%dma_start3A_202 : memref<125xi32, #tpu.memory_space<vmem>>) semaphore(%arg33 : memref<!tpu.dma_semaphore, #tpu.memory_space<semaphore_mem>>) {add = true}
      %dma_wait3A_206 = arith.constant 0 : i32
      %dma_wait3A_207 = arith.constant 0 : i32
      %dma_wait3A_208 = tpu.memref_slice %arg8[%dma_wait3A_206, %dma_wait3A_207] : memref<80x125xi32, #tpu.memory_space<vmem>> -> memref<1x125xi32, #tpu.memory_space<vmem>>
      %dma_wait3A_209 = tpu.memref_squeeze %dma_wait3A_208 : memref<1x125xi32, #tpu.memory_space<vmem>> -> memref<125xi32, #tpu.memory_space<vmem>>
      %dma_wait3A_210 = arith.constant 0 : i32
      %dma_wait3A_211 = arith.constant 0 : i32
      %dma_wait3A_212 = tpu.memref_slice %arg9[%dma_wait3A_210, %dma_wait3A_211] : memref<10240x24xf32, #tpu.memory_space<vmem_shared>> -> memref<10240x24xf32, #tpu.memory_space<vmem_shared>>
      tpu.wait_indirect_dma semaphore(%arg26 : memref<!tpu.dma_semaphore, #tpu.memory_space<semaphore_mem>>) src(%arg10 : memref<125x24xf32, #tpu.memory_space<vmem>>) dst(%dma_wait3A_212 : memref<10240x24xf32, #tpu.memory_space<vmem_shared>>)
      %add3A_213 = arith.constant 1 : i32
      %add3A_214 = arith.addi %scan3A_70, %add3A_213 : i32
      %mul3A_215 = arith.constant 8 : i32
      %mul3A_216 = arith.muli %add3A_214, %mul3A_215 : i32
      %add3A_217 = arith.constant 0 : i32
      %add3A_218 = arith.addi %mul3A_216, %add3A_217 : i32
      %lt3A = arith.constant 80 : i32
      %lt3A_219 = arith.cmpi slt, %add3A_218, %lt3A : i32
      %convert_element_type3A = arith.extui %lt3A_219 : i1 to i32
      %cond3A = arith.constant 0 : i32
      %cond3A_220 = arith.cmpi ne, %convert_element_type3A, %cond3A : i32
      scf.if %cond3A_220 {
        %dma_start3A_347 = arith.constant 0 : i32
        %dma_start3A_348 = tpu.memref_slice %arg7[%add3A_218, %dma_start3A_347] : memref<80x125xi32, #tpu.memory_space<vmem>> -> memref<1x125xi32, #tpu.memory_space<vmem>>
        %dma_start3A_349 = tpu.memref_squeeze %dma_start3A_348 : memref<1x125xi32, #tpu.memory_space<vmem>> -> memref<125xi32, #tpu.memory_space<vmem>>
        %dma_start3A_350 = arith.constant 0 : i32
        %dma_start3A_351 = arith.constant 0 : i32
        %dma_start3A_352 = tpu.memref_slice %arg2[%dma_start3A_350, %dma_start3A_351] : memref<10240x24xf32, #tpu.memory_space<hbm>> -> memref<10240x24xf32, #tpu.memory_space<hbm>>
        tpu.enqueue_indirect_dma source(%dma_start3A_352 : memref<10240x24xf32, #tpu.memory_space<hbm>>) target(%arg10 : memref<125x24xf32, #tpu.memory_space<vmem>>) offsets(%dma_start3A_349 : memref<125xi32, #tpu.memory_space<vmem>>) semaphore(%arg18 : memref<!tpu.dma_semaphore, #tpu.memory_space<semaphore_mem>>)
      } else {
      }
      %dma_wait3A_221 = arith.constant 0 : i32
      %dma_wait3A_222 = arith.constant 0 : i32
      %dma_wait3A_223 = tpu.memref_slice %arg8[%dma_wait3A_221, %dma_wait3A_222] : memref<80x125xi32, #tpu.memory_space<vmem>> -> memref<1x125xi32, #tpu.memory_space<vmem>>
      %dma_wait3A_224 = tpu.memref_squeeze %dma_wait3A_223 : memref<1x125xi32, #tpu.memory_space<vmem>> -> memref<125xi32, #tpu.memory_space<vmem>>
      %dma_wait3A_225 = arith.constant 0 : i32
      %dma_wait3A_226 = arith.constant 0 : i32
      %dma_wait3A_227 = tpu.memref_slice %arg9[%dma_wait3A_225, %dma_wait3A_226] : memref<10240x24xf32, #tpu.memory_space<vmem_shared>> -> memref<10240x24xf32, #tpu.memory_space<vmem_shared>>
      tpu.wait_indirect_dma semaphore(%arg27 : memref<!tpu.dma_semaphore, #tpu.memory_space<semaphore_mem>>) src(%arg11 : memref<125x24xf32, #tpu.memory_space<vmem>>) dst(%dma_wait3A_227 : memref<10240x24xf32, #tpu.memory_space<vmem_shared>>)
      %add3A_228 = arith.constant 1 : i32
      %add3A_229 = arith.addi %scan3A_70, %add3A_228 : i32
      %mul3A_230 = arith.constant 8 : i32
      %mul3A_231 = arith.muli %add3A_229, %mul3A_230 : i32
      %add3A_232 = arith.constant 1 : i32
      %add3A_233 = arith.addi %mul3A_231, %add3A_232 : i32
      %lt3A_234 = arith.constant 80 : i32
      %lt3A_235 = arith.cmpi slt, %add3A_233, %lt3A_234 : i32
      %convert_element_type3A_236 = arith.extui %lt3A_235 : i1 to i32
      %cond3A_237 = arith.constant 0 : i32
      %cond3A_238 = arith.cmpi ne, %convert_element_type3A_236, %cond3A_237 : i32
      scf.if %cond3A_238 {
        %dma_start3A_347 = arith.constant 0 : i32
        %dma_start3A_348 = tpu.memref_slice %arg7[%add3A_233, %dma_start3A_347] : memref<80x125xi32, #tpu.memory_space<vmem>> -> memref<1x125xi32, #tpu.memory_space<vmem>>
        %dma_start3A_349 = tpu.memref_squeeze %dma_start3A_348 : memref<1x125xi32, #tpu.memory_space<vmem>> -> memref<125xi32, #tpu.memory_space<vmem>>
        %dma_start3A_350 = arith.constant 0 : i32
        %dma_start3A_351 = arith.constant 0 : i32
        %dma_start3A_352 = tpu.memref_slice %arg2[%dma_start3A_350, %dma_start3A_351] : memref<10240x24xf32, #tpu.memory_space<hbm>> -> memref<10240x24xf32, #tpu.memory_space<hbm>>
        tpu.enqueue_indirect_dma source(%dma_start3A_352 : memref<10240x24xf32, #tpu.memory_space<hbm>>) target(%arg11 : memref<125x24xf32, #tpu.memory_space<vmem>>) offsets(%dma_start3A_349 : memref<125xi32, #tpu.memory_space<vmem>>) semaphore(%arg19 : memref<!tpu.dma_semaphore, #tpu.memory_space<semaphore_mem>>)
      } else {
      }
      %dma_wait3A_239 = arith.constant 0 : i32
      %dma_wait3A_240 = arith.constant 0 : i32
      %dma_wait3A_241 = tpu.memref_slice %arg8[%dma_wait3A_239, %dma_wait3A_240] : memref<80x125xi32, #tpu.memory_space<vmem>> -> memref<1x125xi32, #tpu.memory_space<vmem>>
      %dma_wait3A_242 = tpu.memref_squeeze %dma_wait3A_241 : memref<1x125xi32, #tpu.memory_space<vmem>> -> memref<125xi32, #tpu.memory_space<vmem>>
      %dma_wait3A_243 = arith.constant 0 : i32
      %dma_wait3A_244 = arith.constant 0 : i32
      %dma_wait3A_245 = tpu.memref_slice %arg9[%dma_wait3A_243, %dma_wait3A_244] : memref<10240x24xf32, #tpu.memory_space<vmem_shared>> -> memref<10240x24xf32, #tpu.memory_space<vmem_shared>>
      tpu.wait_indirect_dma semaphore(%arg28 : memref<!tpu.dma_semaphore, #tpu.memory_space<semaphore_mem>>) src(%arg12 : memref<125x24xf32, #tpu.memory_space<vmem>>) dst(%dma_wait3A_245 : memref<10240x24xf32, #tpu.memory_space<vmem_shared>>)
      %add3A_246 = arith.constant 1 : i32
      %add3A_247 = arith.addi %scan3A_70, %add3A_246 : i32
      %mul3A_248 = arith.constant 8 : i32
      %mul3A_249 = arith.muli %add3A_247, %mul3A_248 : i32
      %add3A_250 = arith.constant 2 : i32
      %add3A_251 = arith.addi %mul3A_249, %add3A_250 : i32
      %lt3A_252 = arith.constant 80 : i32
      %lt3A_253 = arith.cmpi slt, %add3A_251, %lt3A_252 : i32
      %convert_element_type3A_254 = arith.extui %lt3A_253 : i1 to i32
      %cond3A_255 = arith.constant 0 : i32
      %cond3A_256 = arith.cmpi ne, %convert_element_type3A_254, %cond3A_255 : i32
      scf.if %cond3A_256 {
        %dma_start3A_347 = arith.constant 0 : i32
        %dma_start3A_348 = tpu.memref_slice %arg7[%add3A_251, %dma_start3A_347] : memref<80x125xi32, #tpu.memory_space<vmem>> -> memref<1x125xi32, #tpu.memory_space<vmem>>
        %dma_start3A_349 = tpu.memref_squeeze %dma_start3A_348 : memref<1x125xi32, #tpu.memory_space<vmem>> -> memref<125xi32, #tpu.memory_space<vmem>>
        %dma_start3A_350 = arith.constant 0 : i32
        %dma_start3A_351 = arith.constant 0 : i32
        %dma_start3A_352 = tpu.memref_slice %arg2[%dma_start3A_350, %dma_start3A_351] : memref<10240x24xf32, #tpu.memory_space<hbm>> -> memref<10240x24xf32, #tpu.memory_space<hbm>>
        tpu.enqueue_indirect_dma source(%dma_start3A_352 : memref<10240x24xf32, #tpu.memory_space<hbm>>) target(%arg12 : memref<125x24xf32, #tpu.memory_space<vmem>>) offsets(%dma_start3A_349 : memref<125xi32, #tpu.memory_space<vmem>>) semaphore(%arg20 : memref<!tpu.dma_semaphore, #tpu.memory_space<semaphore_mem>>)
      } else {
      }
      %dma_wait3A_257 = arith.constant 0 : i32
      %dma_wait3A_258 = arith.constant 0 : i32
      %dma_wait3A_259 = tpu.memref_slice %arg8[%dma_wait3A_257, %dma_wait3A_258] : memref<80x125xi32, #tpu.memory_space<vmem>> -> memref<1x125xi32, #tpu.memory_space<vmem>>
      %dma_wait3A_260 = tpu.memref_squeeze %dma_wait3A_259 : memref<1x125xi32, #tpu.memory_space<vmem>> -> memref<125xi32, #tpu.memory_space<vmem>>
      %dma_wait3A_261 = arith.constant 0 : i32
      %dma_wait3A_262 = arith.constant 0 : i32
      %dma_wait3A_263 = tpu.memref_slice %arg9[%dma_wait3A_261, %dma_wait3A_262] : memref<10240x24xf32, #tpu.memory_space<vmem_shared>> -> memref<10240x24xf32, #tpu.memory_space<vmem_shared>>
      tpu.wait_indirect_dma semaphore(%arg29 : memref<!tpu.dma_semaphore, #tpu.memory_space<semaphore_mem>>) src(%arg13 : memref<125x24xf32, #tpu.memory_space<vmem>>) dst(%dma_wait3A_263 : memref<10240x24xf32, #tpu.memory_space<vmem_shared>>)
      %add3A_264 = arith.constant 1 : i32
      %add3A_265 = arith.addi %scan3A_70, %add3A_264 : i32
      %mul3A_266 = arith.constant 8 : i32
      %mul3A_267 = arith.muli %add3A_265, %mul3A_266 : i32
      %add3A_268 = arith.constant 3 : i32
      %add3A_269 = arith.addi %mul3A_267, %add3A_268 : i32
      %lt3A_270 = arith.constant 80 : i32
      %lt3A_271 = arith.cmpi slt, %add3A_269, %lt3A_270 : i32
      %convert_element_type3A_272 = arith.extui %lt3A_271 : i1 to i32
      %cond3A_273 = arith.constant 0 : i32
      %cond3A_274 = arith.cmpi ne, %convert_element_type3A_272, %cond3A_273 : i32
      scf.if %cond3A_274 {
        %dma_start3A_347 = arith.constant 0 : i32
        %dma_start3A_348 = tpu.memref_slice %arg7[%add3A_269, %dma_start3A_347] : memref<80x125xi32, #tpu.memory_space<vmem>> -> memref<1x125xi32, #tpu.memory_space<vmem>>
        %dma_start3A_349 = tpu.memref_squeeze %dma_start3A_348 : memref<1x125xi32, #tpu.memory_space<vmem>> -> memref<125xi32, #tpu.memory_space<vmem>>
        %dma_start3A_350 = arith.constant 0 : i32
        %dma_start3A_351 = arith.constant 0 : i32
        %dma_start3A_352 = tpu.memref_slice %arg2[%dma_start3A_350, %dma_start3A_351] : memref<10240x24xf32, #tpu.memory_space<hbm>> -> memref<10240x24xf32, #tpu.memory_space<hbm>>
        tpu.enqueue_indirect_dma source(%dma_start3A_352 : memref<10240x24xf32, #tpu.memory_space<hbm>>) target(%arg13 : memref<125x24xf32, #tpu.memory_space<vmem>>) offsets(%dma_start3A_349 : memref<125xi32, #tpu.memory_space<vmem>>) semaphore(%arg21 : memref<!tpu.dma_semaphore, #tpu.memory_space<semaphore_mem>>)
      } else {
      }
      %dma_wait3A_275 = arith.constant 0 : i32
      %dma_wait3A_276 = arith.constant 0 : i32
      %dma_wait3A_277 = tpu.memref_slice %arg8[%dma_wait3A_275, %dma_wait3A_276] : memref<80x125xi32, #tpu.memory_space<vmem>> -> memref<1x125xi32, #tpu.memory_space<vmem>>
      %dma_wait3A_278 = tpu.memref_squeeze %dma_wait3A_277 : memref<1x125xi32, #tpu.memory_space<vmem>> -> memref<125xi32, #tpu.memory_space<vmem>>
      %dma_wait3A_279 = arith.constant 0 : i32
      %dma_wait3A_280 = arith.constant 0 : i32
      %dma_wait3A_281 = tpu.memref_slice %arg9[%dma_wait3A_279, %dma_wait3A_280] : memref<10240x24xf32, #tpu.memory_space<vmem_shared>> -> memref<10240x24xf32, #tpu.memory_space<vmem_shared>>
      tpu.wait_indirect_dma semaphore(%arg30 : memref<!tpu.dma_semaphore, #tpu.memory_space<semaphore_mem>>) src(%arg14 : memref<125x24xf32, #tpu.memory_space<vmem>>) dst(%dma_wait3A_281 : memref<10240x24xf32, #tpu.memory_space<vmem_shared>>)
      %add3A_282 = arith.constant 1 : i32
      %add3A_283 = arith.addi %scan3A_70, %add3A_282 : i32
      %mul3A_284 = arith.constant 8 : i32
      %mul3A_285 = arith.muli %add3A_283, %mul3A_284 : i32
      %add3A_286 = arith.constant 4 : i32
      %add3A_287 = arith.addi %mul3A_285, %add3A_286 : i32
      %lt3A_288 = arith.constant 80 : i32
      %lt3A_289 = arith.cmpi slt, %add3A_287, %lt3A_288 : i32
      %convert_element_type3A_290 = arith.extui %lt3A_289 : i1 to i32
      %cond3A_291 = arith.constant 0 : i32
      %cond3A_292 = arith.cmpi ne, %convert_element_type3A_290, %cond3A_291 : i32
      scf.if %cond3A_292 {
        %dma_start3A_347 = arith.constant 0 : i32
        %dma_start3A_348 = tpu.memref_slice %arg7[%add3A_287, %dma_start3A_347] : memref<80x125xi32, #tpu.memory_space<vmem>> -> memref<1x125xi32, #tpu.memory_space<vmem>>
        %dma_start3A_349 = tpu.memref_squeeze %dma_start3A_348 : memref<1x125xi32, #tpu.memory_space<vmem>> -> memref<125xi32, #tpu.memory_space<vmem>>
        %dma_start3A_350 = arith.constant 0 : i32
        %dma_start3A_351 = arith.constant 0 : i32
        %dma_start3A_352 = tpu.memref_slice %arg2[%dma_start3A_350, %dma_start3A_351] : memref<10240x24xf32, #tpu.memory_space<hbm>> -> memref<10240x24xf32, #tpu.memory_space<hbm>>
        tpu.enqueue_indirect_dma source(%dma_start3A_352 : memref<10240x24xf32, #tpu.memory_space<hbm>>) target(%arg14 : memref<125x24xf32, #tpu.memory_space<vmem>>) offsets(%dma_start3A_349 : memref<125xi32, #tpu.memory_space<vmem>>) semaphore(%arg22 : memref<!tpu.dma_semaphore, #tpu.memory_space<semaphore_mem>>)
      } else {
      }
      %dma_wait3A_293 = arith.constant 0 : i32
      %dma_wait3A_294 = arith.constant 0 : i32
      %dma_wait3A_295 = tpu.memref_slice %arg8[%dma_wait3A_293, %dma_wait3A_294] : memref<80x125xi32, #tpu.memory_space<vmem>> -> memref<1x125xi32, #tpu.memory_space<vmem>>
      %dma_wait3A_296 = tpu.memref_squeeze %dma_wait3A_295 : memref<1x125xi32, #tpu.memory_space<vmem>> -> memref<125xi32, #tpu.memory_space<vmem>>
      %dma_wait3A_297 = arith.constant 0 : i32
      %dma_wait3A_298 = arith.constant 0 : i32
      %dma_wait3A_299 = tpu.memref_slice %arg9[%dma_wait3A_297, %dma_wait3A_298] : memref<10240x24xf32, #tpu.memory_space<vmem_shared>> -> memref<10240x24xf32, #tpu.memory_space<vmem_shared>>
      tpu.wait_indirect_dma semaphore(%arg31 : memref<!tpu.dma_semaphore, #tpu.memory_space<semaphore_mem>>) src(%arg15 : memref<125x24xf32, #tpu.memory_space<vmem>>) dst(%dma_wait3A_299 : memref<10240x24xf32, #tpu.memory_space<vmem_shared>>)
      %add3A_300 = arith.constant 1 : i32
      %add3A_301 = arith.addi %scan3A_70, %add3A_300 : i32
      %mul3A_302 = arith.constant 8 : i32
      %mul3A_303 = arith.muli %add3A_301, %mul3A_302 : i32
      %add3A_304 = arith.constant 5 : i32
      %add3A_305 = arith.addi %mul3A_303, %add3A_304 : i32
      %lt3A_306 = arith.constant 80 : i32
      %lt3A_307 = arith.cmpi slt, %add3A_305, %lt3A_306 : i32
      %convert_element_type3A_308 = arith.extui %lt3A_307 : i1 to i32
      %cond3A_309 = arith.constant 0 : i32
      %cond3A_310 = arith.cmpi ne, %convert_element_type3A_308, %cond3A_309 : i32
      scf.if %cond3A_310 {
        %dma_start3A_347 = arith.constant 0 : i32
        %dma_start3A_348 = tpu.memref_slice %arg7[%add3A_305, %dma_start3A_347] : memref<80x125xi32, #tpu.memory_space<vmem>> -> memref<1x125xi32, #tpu.memory_space<vmem>>
        %dma_start3A_349 = tpu.memref_squeeze %dma_start3A_348 : memref<1x125xi32, #tpu.memory_space<vmem>> -> memref<125xi32, #tpu.memory_space<vmem>>
        %dma_start3A_350 = arith.constant 0 : i32
        %dma_start3A_351 = arith.constant 0 : i32
        %dma_start3A_352 = tpu.memref_slice %arg2[%dma_start3A_350, %dma_start3A_351] : memref<10240x24xf32, #tpu.memory_space<hbm>> -> memref<10240x24xf32, #tpu.memory_space<hbm>>
        tpu.enqueue_indirect_dma source(%dma_start3A_352 : memref<10240x24xf32, #tpu.memory_space<hbm>>) target(%arg15 : memref<125x24xf32, #tpu.memory_space<vmem>>) offsets(%dma_start3A_349 : memref<125xi32, #tpu.memory_space<vmem>>) semaphore(%arg23 : memref<!tpu.dma_semaphore, #tpu.memory_space<semaphore_mem>>)
      } else {
      }
      %dma_wait3A_311 = arith.constant 0 : i32
      %dma_wait3A_312 = arith.constant 0 : i32
      %dma_wait3A_313 = tpu.memref_slice %arg8[%dma_wait3A_311, %dma_wait3A_312] : memref<80x125xi32, #tpu.memory_space<vmem>> -> memref<1x125xi32, #tpu.memory_space<vmem>>
      %dma_wait3A_314 = tpu.memref_squeeze %dma_wait3A_313 : memref<1x125xi32, #tpu.memory_space<vmem>> -> memref<125xi32, #tpu.memory_space<vmem>>
      %dma_wait3A_315 = arith.constant 0 : i32
      %dma_wait3A_316 = arith.constant 0 : i32
      %dma_wait3A_317 = tpu.memref_slice %arg9[%dma_wait3A_315, %dma_wait3A_316] : memref<10240x24xf32, #tpu.memory_space<vmem_shared>> -> memref<10240x24xf32, #tpu.memory_space<vmem_shared>>
      tpu.wait_indirect_dma semaphore(%arg32 : memref<!tpu.dma_semaphore, #tpu.memory_space<semaphore_mem>>) src(%arg16 : memref<125x24xf32, #tpu.memory_space<vmem>>) dst(%dma_wait3A_317 : memref<10240x24xf32, #tpu.memory_space<vmem_shared>>)
      %add3A_318 = arith.constant 1 : i32
      %add3A_319 = arith.addi %scan3A_70, %add3A_318 : i32
      %mul3A_320 = arith.constant 8 : i32
      %mul3A_321 = arith.muli %add3A_319, %mul3A_320 : i32
      %add3A_322 = arith.constant 6 : i32
      %add3A_323 = arith.addi %mul3A_321, %add3A_322 : i32
      %lt3A_324 = arith.constant 80 : i32
      %lt3A_325 = arith.cmpi slt, %add3A_323, %lt3A_324 : i32
      %convert_element_type3A_326 = arith.extui %lt3A_325 : i1 to i32
      %cond3A_327 = arith.constant 0 : i32
      %cond3A_328 = arith.cmpi ne, %convert_element_type3A_326, %cond3A_327 : i32
      scf.if %cond3A_328 {
        %dma_start3A_347 = arith.constant 0 : i32
        %dma_start3A_348 = tpu.memref_slice %arg7[%add3A_323, %dma_start3A_347] : memref<80x125xi32, #tpu.memory_space<vmem>> -> memref<1x125xi32, #tpu.memory_space<vmem>>
        %dma_start3A_349 = tpu.memref_squeeze %dma_start3A_348 : memref<1x125xi32, #tpu.memory_space<vmem>> -> memref<125xi32, #tpu.memory_space<vmem>>
        %dma_start3A_350 = arith.constant 0 : i32
        %dma_start3A_351 = arith.constant 0 : i32
        %dma_start3A_352 = tpu.memref_slice %arg2[%dma_start3A_350, %dma_start3A_351] : memref<10240x24xf32, #tpu.memory_space<hbm>> -> memref<10240x24xf32, #tpu.memory_space<hbm>>
        tpu.enqueue_indirect_dma source(%dma_start3A_352 : memref<10240x24xf32, #tpu.memory_space<hbm>>) target(%arg16 : memref<125x24xf32, #tpu.memory_space<vmem>>) offsets(%dma_start3A_349 : memref<125xi32, #tpu.memory_space<vmem>>) semaphore(%arg24 : memref<!tpu.dma_semaphore, #tpu.memory_space<semaphore_mem>>)
      } else {
      }
      %dma_wait3A_329 = arith.constant 0 : i32
      %dma_wait3A_330 = arith.constant 0 : i32
      %dma_wait3A_331 = tpu.memref_slice %arg8[%dma_wait3A_329, %dma_wait3A_330] : memref<80x125xi32, #tpu.memory_space<vmem>> -> memref<1x125xi32, #tpu.memory_space<vmem>>
      %dma_wait3A_332 = tpu.memref_squeeze %dma_wait3A_331 : memref<1x125xi32, #tpu.memory_space<vmem>> -> memref<125xi32, #tpu.memory_space<vmem>>
      %dma_wait3A_333 = arith.constant 0 : i32
      %dma_wait3A_334 = arith.constant 0 : i32
      %dma_wait3A_335 = tpu.memref_slice %arg9[%dma_wait3A_333, %dma_wait3A_334] : memref<10240x24xf32, #tpu.memory_space<vmem_shared>> -> memref<10240x24xf32, #tpu.memory_space<vmem_shared>>
      tpu.wait_indirect_dma semaphore(%arg33 : memref<!tpu.dma_semaphore, #tpu.memory_space<semaphore_mem>>) src(%arg17 : memref<125x24xf32, #tpu.memory_space<vmem>>) dst(%dma_wait3A_335 : memref<10240x24xf32, #tpu.memory_space<vmem_shared>>)
      %add3A_336 = arith.constant 1 : i32
      %add3A_337 = arith.addi %scan3A_70, %add3A_336 : i32
      %mul3A_338 = arith.constant 8 : i32
      %mul3A_339 = arith.muli %add3A_337, %mul3A_338 : i32
      %add3A_340 = arith.constant 7 : i32
      %add3A_341 = arith.addi %mul3A_339, %add3A_340 : i32
      %lt3A_342 = arith.constant 80 : i32
      %lt3A_343 = arith.cmpi slt, %add3A_341, %lt3A_342 : i32
      %convert_element_type3A_344 = arith.extui %lt3A_343 : i1 to i32
      %cond3A_345 = arith.constant 0 : i32
      %cond3A_346 = arith.cmpi ne, %convert_element_type3A_344, %cond3A_345 : i32
      scf.if %cond3A_346 {
        %dma_start3A_347 = arith.constant 0 : i32
        %dma_start3A_348 = tpu.memref_slice %arg7[%add3A_341, %dma_start3A_347] : memref<80x125xi32, #tpu.memory_space<vmem>> -> memref<1x125xi32, #tpu.memory_space<vmem>>
        %dma_start3A_349 = tpu.memref_squeeze %dma_start3A_348 : memref<1x125xi32, #tpu.memory_space<vmem>> -> memref<125xi32, #tpu.memory_space<vmem>>
        %dma_start3A_350 = arith.constant 0 : i32
        %dma_start3A_351 = arith.constant 0 : i32
        %dma_start3A_352 = tpu.memref_slice %arg2[%dma_start3A_350, %dma_start3A_351] : memref<10240x24xf32, #tpu.memory_space<hbm>> -> memref<10240x24xf32, #tpu.memory_space<hbm>>
        tpu.enqueue_indirect_dma source(%dma_start3A_352 : memref<10240x24xf32, #tpu.memory_space<hbm>>) target(%arg17 : memref<125x24xf32, #tpu.memory_space<vmem>>) offsets(%dma_start3A_349 : memref<125xi32, #tpu.memory_space<vmem>>) semaphore(%arg25 : memref<!tpu.dma_semaphore, #tpu.memory_space<semaphore_mem>>)
      } else {
      }
    }
    %scan3A_64 = arith.constant 10 : i32
    %barrier3A_65 = arith.constant 0 : index
    tpu.barrier barrier_id(%barrier3A_65)
    %mul3A_66 = arith.constant 640 : i32
    %mul3A_67 = arith.muli %arg1, %mul3A_66 : i32
    %mul3A_68 = arith.constant 640 : i32
    %mul3A_69 = arith.muli %arg1, %mul3A_68 : i32
    "tpu.region"() ({
      %run_scoped3A = tpu.sem_alloc : memref<!tpu.dma_semaphore, #tpu.memory_space<semaphore_mem>>
      %dma_start3A_70 = arith.constant 0 : i32
      %dma_start3A_71 = tpu.memref_slice %arg6[%arg0, %mul3A_69, %dma_start3A_70] : memref<2x10240x24xf32, #tpu.memory_space<hbm>> -> memref<1x640x24xf32, #tpu.memory_space<hbm>>
      %dma_start3A_72 = tpu.memref_squeeze %dma_start3A_71 : memref<1x640x24xf32, #tpu.memory_space<hbm>> -> memref<640x24xf32, #tpu.memory_space<hbm>>
      %dma_start3A_73 = arith.constant 0 : i32
      %dma_start3A_74 = tpu.memref_slice %arg9[%mul3A_67, %dma_start3A_73] : memref<10240x24xf32, #tpu.memory_space<vmem_shared>> -> memref<640x24xf32, #tpu.memory_space<vmem_shared>>
      tpu.enqueue_dma source(%dma_start3A_74 : memref<640x24xf32, #tpu.memory_space<vmem_shared>>) target(%dma_start3A_72 : memref<640x24xf32, #tpu.memory_space<hbm>>) target_semaphore(%run_scoped3A : memref<!tpu.dma_semaphore, #tpu.memory_space<semaphore_mem>>)
      %dma_wait3A = arith.constant 0 : i32
      %dma_wait3A_75 = tpu.memref_slice %arg6[%arg0, %mul3A_69, %dma_wait3A] : memref<2x10240x24xf32, #tpu.memory_space<hbm>> -> memref<1x640x24xf32, #tpu.memory_space<hbm>>
      %dma_wait3A_76 = tpu.memref_squeeze %dma_wait3A_75 : memref<1x640x24xf32, #tpu.memory_space<hbm>> -> memref<640x24xf32, #tpu.memory_space<hbm>>
      %dma_wait3A_77 = arith.constant 0 : i32
      %dma_wait3A_78 = tpu.memref_slice %arg9[%mul3A_67, %dma_wait3A_77] : memref<10240x24xf32, #tpu.memory_space<vmem_shared>> -> memref<640x24xf32, #tpu.memory_space<vmem_shared>>
      tpu.wait_dma2 semaphore(%run_scoped3A : memref<!tpu.dma_semaphore, #tpu.memory_space<semaphore_mem>>) src(%dma_wait3A_78 : memref<640x24xf32, #tpu.memory_space<vmem_shared>>) dst(%dma_wait3A_76 : memref<640x24xf32, #tpu.memory_space<hbm>>)
      tpu.yield
    }) : () -> ()
    return
  }
}

#map = affine_map<(d0, d1) -> (0, 0)>
#map1 = affine_map<(d0, d1) -> (0, 0, 0)>
module attributes {stable_mosaic.version = 14 : i64} {
  func.func @body(%arg0: i32, %arg1: i32, %arg2: memref<10240x16xf32, #tpu.memory_space<hbm>>, %arg3: memref<32x80x125xi32, #tpu.memory_space<hbm>>, %arg4: memref<32x80x125xi32, #tpu.memory_space<hbm>>, %arg5: memref<10240x16xf32, #tpu.memory_space<hbm>>, %arg6: memref<2x10240x16xf32, #tpu.memory_space<hbm>>, %arg7: memref<80x125xi32, #tpu.memory_space<vmem>>, %arg8: memref<80x125xi32, #tpu.memory_space<vmem>>, %arg9: memref<10240x16xf32, #tpu.memory_space<vmem_shared>>, %arg10: memref<125x16xf32, #tpu.memory_space<vmem>>, %arg11: memref<125x16xf32, #tpu.memory_space<vmem>>, %arg12: memref<125x16xf32, #tpu.memory_space<vmem>>, %arg13: memref<125x16xf32, #tpu.memory_space<vmem>>, %arg14: memref<125x16xf32, #tpu.memory_space<vmem>>, %arg15: memref<125x16xf32, #tpu.memory_space<vmem>>, %arg16: memref<125x16xf32, #tpu.memory_space<vmem>>, %arg17: memref<125x16xf32, #tpu.memory_space<vmem>>, %arg18: memref<!tpu.dma_semaphore, #tpu.memory_space<semaphore_mem>>, %arg19: memref<!tpu.dma_semaphore, #tpu.memory_space<semaphore_mem>>, %arg20: memref<!tpu.dma_semaphore, #tpu.memory_space<semaphore_mem>>, %arg21: memref<!tpu.dma_semaphore, #tpu.memory_space<semaphore_mem>>, %arg22: memref<!tpu.dma_semaphore, #tpu.memory_space<semaphore_mem>>, %arg23: memref<!tpu.dma_semaphore, #tpu.memory_space<semaphore_mem>>, %arg24: memref<!tpu.dma_semaphore, #tpu.memory_space<semaphore_mem>>, %arg25: memref<!tpu.dma_semaphore, #tpu.memory_space<semaphore_mem>>, %arg26: memref<!tpu.dma_semaphore, #tpu.memory_space<semaphore_mem>>, %arg27: memref<!tpu.dma_semaphore, #tpu.memory_space<semaphore_mem>>, %arg28: memref<!tpu.dma_semaphore, #tpu.memory_space<semaphore_mem>>, %arg29: memref<!tpu.dma_semaphore, #tpu.memory_space<semaphore_mem>>, %arg30: memref<!tpu.dma_semaphore, #tpu.memory_space<semaphore_mem>>, %arg31: memref<!tpu.dma_semaphore, #tpu.memory_space<semaphore_mem>>, %arg32: memref<!tpu.dma_semaphore, #tpu.memory_space<semaphore_mem>>, %arg33: memref<!tpu.dma_semaphore, #tpu.memory_space<semaphore_mem>>) attributes {dimension_semantics = [#tpu.dimension_semantics<core_parallel>, #tpu.dimension_semantics<subcore_parallel>], iteration_bounds = array<i64: 2, 16>, scalar_prefetch = 0 : i64, scratch_operands = 27 : i64, tpu.core_type = #tpu.core_type<sc_vector_subcore>, window_params = [{transform_indices = #map}, {transform_indices = #map1}, {transform_indices = #map1}, {transform_indices = #map}, {transform_indices = #map1}]} {
    %mul3A = arith.constant 2 : i32
    %mul3A_0 = arith.muli %arg1, %mul3A : i32
    %add3A = arith.addi %mul3A_0, %arg0 : i32
    %mul3A_1 = arith.constant 640 : i32
    %mul3A_2 = arith.muli %arg1, %mul3A_1 : i32
    %mul3A_3 = arith.constant 640 : i32
    %mul3A_4 = arith.muli %arg1, %mul3A_3 : i32
    "tpu.region"() ({
      %run_scoped3A = tpu.sem_alloc : memref<!tpu.dma_semaphore, #tpu.memory_space<semaphore_mem>>
      %dma_start3A_70 = arith.constant 0 : i32
      %dma_start3A_71 = tpu.memref_slice %arg9[%mul3A_4, %dma_start3A_70] : memref<10240x16xf32, #tpu.memory_space<vmem_shared>> -> memref<640x16xf32, #tpu.memory_space<vmem_shared>>
      %dma_start3A_72 = arith.constant 0 : i32
      %dma_start3A_73 = tpu.memref_slice %arg5[%mul3A_2, %dma_start3A_72] : memref<10240x16xf32, #tpu.memory_space<hbm>> -> memref<640x16xf32, #tpu.memory_space<hbm>>
      tpu.enqueue_dma source(%dma_start3A_73 : memref<640x16xf32, #tpu.memory_space<hbm>>) target(%dma_start3A_71 : memref<640x16xf32, #tpu.memory_space<vmem_shared>>) target_semaphore(%run_scoped3A : memref<!tpu.dma_semaphore, #tpu.memory_space<semaphore_mem>>)
      %dma_wait3A = arith.constant 0 : i32
      %dma_wait3A_74 = tpu.memref_slice %arg9[%mul3A_4, %dma_wait3A] : memref<10240x16xf32, #tpu.memory_space<vmem_shared>> -> memref<640x16xf32, #tpu.memory_space<vmem_shared>>
      %dma_wait3A_75 = arith.constant 0 : i32
      %dma_wait3A_76 = tpu.memref_slice %arg5[%mul3A_2, %dma_wait3A_75] : memref<10240x16xf32, #tpu.memory_space<hbm>> -> memref<640x16xf32, #tpu.memory_space<hbm>>
      tpu.wait_dma2 semaphore(%run_scoped3A : memref<!tpu.dma_semaphore, #tpu.memory_space<semaphore_mem>>) src(%dma_wait3A_76 : memref<640x16xf32, #tpu.memory_space<hbm>>) dst(%dma_wait3A_74 : memref<640x16xf32, #tpu.memory_space<vmem_shared>>)
      tpu.yield
    }) : () -> ()
    "tpu.region"() ({
      %run_scoped3A = tpu.sem_alloc : memref<!tpu.dma_semaphore, #tpu.memory_space<semaphore_mem>>
      %dma_start3A_70 = arith.constant 0 : i32
      %dma_start3A_71 = arith.constant 0 : i32
      %dma_start3A_72 = tpu.memref_slice %arg3[%add3A, %dma_start3A_70, %dma_start3A_71] : memref<32x80x125xi32, #tpu.memory_space<hbm>> -> memref<1x80x125xi32, #tpu.memory_space<hbm>>
      %dma_start3A_73 = tpu.memref_squeeze %dma_start3A_72 : memref<1x80x125xi32, #tpu.memory_space<hbm>> -> memref<80x125xi32, #tpu.memory_space<hbm>>
      %dma_start3A_74 = arith.constant 0 : i32
      %dma_start3A_75 = arith.constant 0 : i32
      %dma_start3A_76 = tpu.memref_slice %arg3[%add3A, %dma_start3A_74, %dma_start3A_75] : memref<32x80x125xi32, #tpu.memory_space<hbm>> -> memref<1x80x125xi32, #tpu.memory_space<hbm>>
      %dma_start3A_77 = tpu.memref_squeeze %dma_start3A_76 : memref<1x80x125xi32, #tpu.memory_space<hbm>> -> memref<80x125xi32, #tpu.memory_space<hbm>>
      tpu.enqueue_dma source(%dma_start3A_77 : memref<80x125xi32, #tpu.memory_space<hbm>>) target(%arg7 : memref<80x125xi32, #tpu.memory_space<vmem>>) target_semaphore(%run_scoped3A : memref<!tpu.dma_semaphore, #tpu.memory_space<semaphore_mem>>)
      %dma_wait3A = arith.constant 0 : i32
      %dma_wait3A_78 = arith.constant 0 : i32
      %dma_wait3A_79 = tpu.memref_slice %arg3[%add3A, %dma_wait3A, %dma_wait3A_78] : memref<32x80x125xi32, #tpu.memory_space<hbm>> -> memref<1x80x125xi32, #tpu.memory_space<hbm>>
      %dma_wait3A_80 = tpu.memref_squeeze %dma_wait3A_79 : memref<1x80x125xi32, #tpu.memory_space<hbm>> -> memref<80x125xi32, #tpu.memory_space<hbm>>
      %dma_wait3A_81 = arith.constant 0 : i32
      %dma_wait3A_82 = arith.constant 0 : i32
      %dma_wait3A_83 = tpu.memref_slice %arg3[%add3A, %dma_wait3A_81, %dma_wait3A_82] : memref<32x80x125xi32, #tpu.memory_space<hbm>> -> memref<1x80x125xi32, #tpu.memory_space<hbm>>
      %dma_wait3A_84 = tpu.memref_squeeze %dma_wait3A_83 : memref<1x80x125xi32, #tpu.memory_space<hbm>> -> memref<80x125xi32, #tpu.memory_space<hbm>>
      tpu.wait_dma2 semaphore(%run_scoped3A : memref<!tpu.dma_semaphore, #tpu.memory_space<semaphore_mem>>) src(%dma_wait3A_84 : memref<80x125xi32, #tpu.memory_space<hbm>>) dst(%arg7 : memref<80x125xi32, #tpu.memory_space<vmem>>)
      tpu.yield
    }) : () -> ()
    "tpu.region"() ({
      %run_scoped3A = tpu.sem_alloc : memref<!tpu.dma_semaphore, #tpu.memory_space<semaphore_mem>>
      %dma_start3A_70 = arith.constant 0 : i32
      %dma_start3A_71 = arith.constant 0 : i32
      %dma_start3A_72 = tpu.memref_slice %arg4[%add3A, %dma_start3A_70, %dma_start3A_71] : memref<32x80x125xi32, #tpu.memory_space<hbm>> -> memref<1x80x125xi32, #tpu.memory_space<hbm>>
      %dma_start3A_73 = tpu.memref_squeeze %dma_start3A_72 : memref<1x80x125xi32, #tpu.memory_space<hbm>> -> memref<80x125xi32, #tpu.memory_space<hbm>>
      %dma_start3A_74 = arith.constant 0 : i32
      %dma_start3A_75 = arith.constant 0 : i32
      %dma_start3A_76 = tpu.memref_slice %arg4[%add3A, %dma_start3A_74, %dma_start3A_75] : memref<32x80x125xi32, #tpu.memory_space<hbm>> -> memref<1x80x125xi32, #tpu.memory_space<hbm>>
      %dma_start3A_77 = tpu.memref_squeeze %dma_start3A_76 : memref<1x80x125xi32, #tpu.memory_space<hbm>> -> memref<80x125xi32, #tpu.memory_space<hbm>>
      tpu.enqueue_dma source(%dma_start3A_77 : memref<80x125xi32, #tpu.memory_space<hbm>>) target(%arg8 : memref<80x125xi32, #tpu.memory_space<vmem>>) target_semaphore(%run_scoped3A : memref<!tpu.dma_semaphore, #tpu.memory_space<semaphore_mem>>)
      %dma_wait3A = arith.constant 0 : i32
      %dma_wait3A_78 = arith.constant 0 : i32
      %dma_wait3A_79 = tpu.memref_slice %arg4[%add3A, %dma_wait3A, %dma_wait3A_78] : memref<32x80x125xi32, #tpu.memory_space<hbm>> -> memref<1x80x125xi32, #tpu.memory_space<hbm>>
      %dma_wait3A_80 = tpu.memref_squeeze %dma_wait3A_79 : memref<1x80x125xi32, #tpu.memory_space<hbm>> -> memref<80x125xi32, #tpu.memory_space<hbm>>
      %dma_wait3A_81 = arith.constant 0 : i32
      %dma_wait3A_82 = arith.constant 0 : i32
      %dma_wait3A_83 = tpu.memref_slice %arg4[%add3A, %dma_wait3A_81, %dma_wait3A_82] : memref<32x80x125xi32, #tpu.memory_space<hbm>> -> memref<1x80x125xi32, #tpu.memory_space<hbm>>
      %dma_wait3A_84 = tpu.memref_squeeze %dma_wait3A_83 : memref<1x80x125xi32, #tpu.memory_space<hbm>> -> memref<80x125xi32, #tpu.memory_space<hbm>>
      tpu.wait_dma2 semaphore(%run_scoped3A : memref<!tpu.dma_semaphore, #tpu.memory_space<semaphore_mem>>) src(%dma_wait3A_84 : memref<80x125xi32, #tpu.memory_space<hbm>>) dst(%arg8 : memref<80x125xi32, #tpu.memory_space<vmem>>)
      tpu.yield
    }) : () -> ()
    %barrier3A = arith.constant 0 : index
    tpu.barrier barrier_id(%barrier3A)
    %dma_start3A = arith.constant 0 : i32
    %dma_start3A_5 = arith.constant 0 : i32
    %dma_start3A_6 = tpu.memref_slice %arg7[%dma_start3A, %dma_start3A_5] : memref<80x125xi32, #tpu.memory_space<vmem>> -> memref<1x125xi32, #tpu.memory_space<vmem>>
    %dma_start3A_7 = tpu.memref_squeeze %dma_start3A_6 : memref<1x125xi32, #tpu.memory_space<vmem>> -> memref<125xi32, #tpu.memory_space<vmem>>
    %dma_start3A_8 = arith.constant 0 : i32
    %dma_start3A_9 = arith.constant 0 : i32
    %dma_start3A_10 = tpu.memref_slice %arg2[%dma_start3A_8, %dma_start3A_9] : memref<10240x16xf32, #tpu.memory_space<hbm>> -> memref<10240x16xf32, #tpu.memory_space<hbm>>
    tpu.enqueue_indirect_dma source(%dma_start3A_10 : memref<10240x16xf32, #tpu.memory_space<hbm>>) target(%arg10 : memref<125x16xf32, #tpu.memory_space<vmem>>) offsets(%dma_start3A_7 : memref<125xi32, #tpu.memory_space<vmem>>) semaphore(%arg18 : memref<!tpu.dma_semaphore, #tpu.memory_space<semaphore_mem>>)
    %dma_start3A_11 = arith.constant 1 : i32
    %dma_start3A_12 = arith.constant 0 : i32
    %dma_start3A_13 = tpu.memref_slice %arg7[%dma_start3A_11, %dma_start3A_12] : memref<80x125xi32, #tpu.memory_space<vmem>> -> memref<1x125xi32, #tpu.memory_space<vmem>>
    %dma_start3A_14 = tpu.memref_squeeze %dma_start3A_13 : memref<1x125xi32, #tpu.memory_space<vmem>> -> memref<125xi32, #tpu.memory_space<vmem>>
    %dma_start3A_15 = arith.constant 0 : i32
    %dma_start3A_16 = arith.constant 0 : i32
    %dma_start3A_17 = tpu.memref_slice %arg2[%dma_start3A_15, %dma_start3A_16] : memref<10240x16xf32, #tpu.memory_space<hbm>> -> memref<10240x16xf32, #tpu.memory_space<hbm>>
    tpu.enqueue_indirect_dma source(%dma_start3A_17 : memref<10240x16xf32, #tpu.memory_space<hbm>>) target(%arg11 : memref<125x16xf32, #tpu.memory_space<vmem>>) offsets(%dma_start3A_14 : memref<125xi32, #tpu.memory_space<vmem>>) semaphore(%arg19 : memref<!tpu.dma_semaphore, #tpu.memory_space<semaphore_mem>>)
    %dma_start3A_18 = arith.constant 2 : i32
    %dma_start3A_19 = arith.constant 0 : i32
    %dma_start3A_20 = tpu.memref_slice %arg7[%dma_start3A_18, %dma_start3A_19] : memref<80x125xi32, #tpu.memory_space<vmem>> -> memref<1x125xi32, #tpu.memory_space<vmem>>
    %dma_start3A_21 = tpu.memref_squeeze %dma_start3A_20 : memref<1x125xi32, #tpu.memory_space<vmem>> -> memref<125xi32, #tpu.memory_space<vmem>>
    %dma_start3A_22 = arith.constant 0 : i32
    %dma_start3A_23 = arith.constant 0 : i32
    %dma_start3A_24 = tpu.memref_slice %arg2[%dma_start3A_22, %dma_start3A_23] : memref<10240x16xf32, #tpu.memory_space<hbm>> -> memref<10240x16xf32, #tpu.memory_space<hbm>>
    tpu.enqueue_indirect_dma source(%dma_start3A_24 : memref<10240x16xf32, #tpu.memory_space<hbm>>) target(%arg12 : memref<125x16xf32, #tpu.memory_space<vmem>>) offsets(%dma_start3A_21 : memref<125xi32, #tpu.memory_space<vmem>>) semaphore(%arg20 : memref<!tpu.dma_semaphore, #tpu.memory_space<semaphore_mem>>)
    %dma_start3A_25 = arith.constant 3 : i32
    %dma_start3A_26 = arith.constant 0 : i32
    %dma_start3A_27 = tpu.memref_slice %arg7[%dma_start3A_25, %dma_start3A_26] : memref<80x125xi32, #tpu.memory_space<vmem>> -> memref<1x125xi32, #tpu.memory_space<vmem>>
    %dma_start3A_28 = tpu.memref_squeeze %dma_start3A_27 : memref<1x125xi32, #tpu.memory_space<vmem>> -> memref<125xi32, #tpu.memory_space<vmem>>
    %dma_start3A_29 = arith.constant 0 : i32
    %dma_start3A_30 = arith.constant 0 : i32
    %dma_start3A_31 = tpu.memref_slice %arg2[%dma_start3A_29, %dma_start3A_30] : memref<10240x16xf32, #tpu.memory_space<hbm>> -> memref<10240x16xf32, #tpu.memory_space<hbm>>
    tpu.enqueue_indirect_dma source(%dma_start3A_31 : memref<10240x16xf32, #tpu.memory_space<hbm>>) target(%arg13 : memref<125x16xf32, #tpu.memory_space<vmem>>) offsets(%dma_start3A_28 : memref<125xi32, #tpu.memory_space<vmem>>) semaphore(%arg21 : memref<!tpu.dma_semaphore, #tpu.memory_space<semaphore_mem>>)
    %dma_start3A_32 = arith.constant 4 : i32
    %dma_start3A_33 = arith.constant 0 : i32
    %dma_start3A_34 = tpu.memref_slice %arg7[%dma_start3A_32, %dma_start3A_33] : memref<80x125xi32, #tpu.memory_space<vmem>> -> memref<1x125xi32, #tpu.memory_space<vmem>>
    %dma_start3A_35 = tpu.memref_squeeze %dma_start3A_34 : memref<1x125xi32, #tpu.memory_space<vmem>> -> memref<125xi32, #tpu.memory_space<vmem>>
    %dma_start3A_36 = arith.constant 0 : i32
    %dma_start3A_37 = arith.constant 0 : i32
    %dma_start3A_38 = tpu.memref_slice %arg2[%dma_start3A_36, %dma_start3A_37] : memref<10240x16xf32, #tpu.memory_space<hbm>> -> memref<10240x16xf32, #tpu.memory_space<hbm>>
    tpu.enqueue_indirect_dma source(%dma_start3A_38 : memref<10240x16xf32, #tpu.memory_space<hbm>>) target(%arg14 : memref<125x16xf32, #tpu.memory_space<vmem>>) offsets(%dma_start3A_35 : memref<125xi32, #tpu.memory_space<vmem>>) semaphore(%arg22 : memref<!tpu.dma_semaphore, #tpu.memory_space<semaphore_mem>>)
    %dma_start3A_39 = arith.constant 5 : i32
    %dma_start3A_40 = arith.constant 0 : i32
    %dma_start3A_41 = tpu.memref_slice %arg7[%dma_start3A_39, %dma_start3A_40] : memref<80x125xi32, #tpu.memory_space<vmem>> -> memref<1x125xi32, #tpu.memory_space<vmem>>
    %dma_start3A_42 = tpu.memref_squeeze %dma_start3A_41 : memref<1x125xi32, #tpu.memory_space<vmem>> -> memref<125xi32, #tpu.memory_space<vmem>>
    %dma_start3A_43 = arith.constant 0 : i32
    %dma_start3A_44 = arith.constant 0 : i32
    %dma_start3A_45 = tpu.memref_slice %arg2[%dma_start3A_43, %dma_start3A_44] : memref<10240x16xf32, #tpu.memory_space<hbm>> -> memref<10240x16xf32, #tpu.memory_space<hbm>>
    tpu.enqueue_indirect_dma source(%dma_start3A_45 : memref<10240x16xf32, #tpu.memory_space<hbm>>) target(%arg15 : memref<125x16xf32, #tpu.memory_space<vmem>>) offsets(%dma_start3A_42 : memref<125xi32, #tpu.memory_space<vmem>>) semaphore(%arg23 : memref<!tpu.dma_semaphore, #tpu.memory_space<semaphore_mem>>)
    %dma_start3A_46 = arith.constant 6 : i32
    %dma_start3A_47 = arith.constant 0 : i32
    %dma_start3A_48 = tpu.memref_slice %arg7[%dma_start3A_46, %dma_start3A_47] : memref<80x125xi32, #tpu.memory_space<vmem>> -> memref<1x125xi32, #tpu.memory_space<vmem>>
    %dma_start3A_49 = tpu.memref_squeeze %dma_start3A_48 : memref<1x125xi32, #tpu.memory_space<vmem>> -> memref<125xi32, #tpu.memory_space<vmem>>
    %dma_start3A_50 = arith.constant 0 : i32
    %dma_start3A_51 = arith.constant 0 : i32
    %dma_start3A_52 = tpu.memref_slice %arg2[%dma_start3A_50, %dma_start3A_51] : memref<10240x16xf32, #tpu.memory_space<hbm>> -> memref<10240x16xf32, #tpu.memory_space<hbm>>
    tpu.enqueue_indirect_dma source(%dma_start3A_52 : memref<10240x16xf32, #tpu.memory_space<hbm>>) target(%arg16 : memref<125x16xf32, #tpu.memory_space<vmem>>) offsets(%dma_start3A_49 : memref<125xi32, #tpu.memory_space<vmem>>) semaphore(%arg24 : memref<!tpu.dma_semaphore, #tpu.memory_space<semaphore_mem>>)
    %dma_start3A_53 = arith.constant 7 : i32
    %dma_start3A_54 = arith.constant 0 : i32
    %dma_start3A_55 = tpu.memref_slice %arg7[%dma_start3A_53, %dma_start3A_54] : memref<80x125xi32, #tpu.memory_space<vmem>> -> memref<1x125xi32, #tpu.memory_space<vmem>>
    %dma_start3A_56 = tpu.memref_squeeze %dma_start3A_55 : memref<1x125xi32, #tpu.memory_space<vmem>> -> memref<125xi32, #tpu.memory_space<vmem>>
    %dma_start3A_57 = arith.constant 0 : i32
    %dma_start3A_58 = arith.constant 0 : i32
    %dma_start3A_59 = tpu.memref_slice %arg2[%dma_start3A_57, %dma_start3A_58] : memref<10240x16xf32, #tpu.memory_space<hbm>> -> memref<10240x16xf32, #tpu.memory_space<hbm>>
    tpu.enqueue_indirect_dma source(%dma_start3A_59 : memref<10240x16xf32, #tpu.memory_space<hbm>>) target(%arg17 : memref<125x16xf32, #tpu.memory_space<vmem>>) offsets(%dma_start3A_56 : memref<125xi32, #tpu.memory_space<vmem>>) semaphore(%arg25 : memref<!tpu.dma_semaphore, #tpu.memory_space<semaphore_mem>>)
    %scan3A = arith.constant 0 : i32
    %scan3A_60 = arith.constant 0 : i32
    %scan3A_61 = arith.constant 10 : i32
    %scan3A_62 = arith.addi %scan3A_60, %scan3A_61 : i32
    %scan3A_63 = arith.constant 1 : i32
    scf.for %scan3A_70 = %scan3A_60 to %scan3A_62 step %scan3A_63  : i32 {
      %dma_wait3A = arith.constant 0 : i32
      %dma_wait3A_71 = arith.constant 0 : i32
      %dma_wait3A_72 = tpu.memref_slice %arg7[%dma_wait3A, %dma_wait3A_71] : memref<80x125xi32, #tpu.memory_space<vmem>> -> memref<1x125xi32, #tpu.memory_space<vmem>>
      %dma_wait3A_73 = tpu.memref_squeeze %dma_wait3A_72 : memref<1x125xi32, #tpu.memory_space<vmem>> -> memref<125xi32, #tpu.memory_space<vmem>>
      %dma_wait3A_74 = arith.constant 0 : i32
      %dma_wait3A_75 = arith.constant 0 : i32
      %dma_wait3A_76 = tpu.memref_slice %arg2[%dma_wait3A_74, %dma_wait3A_75] : memref<10240x16xf32, #tpu.memory_space<hbm>> -> memref<10240x16xf32, #tpu.memory_space<hbm>>
      tpu.wait_indirect_dma semaphore(%arg18 : memref<!tpu.dma_semaphore, #tpu.memory_space<semaphore_mem>>) src(%dma_wait3A_76 : memref<10240x16xf32, #tpu.memory_space<hbm>>) dst(%arg10 : memref<125x16xf32, #tpu.memory_space<vmem>>)
      %mul3A_77 = arith.constant 8 : i32
      %mul3A_78 = arith.muli %scan3A_70, %mul3A_77 : i32
      %add3A_79 = arith.constant 0 : i32
      %add3A_80 = arith.addi %mul3A_78, %add3A_79 : i32
      %dma_start3A_81 = arith.constant 0 : i32
      %dma_start3A_82 = tpu.memref_slice %arg8[%add3A_80, %dma_start3A_81] : memref<80x125xi32, #tpu.memory_space<vmem>> -> memref<1x125xi32, #tpu.memory_space<vmem>>
      %dma_start3A_83 = tpu.memref_squeeze %dma_start3A_82 : memref<1x125xi32, #tpu.memory_space<vmem>> -> memref<125xi32, #tpu.memory_space<vmem>>
      %dma_start3A_84 = arith.constant 0 : i32
      %dma_start3A_85 = arith.constant 0 : i32
      %dma_start3A_86 = tpu.memref_slice %arg9[%dma_start3A_84, %dma_start3A_85] : memref<10240x16xf32, #tpu.memory_space<vmem_shared>> -> memref<10240x16xf32, #tpu.memory_space<vmem_shared>>
      tpu.enqueue_indirect_dma source(%arg10 : memref<125x16xf32, #tpu.memory_space<vmem>>) target(%dma_start3A_86 : memref<10240x16xf32, #tpu.memory_space<vmem_shared>>) offsets(%dma_start3A_83 : memref<125xi32, #tpu.memory_space<vmem>>) semaphore(%arg26 : memref<!tpu.dma_semaphore, #tpu.memory_space<semaphore_mem>>) {add = true}
      %dma_wait3A_87 = arith.constant 0 : i32
      %dma_wait3A_88 = arith.constant 0 : i32
      %dma_wait3A_89 = tpu.memref_slice %arg7[%dma_wait3A_87, %dma_wait3A_88] : memref<80x125xi32, #tpu.memory_space<vmem>> -> memref<1x125xi32, #tpu.memory_space<vmem>>
      %dma_wait3A_90 = tpu.memref_squeeze %dma_wait3A_89 : memref<1x125xi32, #tpu.memory_space<vmem>> -> memref<125xi32, #tpu.memory_space<vmem>>
      %dma_wait3A_91 = arith.constant 0 : i32
      %dma_wait3A_92 = arith.constant 0 : i32
      %dma_wait3A_93 = tpu.memref_slice %arg2[%dma_wait3A_91, %dma_wait3A_92] : memref<10240x16xf32, #tpu.memory_space<hbm>> -> memref<10240x16xf32, #tpu.memory_space<hbm>>
      tpu.wait_indirect_dma semaphore(%arg19 : memref<!tpu.dma_semaphore, #tpu.memory_space<semaphore_mem>>) src(%dma_wait3A_93 : memref<10240x16xf32, #tpu.memory_space<hbm>>) dst(%arg11 : memref<125x16xf32, #tpu.memory_space<vmem>>)
      %mul3A_94 = arith.constant 8 : i32
      %mul3A_95 = arith.muli %scan3A_70, %mul3A_94 : i32
      %add3A_96 = arith.constant 1 : i32
      %add3A_97 = arith.addi %mul3A_95, %add3A_96 : i32
      %dma_start3A_98 = arith.constant 0 : i32
      %dma_start3A_99 = tpu.memref_slice %arg8[%add3A_97, %dma_start3A_98] : memref<80x125xi32, #tpu.memory_space<vmem>> -> memref<1x125xi32, #tpu.memory_space<vmem>>
      %dma_start3A_100 = tpu.memref_squeeze %dma_start3A_99 : memref<1x125xi32, #tpu.memory_space<vmem>> -> memref<125xi32, #tpu.memory_space<vmem>>
      %dma_start3A_101 = arith.constant 0 : i32
      %dma_start3A_102 = arith.constant 0 : i32
      %dma_start3A_103 = tpu.memref_slice %arg9[%dma_start3A_101, %dma_start3A_102] : memref<10240x16xf32, #tpu.memory_space<vmem_shared>> -> memref<10240x16xf32, #tpu.memory_space<vmem_shared>>
      tpu.enqueue_indirect_dma source(%arg11 : memref<125x16xf32, #tpu.memory_space<vmem>>) target(%dma_start3A_103 : memref<10240x16xf32, #tpu.memory_space<vmem_shared>>) offsets(%dma_start3A_100 : memref<125xi32, #tpu.memory_space<vmem>>) semaphore(%arg27 : memref<!tpu.dma_semaphore, #tpu.memory_space<semaphore_mem>>) {add = true}
      %dma_wait3A_104 = arith.constant 0 : i32
      %dma_wait3A_105 = arith.constant 0 : i32
      %dma_wait3A_106 = tpu.memref_slice %arg7[%dma_wait3A_104, %dma_wait3A_105] : memref<80x125xi32, #tpu.memory_space<vmem>> -> memref<1x125xi32, #tpu.memory_space<vmem>>
      %dma_wait3A_107 = tpu.memref_squeeze %dma_wait3A_106 : memref<1x125xi32, #tpu.memory_space<vmem>> -> memref<125xi32, #tpu.memory_space<vmem>>
      %dma_wait3A_108 = arith.constant 0 : i32
      %dma_wait3A_109 = arith.constant 0 : i32
      %dma_wait3A_110 = tpu.memref_slice %arg2[%dma_wait3A_108, %dma_wait3A_109] : memref<10240x16xf32, #tpu.memory_space<hbm>> -> memref<10240x16xf32, #tpu.memory_space<hbm>>
      tpu.wait_indirect_dma semaphore(%arg20 : memref<!tpu.dma_semaphore, #tpu.memory_space<semaphore_mem>>) src(%dma_wait3A_110 : memref<10240x16xf32, #tpu.memory_space<hbm>>) dst(%arg12 : memref<125x16xf32, #tpu.memory_space<vmem>>)
      %mul3A_111 = arith.constant 8 : i32
      %mul3A_112 = arith.muli %scan3A_70, %mul3A_111 : i32
      %add3A_113 = arith.constant 2 : i32
      %add3A_114 = arith.addi %mul3A_112, %add3A_113 : i32
      %dma_start3A_115 = arith.constant 0 : i32
      %dma_start3A_116 = tpu.memref_slice %arg8[%add3A_114, %dma_start3A_115] : memref<80x125xi32, #tpu.memory_space<vmem>> -> memref<1x125xi32, #tpu.memory_space<vmem>>
      %dma_start3A_117 = tpu.memref_squeeze %dma_start3A_116 : memref<1x125xi32, #tpu.memory_space<vmem>> -> memref<125xi32, #tpu.memory_space<vmem>>
      %dma_start3A_118 = arith.constant 0 : i32
      %dma_start3A_119 = arith.constant 0 : i32
      %dma_start3A_120 = tpu.memref_slice %arg9[%dma_start3A_118, %dma_start3A_119] : memref<10240x16xf32, #tpu.memory_space<vmem_shared>> -> memref<10240x16xf32, #tpu.memory_space<vmem_shared>>
      tpu.enqueue_indirect_dma source(%arg12 : memref<125x16xf32, #tpu.memory_space<vmem>>) target(%dma_start3A_120 : memref<10240x16xf32, #tpu.memory_space<vmem_shared>>) offsets(%dma_start3A_117 : memref<125xi32, #tpu.memory_space<vmem>>) semaphore(%arg28 : memref<!tpu.dma_semaphore, #tpu.memory_space<semaphore_mem>>) {add = true}
      %dma_wait3A_121 = arith.constant 0 : i32
      %dma_wait3A_122 = arith.constant 0 : i32
      %dma_wait3A_123 = tpu.memref_slice %arg7[%dma_wait3A_121, %dma_wait3A_122] : memref<80x125xi32, #tpu.memory_space<vmem>> -> memref<1x125xi32, #tpu.memory_space<vmem>>
      %dma_wait3A_124 = tpu.memref_squeeze %dma_wait3A_123 : memref<1x125xi32, #tpu.memory_space<vmem>> -> memref<125xi32, #tpu.memory_space<vmem>>
      %dma_wait3A_125 = arith.constant 0 : i32
      %dma_wait3A_126 = arith.constant 0 : i32
      %dma_wait3A_127 = tpu.memref_slice %arg2[%dma_wait3A_125, %dma_wait3A_126] : memref<10240x16xf32, #tpu.memory_space<hbm>> -> memref<10240x16xf32, #tpu.memory_space<hbm>>
      tpu.wait_indirect_dma semaphore(%arg21 : memref<!tpu.dma_semaphore, #tpu.memory_space<semaphore_mem>>) src(%dma_wait3A_127 : memref<10240x16xf32, #tpu.memory_space<hbm>>) dst(%arg13 : memref<125x16xf32, #tpu.memory_space<vmem>>)
      %mul3A_128 = arith.constant 8 : i32
      %mul3A_129 = arith.muli %scan3A_70, %mul3A_128 : i32
      %add3A_130 = arith.constant 3 : i32
      %add3A_131 = arith.addi %mul3A_129, %add3A_130 : i32
      %dma_start3A_132 = arith.constant 0 : i32
      %dma_start3A_133 = tpu.memref_slice %arg8[%add3A_131, %dma_start3A_132] : memref<80x125xi32, #tpu.memory_space<vmem>> -> memref<1x125xi32, #tpu.memory_space<vmem>>
      %dma_start3A_134 = tpu.memref_squeeze %dma_start3A_133 : memref<1x125xi32, #tpu.memory_space<vmem>> -> memref<125xi32, #tpu.memory_space<vmem>>
      %dma_start3A_135 = arith.constant 0 : i32
      %dma_start3A_136 = arith.constant 0 : i32
      %dma_start3A_137 = tpu.memref_slice %arg9[%dma_start3A_135, %dma_start3A_136] : memref<10240x16xf32, #tpu.memory_space<vmem_shared>> -> memref<10240x16xf32, #tpu.memory_space<vmem_shared>>
      tpu.enqueue_indirect_dma source(%arg13 : memref<125x16xf32, #tpu.memory_space<vmem>>) target(%dma_start3A_137 : memref<10240x16xf32, #tpu.memory_space<vmem_shared>>) offsets(%dma_start3A_134 : memref<125xi32, #tpu.memory_space<vmem>>) semaphore(%arg29 : memref<!tpu.dma_semaphore, #tpu.memory_space<semaphore_mem>>) {add = true}
      %dma_wait3A_138 = arith.constant 0 : i32
      %dma_wait3A_139 = arith.constant 0 : i32
      %dma_wait3A_140 = tpu.memref_slice %arg7[%dma_wait3A_138, %dma_wait3A_139] : memref<80x125xi32, #tpu.memory_space<vmem>> -> memref<1x125xi32, #tpu.memory_space<vmem>>
      %dma_wait3A_141 = tpu.memref_squeeze %dma_wait3A_140 : memref<1x125xi32, #tpu.memory_space<vmem>> -> memref<125xi32, #tpu.memory_space<vmem>>
      %dma_wait3A_142 = arith.constant 0 : i32
      %dma_wait3A_143 = arith.constant 0 : i32
      %dma_wait3A_144 = tpu.memref_slice %arg2[%dma_wait3A_142, %dma_wait3A_143] : memref<10240x16xf32, #tpu.memory_space<hbm>> -> memref<10240x16xf32, #tpu.memory_space<hbm>>
      tpu.wait_indirect_dma semaphore(%arg22 : memref<!tpu.dma_semaphore, #tpu.memory_space<semaphore_mem>>) src(%dma_wait3A_144 : memref<10240x16xf32, #tpu.memory_space<hbm>>) dst(%arg14 : memref<125x16xf32, #tpu.memory_space<vmem>>)
      %mul3A_145 = arith.constant 8 : i32
      %mul3A_146 = arith.muli %scan3A_70, %mul3A_145 : i32
      %add3A_147 = arith.constant 4 : i32
      %add3A_148 = arith.addi %mul3A_146, %add3A_147 : i32
      %dma_start3A_149 = arith.constant 0 : i32
      %dma_start3A_150 = tpu.memref_slice %arg8[%add3A_148, %dma_start3A_149] : memref<80x125xi32, #tpu.memory_space<vmem>> -> memref<1x125xi32, #tpu.memory_space<vmem>>
      %dma_start3A_151 = tpu.memref_squeeze %dma_start3A_150 : memref<1x125xi32, #tpu.memory_space<vmem>> -> memref<125xi32, #tpu.memory_space<vmem>>
      %dma_start3A_152 = arith.constant 0 : i32
      %dma_start3A_153 = arith.constant 0 : i32
      %dma_start3A_154 = tpu.memref_slice %arg9[%dma_start3A_152, %dma_start3A_153] : memref<10240x16xf32, #tpu.memory_space<vmem_shared>> -> memref<10240x16xf32, #tpu.memory_space<vmem_shared>>
      tpu.enqueue_indirect_dma source(%arg14 : memref<125x16xf32, #tpu.memory_space<vmem>>) target(%dma_start3A_154 : memref<10240x16xf32, #tpu.memory_space<vmem_shared>>) offsets(%dma_start3A_151 : memref<125xi32, #tpu.memory_space<vmem>>) semaphore(%arg30 : memref<!tpu.dma_semaphore, #tpu.memory_space<semaphore_mem>>) {add = true}
      %dma_wait3A_155 = arith.constant 0 : i32
      %dma_wait3A_156 = arith.constant 0 : i32
      %dma_wait3A_157 = tpu.memref_slice %arg7[%dma_wait3A_155, %dma_wait3A_156] : memref<80x125xi32, #tpu.memory_space<vmem>> -> memref<1x125xi32, #tpu.memory_space<vmem>>
      %dma_wait3A_158 = tpu.memref_squeeze %dma_wait3A_157 : memref<1x125xi32, #tpu.memory_space<vmem>> -> memref<125xi32, #tpu.memory_space<vmem>>
      %dma_wait3A_159 = arith.constant 0 : i32
      %dma_wait3A_160 = arith.constant 0 : i32
      %dma_wait3A_161 = tpu.memref_slice %arg2[%dma_wait3A_159, %dma_wait3A_160] : memref<10240x16xf32, #tpu.memory_space<hbm>> -> memref<10240x16xf32, #tpu.memory_space<hbm>>
      tpu.wait_indirect_dma semaphore(%arg23 : memref<!tpu.dma_semaphore, #tpu.memory_space<semaphore_mem>>) src(%dma_wait3A_161 : memref<10240x16xf32, #tpu.memory_space<hbm>>) dst(%arg15 : memref<125x16xf32, #tpu.memory_space<vmem>>)
      %mul3A_162 = arith.constant 8 : i32
      %mul3A_163 = arith.muli %scan3A_70, %mul3A_162 : i32
      %add3A_164 = arith.constant 5 : i32
      %add3A_165 = arith.addi %mul3A_163, %add3A_164 : i32
      %dma_start3A_166 = arith.constant 0 : i32
      %dma_start3A_167 = tpu.memref_slice %arg8[%add3A_165, %dma_start3A_166] : memref<80x125xi32, #tpu.memory_space<vmem>> -> memref<1x125xi32, #tpu.memory_space<vmem>>
      %dma_start3A_168 = tpu.memref_squeeze %dma_start3A_167 : memref<1x125xi32, #tpu.memory_space<vmem>> -> memref<125xi32, #tpu.memory_space<vmem>>
      %dma_start3A_169 = arith.constant 0 : i32
      %dma_start3A_170 = arith.constant 0 : i32
      %dma_start3A_171 = tpu.memref_slice %arg9[%dma_start3A_169, %dma_start3A_170] : memref<10240x16xf32, #tpu.memory_space<vmem_shared>> -> memref<10240x16xf32, #tpu.memory_space<vmem_shared>>
      tpu.enqueue_indirect_dma source(%arg15 : memref<125x16xf32, #tpu.memory_space<vmem>>) target(%dma_start3A_171 : memref<10240x16xf32, #tpu.memory_space<vmem_shared>>) offsets(%dma_start3A_168 : memref<125xi32, #tpu.memory_space<vmem>>) semaphore(%arg31 : memref<!tpu.dma_semaphore, #tpu.memory_space<semaphore_mem>>) {add = true}
      %dma_wait3A_172 = arith.constant 0 : i32
      %dma_wait3A_173 = arith.constant 0 : i32
      %dma_wait3A_174 = tpu.memref_slice %arg7[%dma_wait3A_172, %dma_wait3A_173] : memref<80x125xi32, #tpu.memory_space<vmem>> -> memref<1x125xi32, #tpu.memory_space<vmem>>
      %dma_wait3A_175 = tpu.memref_squeeze %dma_wait3A_174 : memref<1x125xi32, #tpu.memory_space<vmem>> -> memref<125xi32, #tpu.memory_space<vmem>>
      %dma_wait3A_176 = arith.constant 0 : i32
      %dma_wait3A_177 = arith.constant 0 : i32
      %dma_wait3A_178 = tpu.memref_slice %arg2[%dma_wait3A_176, %dma_wait3A_177] : memref<10240x16xf32, #tpu.memory_space<hbm>> -> memref<10240x16xf32, #tpu.memory_space<hbm>>
      tpu.wait_indirect_dma semaphore(%arg24 : memref<!tpu.dma_semaphore, #tpu.memory_space<semaphore_mem>>) src(%dma_wait3A_178 : memref<10240x16xf32, #tpu.memory_space<hbm>>) dst(%arg16 : memref<125x16xf32, #tpu.memory_space<vmem>>)
      %mul3A_179 = arith.constant 8 : i32
      %mul3A_180 = arith.muli %scan3A_70, %mul3A_179 : i32
      %add3A_181 = arith.constant 6 : i32
      %add3A_182 = arith.addi %mul3A_180, %add3A_181 : i32
      %dma_start3A_183 = arith.constant 0 : i32
      %dma_start3A_184 = tpu.memref_slice %arg8[%add3A_182, %dma_start3A_183] : memref<80x125xi32, #tpu.memory_space<vmem>> -> memref<1x125xi32, #tpu.memory_space<vmem>>
      %dma_start3A_185 = tpu.memref_squeeze %dma_start3A_184 : memref<1x125xi32, #tpu.memory_space<vmem>> -> memref<125xi32, #tpu.memory_space<vmem>>
      %dma_start3A_186 = arith.constant 0 : i32
      %dma_start3A_187 = arith.constant 0 : i32
      %dma_start3A_188 = tpu.memref_slice %arg9[%dma_start3A_186, %dma_start3A_187] : memref<10240x16xf32, #tpu.memory_space<vmem_shared>> -> memref<10240x16xf32, #tpu.memory_space<vmem_shared>>
      tpu.enqueue_indirect_dma source(%arg16 : memref<125x16xf32, #tpu.memory_space<vmem>>) target(%dma_start3A_188 : memref<10240x16xf32, #tpu.memory_space<vmem_shared>>) offsets(%dma_start3A_185 : memref<125xi32, #tpu.memory_space<vmem>>) semaphore(%arg32 : memref<!tpu.dma_semaphore, #tpu.memory_space<semaphore_mem>>) {add = true}
      %dma_wait3A_189 = arith.constant 0 : i32
      %dma_wait3A_190 = arith.constant 0 : i32
      %dma_wait3A_191 = tpu.memref_slice %arg7[%dma_wait3A_189, %dma_wait3A_190] : memref<80x125xi32, #tpu.memory_space<vmem>> -> memref<1x125xi32, #tpu.memory_space<vmem>>
      %dma_wait3A_192 = tpu.memref_squeeze %dma_wait3A_191 : memref<1x125xi32, #tpu.memory_space<vmem>> -> memref<125xi32, #tpu.memory_space<vmem>>
      %dma_wait3A_193 = arith.constant 0 : i32
      %dma_wait3A_194 = arith.constant 0 : i32
      %dma_wait3A_195 = tpu.memref_slice %arg2[%dma_wait3A_193, %dma_wait3A_194] : memref<10240x16xf32, #tpu.memory_space<hbm>> -> memref<10240x16xf32, #tpu.memory_space<hbm>>
      tpu.wait_indirect_dma semaphore(%arg25 : memref<!tpu.dma_semaphore, #tpu.memory_space<semaphore_mem>>) src(%dma_wait3A_195 : memref<10240x16xf32, #tpu.memory_space<hbm>>) dst(%arg17 : memref<125x16xf32, #tpu.memory_space<vmem>>)
      %mul3A_196 = arith.constant 8 : i32
      %mul3A_197 = arith.muli %scan3A_70, %mul3A_196 : i32
      %add3A_198 = arith.constant 7 : i32
      %add3A_199 = arith.addi %mul3A_197, %add3A_198 : i32
      %dma_start3A_200 = arith.constant 0 : i32
      %dma_start3A_201 = tpu.memref_slice %arg8[%add3A_199, %dma_start3A_200] : memref<80x125xi32, #tpu.memory_space<vmem>> -> memref<1x125xi32, #tpu.memory_space<vmem>>
      %dma_start3A_202 = tpu.memref_squeeze %dma_start3A_201 : memref<1x125xi32, #tpu.memory_space<vmem>> -> memref<125xi32, #tpu.memory_space<vmem>>
      %dma_start3A_203 = arith.constant 0 : i32
      %dma_start3A_204 = arith.constant 0 : i32
      %dma_start3A_205 = tpu.memref_slice %arg9[%dma_start3A_203, %dma_start3A_204] : memref<10240x16xf32, #tpu.memory_space<vmem_shared>> -> memref<10240x16xf32, #tpu.memory_space<vmem_shared>>
      tpu.enqueue_indirect_dma source(%arg17 : memref<125x16xf32, #tpu.memory_space<vmem>>) target(%dma_start3A_205 : memref<10240x16xf32, #tpu.memory_space<vmem_shared>>) offsets(%dma_start3A_202 : memref<125xi32, #tpu.memory_space<vmem>>) semaphore(%arg33 : memref<!tpu.dma_semaphore, #tpu.memory_space<semaphore_mem>>) {add = true}
      %dma_wait3A_206 = arith.constant 0 : i32
      %dma_wait3A_207 = arith.constant 0 : i32
      %dma_wait3A_208 = tpu.memref_slice %arg8[%dma_wait3A_206, %dma_wait3A_207] : memref<80x125xi32, #tpu.memory_space<vmem>> -> memref<1x125xi32, #tpu.memory_space<vmem>>
      %dma_wait3A_209 = tpu.memref_squeeze %dma_wait3A_208 : memref<1x125xi32, #tpu.memory_space<vmem>> -> memref<125xi32, #tpu.memory_space<vmem>>
      %dma_wait3A_210 = arith.constant 0 : i32
      %dma_wait3A_211 = arith.constant 0 : i32
      %dma_wait3A_212 = tpu.memref_slice %arg9[%dma_wait3A_210, %dma_wait3A_211] : memref<10240x16xf32, #tpu.memory_space<vmem_shared>> -> memref<10240x16xf32, #tpu.memory_space<vmem_shared>>
      tpu.wait_indirect_dma semaphore(%arg26 : memref<!tpu.dma_semaphore, #tpu.memory_space<semaphore_mem>>) src(%arg10 : memref<125x16xf32, #tpu.memory_space<vmem>>) dst(%dma_wait3A_212 : memref<10240x16xf32, #tpu.memory_space<vmem_shared>>)
      %add3A_213 = arith.constant 1 : i32
      %add3A_214 = arith.addi %scan3A_70, %add3A_213 : i32
      %mul3A_215 = arith.constant 8 : i32
      %mul3A_216 = arith.muli %add3A_214, %mul3A_215 : i32
      %add3A_217 = arith.constant 0 : i32
      %add3A_218 = arith.addi %mul3A_216, %add3A_217 : i32
      %lt3A = arith.constant 80 : i32
      %lt3A_219 = arith.cmpi slt, %add3A_218, %lt3A : i32
      %convert_element_type3A = arith.extui %lt3A_219 : i1 to i32
      %cond3A = arith.constant 0 : i32
      %cond3A_220 = arith.cmpi ne, %convert_element_type3A, %cond3A : i32
      scf.if %cond3A_220 {
        %dma_start3A_347 = arith.constant 0 : i32
        %dma_start3A_348 = tpu.memref_slice %arg7[%add3A_218, %dma_start3A_347] : memref<80x125xi32, #tpu.memory_space<vmem>> -> memref<1x125xi32, #tpu.memory_space<vmem>>
        %dma_start3A_349 = tpu.memref_squeeze %dma_start3A_348 : memref<1x125xi32, #tpu.memory_space<vmem>> -> memref<125xi32, #tpu.memory_space<vmem>>
        %dma_start3A_350 = arith.constant 0 : i32
        %dma_start3A_351 = arith.constant 0 : i32
        %dma_start3A_352 = tpu.memref_slice %arg2[%dma_start3A_350, %dma_start3A_351] : memref<10240x16xf32, #tpu.memory_space<hbm>> -> memref<10240x16xf32, #tpu.memory_space<hbm>>
        tpu.enqueue_indirect_dma source(%dma_start3A_352 : memref<10240x16xf32, #tpu.memory_space<hbm>>) target(%arg10 : memref<125x16xf32, #tpu.memory_space<vmem>>) offsets(%dma_start3A_349 : memref<125xi32, #tpu.memory_space<vmem>>) semaphore(%arg18 : memref<!tpu.dma_semaphore, #tpu.memory_space<semaphore_mem>>)
      } else {
      }
      %dma_wait3A_221 = arith.constant 0 : i32
      %dma_wait3A_222 = arith.constant 0 : i32
      %dma_wait3A_223 = tpu.memref_slice %arg8[%dma_wait3A_221, %dma_wait3A_222] : memref<80x125xi32, #tpu.memory_space<vmem>> -> memref<1x125xi32, #tpu.memory_space<vmem>>
      %dma_wait3A_224 = tpu.memref_squeeze %dma_wait3A_223 : memref<1x125xi32, #tpu.memory_space<vmem>> -> memref<125xi32, #tpu.memory_space<vmem>>
      %dma_wait3A_225 = arith.constant 0 : i32
      %dma_wait3A_226 = arith.constant 0 : i32
      %dma_wait3A_227 = tpu.memref_slice %arg9[%dma_wait3A_225, %dma_wait3A_226] : memref<10240x16xf32, #tpu.memory_space<vmem_shared>> -> memref<10240x16xf32, #tpu.memory_space<vmem_shared>>
      tpu.wait_indirect_dma semaphore(%arg27 : memref<!tpu.dma_semaphore, #tpu.memory_space<semaphore_mem>>) src(%arg11 : memref<125x16xf32, #tpu.memory_space<vmem>>) dst(%dma_wait3A_227 : memref<10240x16xf32, #tpu.memory_space<vmem_shared>>)
      %add3A_228 = arith.constant 1 : i32
      %add3A_229 = arith.addi %scan3A_70, %add3A_228 : i32
      %mul3A_230 = arith.constant 8 : i32
      %mul3A_231 = arith.muli %add3A_229, %mul3A_230 : i32
      %add3A_232 = arith.constant 1 : i32
      %add3A_233 = arith.addi %mul3A_231, %add3A_232 : i32
      %lt3A_234 = arith.constant 80 : i32
      %lt3A_235 = arith.cmpi slt, %add3A_233, %lt3A_234 : i32
      %convert_element_type3A_236 = arith.extui %lt3A_235 : i1 to i32
      %cond3A_237 = arith.constant 0 : i32
      %cond3A_238 = arith.cmpi ne, %convert_element_type3A_236, %cond3A_237 : i32
      scf.if %cond3A_238 {
        %dma_start3A_347 = arith.constant 0 : i32
        %dma_start3A_348 = tpu.memref_slice %arg7[%add3A_233, %dma_start3A_347] : memref<80x125xi32, #tpu.memory_space<vmem>> -> memref<1x125xi32, #tpu.memory_space<vmem>>
        %dma_start3A_349 = tpu.memref_squeeze %dma_start3A_348 : memref<1x125xi32, #tpu.memory_space<vmem>> -> memref<125xi32, #tpu.memory_space<vmem>>
        %dma_start3A_350 = arith.constant 0 : i32
        %dma_start3A_351 = arith.constant 0 : i32
        %dma_start3A_352 = tpu.memref_slice %arg2[%dma_start3A_350, %dma_start3A_351] : memref<10240x16xf32, #tpu.memory_space<hbm>> -> memref<10240x16xf32, #tpu.memory_space<hbm>>
        tpu.enqueue_indirect_dma source(%dma_start3A_352 : memref<10240x16xf32, #tpu.memory_space<hbm>>) target(%arg11 : memref<125x16xf32, #tpu.memory_space<vmem>>) offsets(%dma_start3A_349 : memref<125xi32, #tpu.memory_space<vmem>>) semaphore(%arg19 : memref<!tpu.dma_semaphore, #tpu.memory_space<semaphore_mem>>)
      } else {
      }
      %dma_wait3A_239 = arith.constant 0 : i32
      %dma_wait3A_240 = arith.constant 0 : i32
      %dma_wait3A_241 = tpu.memref_slice %arg8[%dma_wait3A_239, %dma_wait3A_240] : memref<80x125xi32, #tpu.memory_space<vmem>> -> memref<1x125xi32, #tpu.memory_space<vmem>>
      %dma_wait3A_242 = tpu.memref_squeeze %dma_wait3A_241 : memref<1x125xi32, #tpu.memory_space<vmem>> -> memref<125xi32, #tpu.memory_space<vmem>>
      %dma_wait3A_243 = arith.constant 0 : i32
      %dma_wait3A_244 = arith.constant 0 : i32
      %dma_wait3A_245 = tpu.memref_slice %arg9[%dma_wait3A_243, %dma_wait3A_244] : memref<10240x16xf32, #tpu.memory_space<vmem_shared>> -> memref<10240x16xf32, #tpu.memory_space<vmem_shared>>
      tpu.wait_indirect_dma semaphore(%arg28 : memref<!tpu.dma_semaphore, #tpu.memory_space<semaphore_mem>>) src(%arg12 : memref<125x16xf32, #tpu.memory_space<vmem>>) dst(%dma_wait3A_245 : memref<10240x16xf32, #tpu.memory_space<vmem_shared>>)
      %add3A_246 = arith.constant 1 : i32
      %add3A_247 = arith.addi %scan3A_70, %add3A_246 : i32
      %mul3A_248 = arith.constant 8 : i32
      %mul3A_249 = arith.muli %add3A_247, %mul3A_248 : i32
      %add3A_250 = arith.constant 2 : i32
      %add3A_251 = arith.addi %mul3A_249, %add3A_250 : i32
      %lt3A_252 = arith.constant 80 : i32
      %lt3A_253 = arith.cmpi slt, %add3A_251, %lt3A_252 : i32
      %convert_element_type3A_254 = arith.extui %lt3A_253 : i1 to i32
      %cond3A_255 = arith.constant 0 : i32
      %cond3A_256 = arith.cmpi ne, %convert_element_type3A_254, %cond3A_255 : i32
      scf.if %cond3A_256 {
        %dma_start3A_347 = arith.constant 0 : i32
        %dma_start3A_348 = tpu.memref_slice %arg7[%add3A_251, %dma_start3A_347] : memref<80x125xi32, #tpu.memory_space<vmem>> -> memref<1x125xi32, #tpu.memory_space<vmem>>
        %dma_start3A_349 = tpu.memref_squeeze %dma_start3A_348 : memref<1x125xi32, #tpu.memory_space<vmem>> -> memref<125xi32, #tpu.memory_space<vmem>>
        %dma_start3A_350 = arith.constant 0 : i32
        %dma_start3A_351 = arith.constant 0 : i32
        %dma_start3A_352 = tpu.memref_slice %arg2[%dma_start3A_350, %dma_start3A_351] : memref<10240x16xf32, #tpu.memory_space<hbm>> -> memref<10240x16xf32, #tpu.memory_space<hbm>>
        tpu.enqueue_indirect_dma source(%dma_start3A_352 : memref<10240x16xf32, #tpu.memory_space<hbm>>) target(%arg12 : memref<125x16xf32, #tpu.memory_space<vmem>>) offsets(%dma_start3A_349 : memref<125xi32, #tpu.memory_space<vmem>>) semaphore(%arg20 : memref<!tpu.dma_semaphore, #tpu.memory_space<semaphore_mem>>)
      } else {
      }
      %dma_wait3A_257 = arith.constant 0 : i32
      %dma_wait3A_258 = arith.constant 0 : i32
      %dma_wait3A_259 = tpu.memref_slice %arg8[%dma_wait3A_257, %dma_wait3A_258] : memref<80x125xi32, #tpu.memory_space<vmem>> -> memref<1x125xi32, #tpu.memory_space<vmem>>
      %dma_wait3A_260 = tpu.memref_squeeze %dma_wait3A_259 : memref<1x125xi32, #tpu.memory_space<vmem>> -> memref<125xi32, #tpu.memory_space<vmem>>
      %dma_wait3A_261 = arith.constant 0 : i32
      %dma_wait3A_262 = arith.constant 0 : i32
      %dma_wait3A_263 = tpu.memref_slice %arg9[%dma_wait3A_261, %dma_wait3A_262] : memref<10240x16xf32, #tpu.memory_space<vmem_shared>> -> memref<10240x16xf32, #tpu.memory_space<vmem_shared>>
      tpu.wait_indirect_dma semaphore(%arg29 : memref<!tpu.dma_semaphore, #tpu.memory_space<semaphore_mem>>) src(%arg13 : memref<125x16xf32, #tpu.memory_space<vmem>>) dst(%dma_wait3A_263 : memref<10240x16xf32, #tpu.memory_space<vmem_shared>>)
      %add3A_264 = arith.constant 1 : i32
      %add3A_265 = arith.addi %scan3A_70, %add3A_264 : i32
      %mul3A_266 = arith.constant 8 : i32
      %mul3A_267 = arith.muli %add3A_265, %mul3A_266 : i32
      %add3A_268 = arith.constant 3 : i32
      %add3A_269 = arith.addi %mul3A_267, %add3A_268 : i32
      %lt3A_270 = arith.constant 80 : i32
      %lt3A_271 = arith.cmpi slt, %add3A_269, %lt3A_270 : i32
      %convert_element_type3A_272 = arith.extui %lt3A_271 : i1 to i32
      %cond3A_273 = arith.constant 0 : i32
      %cond3A_274 = arith.cmpi ne, %convert_element_type3A_272, %cond3A_273 : i32
      scf.if %cond3A_274 {
        %dma_start3A_347 = arith.constant 0 : i32
        %dma_start3A_348 = tpu.memref_slice %arg7[%add3A_269, %dma_start3A_347] : memref<80x125xi32, #tpu.memory_space<vmem>> -> memref<1x125xi32, #tpu.memory_space<vmem>>
        %dma_start3A_349 = tpu.memref_squeeze %dma_start3A_348 : memref<1x125xi32, #tpu.memory_space<vmem>> -> memref<125xi32, #tpu.memory_space<vmem>>
        %dma_start3A_350 = arith.constant 0 : i32
        %dma_start3A_351 = arith.constant 0 : i32
        %dma_start3A_352 = tpu.memref_slice %arg2[%dma_start3A_350, %dma_start3A_351] : memref<10240x16xf32, #tpu.memory_space<hbm>> -> memref<10240x16xf32, #tpu.memory_space<hbm>>
        tpu.enqueue_indirect_dma source(%dma_start3A_352 : memref<10240x16xf32, #tpu.memory_space<hbm>>) target(%arg13 : memref<125x16xf32, #tpu.memory_space<vmem>>) offsets(%dma_start3A_349 : memref<125xi32, #tpu.memory_space<vmem>>) semaphore(%arg21 : memref<!tpu.dma_semaphore, #tpu.memory_space<semaphore_mem>>)
      } else {
      }
      %dma_wait3A_275 = arith.constant 0 : i32
      %dma_wait3A_276 = arith.constant 0 : i32
      %dma_wait3A_277 = tpu.memref_slice %arg8[%dma_wait3A_275, %dma_wait3A_276] : memref<80x125xi32, #tpu.memory_space<vmem>> -> memref<1x125xi32, #tpu.memory_space<vmem>>
      %dma_wait3A_278 = tpu.memref_squeeze %dma_wait3A_277 : memref<1x125xi32, #tpu.memory_space<vmem>> -> memref<125xi32, #tpu.memory_space<vmem>>
      %dma_wait3A_279 = arith.constant 0 : i32
      %dma_wait3A_280 = arith.constant 0 : i32
      %dma_wait3A_281 = tpu.memref_slice %arg9[%dma_wait3A_279, %dma_wait3A_280] : memref<10240x16xf32, #tpu.memory_space<vmem_shared>> -> memref<10240x16xf32, #tpu.memory_space<vmem_shared>>
      tpu.wait_indirect_dma semaphore(%arg30 : memref<!tpu.dma_semaphore, #tpu.memory_space<semaphore_mem>>) src(%arg14 : memref<125x16xf32, #tpu.memory_space<vmem>>) dst(%dma_wait3A_281 : memref<10240x16xf32, #tpu.memory_space<vmem_shared>>)
      %add3A_282 = arith.constant 1 : i32
      %add3A_283 = arith.addi %scan3A_70, %add3A_282 : i32
      %mul3A_284 = arith.constant 8 : i32
      %mul3A_285 = arith.muli %add3A_283, %mul3A_284 : i32
      %add3A_286 = arith.constant 4 : i32
      %add3A_287 = arith.addi %mul3A_285, %add3A_286 : i32
      %lt3A_288 = arith.constant 80 : i32
      %lt3A_289 = arith.cmpi slt, %add3A_287, %lt3A_288 : i32
      %convert_element_type3A_290 = arith.extui %lt3A_289 : i1 to i32
      %cond3A_291 = arith.constant 0 : i32
      %cond3A_292 = arith.cmpi ne, %convert_element_type3A_290, %cond3A_291 : i32
      scf.if %cond3A_292 {
        %dma_start3A_347 = arith.constant 0 : i32
        %dma_start3A_348 = tpu.memref_slice %arg7[%add3A_287, %dma_start3A_347] : memref<80x125xi32, #tpu.memory_space<vmem>> -> memref<1x125xi32, #tpu.memory_space<vmem>>
        %dma_start3A_349 = tpu.memref_squeeze %dma_start3A_348 : memref<1x125xi32, #tpu.memory_space<vmem>> -> memref<125xi32, #tpu.memory_space<vmem>>
        %dma_start3A_350 = arith.constant 0 : i32
        %dma_start3A_351 = arith.constant 0 : i32
        %dma_start3A_352 = tpu.memref_slice %arg2[%dma_start3A_350, %dma_start3A_351] : memref<10240x16xf32, #tpu.memory_space<hbm>> -> memref<10240x16xf32, #tpu.memory_space<hbm>>
        tpu.enqueue_indirect_dma source(%dma_start3A_352 : memref<10240x16xf32, #tpu.memory_space<hbm>>) target(%arg14 : memref<125x16xf32, #tpu.memory_space<vmem>>) offsets(%dma_start3A_349 : memref<125xi32, #tpu.memory_space<vmem>>) semaphore(%arg22 : memref<!tpu.dma_semaphore, #tpu.memory_space<semaphore_mem>>)
      } else {
      }
      %dma_wait3A_293 = arith.constant 0 : i32
      %dma_wait3A_294 = arith.constant 0 : i32
      %dma_wait3A_295 = tpu.memref_slice %arg8[%dma_wait3A_293, %dma_wait3A_294] : memref<80x125xi32, #tpu.memory_space<vmem>> -> memref<1x125xi32, #tpu.memory_space<vmem>>
      %dma_wait3A_296 = tpu.memref_squeeze %dma_wait3A_295 : memref<1x125xi32, #tpu.memory_space<vmem>> -> memref<125xi32, #tpu.memory_space<vmem>>
      %dma_wait3A_297 = arith.constant 0 : i32
      %dma_wait3A_298 = arith.constant 0 : i32
      %dma_wait3A_299 = tpu.memref_slice %arg9[%dma_wait3A_297, %dma_wait3A_298] : memref<10240x16xf32, #tpu.memory_space<vmem_shared>> -> memref<10240x16xf32, #tpu.memory_space<vmem_shared>>
      tpu.wait_indirect_dma semaphore(%arg31 : memref<!tpu.dma_semaphore, #tpu.memory_space<semaphore_mem>>) src(%arg15 : memref<125x16xf32, #tpu.memory_space<vmem>>) dst(%dma_wait3A_299 : memref<10240x16xf32, #tpu.memory_space<vmem_shared>>)
      %add3A_300 = arith.constant 1 : i32
      %add3A_301 = arith.addi %scan3A_70, %add3A_300 : i32
      %mul3A_302 = arith.constant 8 : i32
      %mul3A_303 = arith.muli %add3A_301, %mul3A_302 : i32
      %add3A_304 = arith.constant 5 : i32
      %add3A_305 = arith.addi %mul3A_303, %add3A_304 : i32
      %lt3A_306 = arith.constant 80 : i32
      %lt3A_307 = arith.cmpi slt, %add3A_305, %lt3A_306 : i32
      %convert_element_type3A_308 = arith.extui %lt3A_307 : i1 to i32
      %cond3A_309 = arith.constant 0 : i32
      %cond3A_310 = arith.cmpi ne, %convert_element_type3A_308, %cond3A_309 : i32
      scf.if %cond3A_310 {
        %dma_start3A_347 = arith.constant 0 : i32
        %dma_start3A_348 = tpu.memref_slice %arg7[%add3A_305, %dma_start3A_347] : memref<80x125xi32, #tpu.memory_space<vmem>> -> memref<1x125xi32, #tpu.memory_space<vmem>>
        %dma_start3A_349 = tpu.memref_squeeze %dma_start3A_348 : memref<1x125xi32, #tpu.memory_space<vmem>> -> memref<125xi32, #tpu.memory_space<vmem>>
        %dma_start3A_350 = arith.constant 0 : i32
        %dma_start3A_351 = arith.constant 0 : i32
        %dma_start3A_352 = tpu.memref_slice %arg2[%dma_start3A_350, %dma_start3A_351] : memref<10240x16xf32, #tpu.memory_space<hbm>> -> memref<10240x16xf32, #tpu.memory_space<hbm>>
        tpu.enqueue_indirect_dma source(%dma_start3A_352 : memref<10240x16xf32, #tpu.memory_space<hbm>>) target(%arg15 : memref<125x16xf32, #tpu.memory_space<vmem>>) offsets(%dma_start3A_349 : memref<125xi32, #tpu.memory_space<vmem>>) semaphore(%arg23 : memref<!tpu.dma_semaphore, #tpu.memory_space<semaphore_mem>>)
      } else {
      }
      %dma_wait3A_311 = arith.constant 0 : i32
      %dma_wait3A_312 = arith.constant 0 : i32
      %dma_wait3A_313 = tpu.memref_slice %arg8[%dma_wait3A_311, %dma_wait3A_312] : memref<80x125xi32, #tpu.memory_space<vmem>> -> memref<1x125xi32, #tpu.memory_space<vmem>>
      %dma_wait3A_314 = tpu.memref_squeeze %dma_wait3A_313 : memref<1x125xi32, #tpu.memory_space<vmem>> -> memref<125xi32, #tpu.memory_space<vmem>>
      %dma_wait3A_315 = arith.constant 0 : i32
      %dma_wait3A_316 = arith.constant 0 : i32
      %dma_wait3A_317 = tpu.memref_slice %arg9[%dma_wait3A_315, %dma_wait3A_316] : memref<10240x16xf32, #tpu.memory_space<vmem_shared>> -> memref<10240x16xf32, #tpu.memory_space<vmem_shared>>
      tpu.wait_indirect_dma semaphore(%arg32 : memref<!tpu.dma_semaphore, #tpu.memory_space<semaphore_mem>>) src(%arg16 : memref<125x16xf32, #tpu.memory_space<vmem>>) dst(%dma_wait3A_317 : memref<10240x16xf32, #tpu.memory_space<vmem_shared>>)
      %add3A_318 = arith.constant 1 : i32
      %add3A_319 = arith.addi %scan3A_70, %add3A_318 : i32
      %mul3A_320 = arith.constant 8 : i32
      %mul3A_321 = arith.muli %add3A_319, %mul3A_320 : i32
      %add3A_322 = arith.constant 6 : i32
      %add3A_323 = arith.addi %mul3A_321, %add3A_322 : i32
      %lt3A_324 = arith.constant 80 : i32
      %lt3A_325 = arith.cmpi slt, %add3A_323, %lt3A_324 : i32
      %convert_element_type3A_326 = arith.extui %lt3A_325 : i1 to i32
      %cond3A_327 = arith.constant 0 : i32
      %cond3A_328 = arith.cmpi ne, %convert_element_type3A_326, %cond3A_327 : i32
      scf.if %cond3A_328 {
        %dma_start3A_347 = arith.constant 0 : i32
        %dma_start3A_348 = tpu.memref_slice %arg7[%add3A_323, %dma_start3A_347] : memref<80x125xi32, #tpu.memory_space<vmem>> -> memref<1x125xi32, #tpu.memory_space<vmem>>
        %dma_start3A_349 = tpu.memref_squeeze %dma_start3A_348 : memref<1x125xi32, #tpu.memory_space<vmem>> -> memref<125xi32, #tpu.memory_space<vmem>>
        %dma_start3A_350 = arith.constant 0 : i32
        %dma_start3A_351 = arith.constant 0 : i32
        %dma_start3A_352 = tpu.memref_slice %arg2[%dma_start3A_350, %dma_start3A_351] : memref<10240x16xf32, #tpu.memory_space<hbm>> -> memref<10240x16xf32, #tpu.memory_space<hbm>>
        tpu.enqueue_indirect_dma source(%dma_start3A_352 : memref<10240x16xf32, #tpu.memory_space<hbm>>) target(%arg16 : memref<125x16xf32, #tpu.memory_space<vmem>>) offsets(%dma_start3A_349 : memref<125xi32, #tpu.memory_space<vmem>>) semaphore(%arg24 : memref<!tpu.dma_semaphore, #tpu.memory_space<semaphore_mem>>)
      } else {
      }
      %dma_wait3A_329 = arith.constant 0 : i32
      %dma_wait3A_330 = arith.constant 0 : i32
      %dma_wait3A_331 = tpu.memref_slice %arg8[%dma_wait3A_329, %dma_wait3A_330] : memref<80x125xi32, #tpu.memory_space<vmem>> -> memref<1x125xi32, #tpu.memory_space<vmem>>
      %dma_wait3A_332 = tpu.memref_squeeze %dma_wait3A_331 : memref<1x125xi32, #tpu.memory_space<vmem>> -> memref<125xi32, #tpu.memory_space<vmem>>
      %dma_wait3A_333 = arith.constant 0 : i32
      %dma_wait3A_334 = arith.constant 0 : i32
      %dma_wait3A_335 = tpu.memref_slice %arg9[%dma_wait3A_333, %dma_wait3A_334] : memref<10240x16xf32, #tpu.memory_space<vmem_shared>> -> memref<10240x16xf32, #tpu.memory_space<vmem_shared>>
      tpu.wait_indirect_dma semaphore(%arg33 : memref<!tpu.dma_semaphore, #tpu.memory_space<semaphore_mem>>) src(%arg17 : memref<125x16xf32, #tpu.memory_space<vmem>>) dst(%dma_wait3A_335 : memref<10240x16xf32, #tpu.memory_space<vmem_shared>>)
      %add3A_336 = arith.constant 1 : i32
      %add3A_337 = arith.addi %scan3A_70, %add3A_336 : i32
      %mul3A_338 = arith.constant 8 : i32
      %mul3A_339 = arith.muli %add3A_337, %mul3A_338 : i32
      %add3A_340 = arith.constant 7 : i32
      %add3A_341 = arith.addi %mul3A_339, %add3A_340 : i32
      %lt3A_342 = arith.constant 80 : i32
      %lt3A_343 = arith.cmpi slt, %add3A_341, %lt3A_342 : i32
      %convert_element_type3A_344 = arith.extui %lt3A_343 : i1 to i32
      %cond3A_345 = arith.constant 0 : i32
      %cond3A_346 = arith.cmpi ne, %convert_element_type3A_344, %cond3A_345 : i32
      scf.if %cond3A_346 {
        %dma_start3A_347 = arith.constant 0 : i32
        %dma_start3A_348 = tpu.memref_slice %arg7[%add3A_341, %dma_start3A_347] : memref<80x125xi32, #tpu.memory_space<vmem>> -> memref<1x125xi32, #tpu.memory_space<vmem>>
        %dma_start3A_349 = tpu.memref_squeeze %dma_start3A_348 : memref<1x125xi32, #tpu.memory_space<vmem>> -> memref<125xi32, #tpu.memory_space<vmem>>
        %dma_start3A_350 = arith.constant 0 : i32
        %dma_start3A_351 = arith.constant 0 : i32
        %dma_start3A_352 = tpu.memref_slice %arg2[%dma_start3A_350, %dma_start3A_351] : memref<10240x16xf32, #tpu.memory_space<hbm>> -> memref<10240x16xf32, #tpu.memory_space<hbm>>
        tpu.enqueue_indirect_dma source(%dma_start3A_352 : memref<10240x16xf32, #tpu.memory_space<hbm>>) target(%arg17 : memref<125x16xf32, #tpu.memory_space<vmem>>) offsets(%dma_start3A_349 : memref<125xi32, #tpu.memory_space<vmem>>) semaphore(%arg25 : memref<!tpu.dma_semaphore, #tpu.memory_space<semaphore_mem>>)
      } else {
      }
    }
    %scan3A_64 = arith.constant 10 : i32
    %barrier3A_65 = arith.constant 0 : index
    tpu.barrier barrier_id(%barrier3A_65)
    %mul3A_66 = arith.constant 640 : i32
    %mul3A_67 = arith.muli %arg1, %mul3A_66 : i32
    %mul3A_68 = arith.constant 640 : i32
    %mul3A_69 = arith.muli %arg1, %mul3A_68 : i32
    "tpu.region"() ({
      %run_scoped3A = tpu.sem_alloc : memref<!tpu.dma_semaphore, #tpu.memory_space<semaphore_mem>>
      %dma_start3A_70 = arith.constant 0 : i32
      %dma_start3A_71 = tpu.memref_slice %arg6[%arg0, %mul3A_69, %dma_start3A_70] : memref<2x10240x16xf32, #tpu.memory_space<hbm>> -> memref<1x640x16xf32, #tpu.memory_space<hbm>>
      %dma_start3A_72 = tpu.memref_squeeze %dma_start3A_71 : memref<1x640x16xf32, #tpu.memory_space<hbm>> -> memref<640x16xf32, #tpu.memory_space<hbm>>
      %dma_start3A_73 = arith.constant 0 : i32
      %dma_start3A_74 = tpu.memref_slice %arg9[%mul3A_67, %dma_start3A_73] : memref<10240x16xf32, #tpu.memory_space<vmem_shared>> -> memref<640x16xf32, #tpu.memory_space<vmem_shared>>
      tpu.enqueue_dma source(%dma_start3A_74 : memref<640x16xf32, #tpu.memory_space<vmem_shared>>) target(%dma_start3A_72 : memref<640x16xf32, #tpu.memory_space<hbm>>) target_semaphore(%run_scoped3A : memref<!tpu.dma_semaphore, #tpu.memory_space<semaphore_mem>>)
      %dma_wait3A = arith.constant 0 : i32
      %dma_wait3A_75 = tpu.memref_slice %arg6[%arg0, %mul3A_69, %dma_wait3A] : memref<2x10240x16xf32, #tpu.memory_space<hbm>> -> memref<1x640x16xf32, #tpu.memory_space<hbm>>
      %dma_wait3A_76 = tpu.memref_squeeze %dma_wait3A_75 : memref<1x640x16xf32, #tpu.memory_space<hbm>> -> memref<640x16xf32, #tpu.memory_space<hbm>>
      %dma_wait3A_77 = arith.constant 0 : i32
      %dma_wait3A_78 = tpu.memref_slice %arg9[%mul3A_67, %dma_wait3A_77] : memref<10240x16xf32, #tpu.memory_space<vmem_shared>> -> memref<640x16xf32, #tpu.memory_space<vmem_shared>>
      tpu.wait_dma2 semaphore(%run_scoped3A : memref<!tpu.dma_semaphore, #tpu.memory_space<semaphore_mem>>) src(%dma_wait3A_78 : memref<640x16xf32, #tpu.memory_space<vmem_shared>>) dst(%dma_wait3A_76 : memref<640x16xf32, #tpu.memory_space<hbm>>)
      tpu.yield
    }) : () -> ()
    return
  }
}

#map = affine_map<(d0, d1) -> (0, 0, 0)>
#map1 = affine_map<(d0, d1) -> (0, 0)>
module attributes {stable_mosaic.version = 14 : i64} {
  func.func @body(%arg0: i32, %arg1: i32, %arg2: memref<32x80x125xi32, #tpu.memory_space<hbm>>, %arg3: memref<125x8xf32, #tpu.memory_space<hbm>>, %arg4: memref<10240x8xf32, #tpu.memory_space<hbm>>, %arg5: memref<2x10240x8xf32, #tpu.memory_space<hbm>>, %arg6: memref<80x125xi32, #tpu.memory_space<vmem>>, %arg7: memref<125x8xf32, #tpu.memory_space<vmem>>, %arg8: memref<10240x8xf32, #tpu.memory_space<vmem_shared>>, %arg9: memref<!tpu.dma_semaphore, #tpu.memory_space<semaphore_mem>>) attributes {dimension_semantics = [#tpu.dimension_semantics<core_parallel>, #tpu.dimension_semantics<subcore_parallel>], iteration_bounds = array<i64: 2, 16>, scalar_prefetch = 0 : i64, scratch_operands = 4 : i64, tpu.core_type = #tpu.core_type<sc_vector_subcore>, window_params = [{transform_indices = #map}, {transform_indices = #map1}, {transform_indices = #map1}, {transform_indices = #map}]} {
    %mul3A = arith.constant 2 : i32
    %mul3A_0 = arith.muli %arg1, %mul3A : i32
    %add3A = arith.addi %mul3A_0, %arg0 : i32
    %mul3A_1 = arith.constant 640 : i32
    %mul3A_2 = arith.muli %arg1, %mul3A_1 : i32
    %mul3A_3 = arith.constant 640 : i32
    %mul3A_4 = arith.muli %arg1, %mul3A_3 : i32
    "tpu.region"() ({
      %run_scoped3A = tpu.sem_alloc : memref<!tpu.dma_semaphore, #tpu.memory_space<semaphore_mem>>
      %dma_start3A = arith.constant 0 : i32
      %dma_start3A_21 = tpu.memref_slice %arg8[%mul3A_4, %dma_start3A] : memref<10240x8xf32, #tpu.memory_space<vmem_shared>> -> memref<640x8xf32, #tpu.memory_space<vmem_shared>>
      %dma_start3A_22 = arith.constant 0 : i32
      %dma_start3A_23 = tpu.memref_slice %arg4[%mul3A_2, %dma_start3A_22] : memref<10240x8xf32, #tpu.memory_space<hbm>> -> memref<640x8xf32, #tpu.memory_space<hbm>>
      tpu.enqueue_dma source(%dma_start3A_23 : memref<640x8xf32, #tpu.memory_space<hbm>>) target(%dma_start3A_21 : memref<640x8xf32, #tpu.memory_space<vmem_shared>>) target_semaphore(%run_scoped3A : memref<!tpu.dma_semaphore, #tpu.memory_space<semaphore_mem>>)
      %dma_wait3A = arith.constant 0 : i32
      %dma_wait3A_24 = tpu.memref_slice %arg8[%mul3A_4, %dma_wait3A] : memref<10240x8xf32, #tpu.memory_space<vmem_shared>> -> memref<640x8xf32, #tpu.memory_space<vmem_shared>>
      %dma_wait3A_25 = arith.constant 0 : i32
      %dma_wait3A_26 = tpu.memref_slice %arg4[%mul3A_2, %dma_wait3A_25] : memref<10240x8xf32, #tpu.memory_space<hbm>> -> memref<640x8xf32, #tpu.memory_space<hbm>>
      tpu.wait_dma2 semaphore(%run_scoped3A : memref<!tpu.dma_semaphore, #tpu.memory_space<semaphore_mem>>) src(%dma_wait3A_26 : memref<640x8xf32, #tpu.memory_space<hbm>>) dst(%dma_wait3A_24 : memref<640x8xf32, #tpu.memory_space<vmem_shared>>)
      tpu.yield
    }) : () -> ()
    "tpu.region"() ({
      %run_scoped3A = tpu.sem_alloc : memref<!tpu.dma_semaphore, #tpu.memory_space<semaphore_mem>>
      %dma_start3A = arith.constant 0 : i32
      %dma_start3A_21 = arith.constant 0 : i32
      %dma_start3A_22 = tpu.memref_slice %arg2[%add3A, %dma_start3A, %dma_start3A_21] : memref<32x80x125xi32, #tpu.memory_space<hbm>> -> memref<1x80x125xi32, #tpu.memory_space<hbm>>
      %dma_start3A_23 = tpu.memref_squeeze %dma_start3A_22 : memref<1x80x125xi32, #tpu.memory_space<hbm>> -> memref<80x125xi32, #tpu.memory_space<hbm>>
      %dma_start3A_24 = arith.constant 0 : i32
      %dma_start3A_25 = arith.constant 0 : i32
      %dma_start3A_26 = tpu.memref_slice %arg2[%add3A, %dma_start3A_24, %dma_start3A_25] : memref<32x80x125xi32, #tpu.memory_space<hbm>> -> memref<1x80x125xi32, #tpu.memory_space<hbm>>
      %dma_start3A_27 = tpu.memref_squeeze %dma_start3A_26 : memref<1x80x125xi32, #tpu.memory_space<hbm>> -> memref<80x125xi32, #tpu.memory_space<hbm>>
      tpu.enqueue_dma source(%dma_start3A_27 : memref<80x125xi32, #tpu.memory_space<hbm>>) target(%arg6 : memref<80x125xi32, #tpu.memory_space<vmem>>) target_semaphore(%run_scoped3A : memref<!tpu.dma_semaphore, #tpu.memory_space<semaphore_mem>>)
      %dma_wait3A = arith.constant 0 : i32
      %dma_wait3A_28 = arith.constant 0 : i32
      %dma_wait3A_29 = tpu.memref_slice %arg2[%add3A, %dma_wait3A, %dma_wait3A_28] : memref<32x80x125xi32, #tpu.memory_space<hbm>> -> memref<1x80x125xi32, #tpu.memory_space<hbm>>
      %dma_wait3A_30 = tpu.memref_squeeze %dma_wait3A_29 : memref<1x80x125xi32, #tpu.memory_space<hbm>> -> memref<80x125xi32, #tpu.memory_space<hbm>>
      %dma_wait3A_31 = arith.constant 0 : i32
      %dma_wait3A_32 = arith.constant 0 : i32
      %dma_wait3A_33 = tpu.memref_slice %arg2[%add3A, %dma_wait3A_31, %dma_wait3A_32] : memref<32x80x125xi32, #tpu.memory_space<hbm>> -> memref<1x80x125xi32, #tpu.memory_space<hbm>>
      %dma_wait3A_34 = tpu.memref_squeeze %dma_wait3A_33 : memref<1x80x125xi32, #tpu.memory_space<hbm>> -> memref<80x125xi32, #tpu.memory_space<hbm>>
      tpu.wait_dma2 semaphore(%run_scoped3A : memref<!tpu.dma_semaphore, #tpu.memory_space<semaphore_mem>>) src(%dma_wait3A_34 : memref<80x125xi32, #tpu.memory_space<hbm>>) dst(%arg6 : memref<80x125xi32, #tpu.memory_space<vmem>>)
      tpu.yield
    }) : () -> ()
    "tpu.region"() ({
      %run_scoped3A = tpu.sem_alloc : memref<!tpu.dma_semaphore, #tpu.memory_space<semaphore_mem>>
      tpu.enqueue_dma source(%arg3 : memref<125x8xf32, #tpu.memory_space<hbm>>) target(%arg7 : memref<125x8xf32, #tpu.memory_space<vmem>>) target_semaphore(%run_scoped3A : memref<!tpu.dma_semaphore, #tpu.memory_space<semaphore_mem>>)
      tpu.wait_dma2 semaphore(%run_scoped3A : memref<!tpu.dma_semaphore, #tpu.memory_space<semaphore_mem>>) src(%arg3 : memref<125x8xf32, #tpu.memory_space<hbm>>) dst(%arg7 : memref<125x8xf32, #tpu.memory_space<vmem>>)
      tpu.yield
    }) : () -> ()
    %barrier3A = arith.constant 0 : index
    tpu.barrier barrier_id(%barrier3A)
    %scan3A = arith.constant 0 : i32
    %scan3A_5 = arith.constant 0 : i32
    %scan3A_6 = arith.constant 80 : i32
    %scan3A_7 = arith.addi %scan3A_5, %scan3A_6 : i32
    %scan3A_8 = arith.constant 1 : i32
    scf.for %scan3A_21 = %scan3A_5 to %scan3A_7 step %scan3A_8  : i32 {
      %dma_start3A = arith.constant 0 : i32
      %dma_start3A_22 = tpu.memref_slice %arg6[%scan3A_21, %dma_start3A] : memref<80x125xi32, #tpu.memory_space<vmem>> -> memref<1x125xi32, #tpu.memory_space<vmem>>
      %dma_start3A_23 = tpu.memref_squeeze %dma_start3A_22 : memref<1x125xi32, #tpu.memory_space<vmem>> -> memref<125xi32, #tpu.memory_space<vmem>>
      %dma_start3A_24 = arith.constant 0 : i32
      %dma_start3A_25 = arith.constant 0 : i32
      %dma_start3A_26 = tpu.memref_slice %arg8[%dma_start3A_24, %dma_start3A_25] : memref<10240x8xf32, #tpu.memory_space<vmem_shared>> -> memref<10240x8xf32, #tpu.memory_space<vmem_shared>>
      tpu.enqueue_indirect_dma source(%arg7 : memref<125x8xf32, #tpu.memory_space<vmem>>) target(%dma_start3A_26 : memref<10240x8xf32, #tpu.memory_space<vmem_shared>>) offsets(%dma_start3A_23 : memref<125xi32, #tpu.memory_space<vmem>>) semaphore(%arg9 : memref<!tpu.dma_semaphore, #tpu.memory_space<semaphore_mem>>) {add = true}
      %ge3A = arith.constant 16 : i32
      %ge3A_27 = arith.cmpi sge, %scan3A_21, %ge3A : i32
      %convert_element_type3A = arith.extui %ge3A_27 : i1 to i32
      %cond3A = arith.constant 0 : i32
      %cond3A_28 = arith.cmpi ne, %convert_element_type3A, %cond3A : i32
      scf.if %cond3A_28 {
        %dma_wait3A = arith.constant 0 : i32
        %dma_wait3A_29 = arith.constant 0 : i32
        %dma_wait3A_30 = tpu.memref_slice %arg6[%dma_wait3A, %dma_wait3A_29] : memref<80x125xi32, #tpu.memory_space<vmem>> -> memref<1x125xi32, #tpu.memory_space<vmem>>
        %dma_wait3A_31 = tpu.memref_squeeze %dma_wait3A_30 : memref<1x125xi32, #tpu.memory_space<vmem>> -> memref<125xi32, #tpu.memory_space<vmem>>
        %dma_wait3A_32 = arith.constant 0 : i32
        %dma_wait3A_33 = arith.constant 0 : i32
        %dma_wait3A_34 = tpu.memref_slice %arg8[%dma_wait3A_32, %dma_wait3A_33] : memref<10240x8xf32, #tpu.memory_space<vmem_shared>> -> memref<10240x8xf32, #tpu.memory_space<vmem_shared>>
        tpu.wait_indirect_dma semaphore(%arg9 : memref<!tpu.dma_semaphore, #tpu.memory_space<semaphore_mem>>) src(%arg7 : memref<125x8xf32, #tpu.memory_space<vmem>>) dst(%dma_wait3A_34 : memref<10240x8xf32, #tpu.memory_space<vmem_shared>>)
      } else {
      }
    }
    %scan3A_9 = arith.constant 80 : i32
    %scan3A_10 = arith.constant 0 : i32
    %scan3A_11 = arith.constant 0 : i32
    %scan3A_12 = arith.constant 16 : i32
    %scan3A_13 = arith.addi %scan3A_11, %scan3A_12 : i32
    %scan3A_14 = arith.constant 1 : i32
    scf.for %scan3A_21 = %scan3A_11 to %scan3A_13 step %scan3A_14  : i32 {
      %dma_wait3A = arith.constant 0 : i32
      %dma_wait3A_22 = arith.constant 0 : i32
      %dma_wait3A_23 = tpu.memref_slice %arg6[%dma_wait3A, %dma_wait3A_22] : memref<80x125xi32, #tpu.memory_space<vmem>> -> memref<1x125xi32, #tpu.memory_space<vmem>>
      %dma_wait3A_24 = tpu.memref_squeeze %dma_wait3A_23 : memref<1x125xi32, #tpu.memory_space<vmem>> -> memref<125xi32, #tpu.memory_space<vmem>>
      %dma_wait3A_25 = arith.constant 0 : i32
      %dma_wait3A_26 = arith.constant 0 : i32
      %dma_wait3A_27 = tpu.memref_slice %arg8[%dma_wait3A_25, %dma_wait3A_26] : memref<10240x8xf32, #tpu.memory_space<vmem_shared>> -> memref<10240x8xf32, #tpu.memory_space<vmem_shared>>
      tpu.wait_indirect_dma semaphore(%arg9 : memref<!tpu.dma_semaphore, #tpu.memory_space<semaphore_mem>>) src(%arg7 : memref<125x8xf32, #tpu.memory_space<vmem>>) dst(%dma_wait3A_27 : memref<10240x8xf32, #tpu.memory_space<vmem_shared>>)
    }
    %scan3A_15 = arith.constant 16 : i32
    %barrier3A_16 = arith.constant 0 : index
    tpu.barrier barrier_id(%barrier3A_16)
    %mul3A_17 = arith.constant 640 : i32
    %mul3A_18 = arith.muli %arg1, %mul3A_17 : i32
    %mul3A_19 = arith.constant 640 : i32
    %mul3A_20 = arith.muli %arg1, %mul3A_19 : i32
    "tpu.region"() ({
      %run_scoped3A = tpu.sem_alloc : memref<!tpu.dma_semaphore, #tpu.memory_space<semaphore_mem>>
      %dma_start3A = arith.constant 0 : i32
      %dma_start3A_21 = tpu.memref_slice %arg5[%arg0, %mul3A_20, %dma_start3A] : memref<2x10240x8xf32, #tpu.memory_space<hbm>> -> memref<1x640x8xf32, #tpu.memory_space<hbm>>
      %dma_start3A_22 = tpu.memref_squeeze %dma_start3A_21 : memref<1x640x8xf32, #tpu.memory_space<hbm>> -> memref<640x8xf32, #tpu.memory_space<hbm>>
      %dma_start3A_23 = arith.constant 0 : i32
      %dma_start3A_24 = tpu.memref_slice %arg8[%mul3A_18, %dma_start3A_23] : memref<10240x8xf32, #tpu.memory_space<vmem_shared>> -> memref<640x8xf32, #tpu.memory_space<vmem_shared>>
      tpu.enqueue_dma source(%dma_start3A_24 : memref<640x8xf32, #tpu.memory_space<vmem_shared>>) target(%dma_start3A_22 : memref<640x8xf32, #tpu.memory_space<hbm>>) target_semaphore(%run_scoped3A : memref<!tpu.dma_semaphore, #tpu.memory_space<semaphore_mem>>)
      %dma_wait3A = arith.constant 0 : i32
      %dma_wait3A_25 = tpu.memref_slice %arg5[%arg0, %mul3A_20, %dma_wait3A] : memref<2x10240x8xf32, #tpu.memory_space<hbm>> -> memref<1x640x8xf32, #tpu.memory_space<hbm>>
      %dma_wait3A_26 = tpu.memref_squeeze %dma_wait3A_25 : memref<1x640x8xf32, #tpu.memory_space<hbm>> -> memref<640x8xf32, #tpu.memory_space<hbm>>
      %dma_wait3A_27 = arith.constant 0 : i32
      %dma_wait3A_28 = tpu.memref_slice %arg8[%mul3A_18, %dma_wait3A_27] : memref<10240x8xf32, #tpu.memory_space<vmem_shared>> -> memref<640x8xf32, #tpu.memory_space<vmem_shared>>
      tpu.wait_dma2 semaphore(%run_scoped3A : memref<!tpu.dma_semaphore, #tpu.memory_space<semaphore_mem>>) src(%dma_wait3A_28 : memref<640x8xf32, #tpu.memory_space<vmem_shared>>) dst(%dma_wait3A_26 : memref<640x8xf32, #tpu.memory_space<hbm>>)
      tpu.yield
    }) : () -> ()
    return
  }
}

module attributes {stable_mosaic.version = 14 : i64} {
  func.func @body(%arg0: memref<10000x128xf32, #tpu.memory_space<vmem>>, %arg1: memref<128x24xf32, #tpu.memory_space<vmem>>, %arg2: memref<2x10240x8xf32, #tpu.memory_space<vmem>>, %arg3: memref<10240x24xf32, #tpu.memory_space<vmem>>, %arg4: memref<10240x1xf32, #tpu.memory_space<vmem>>) attributes {dimension_semantics = [], scalar_prefetch = 0 : i64, scratch_operands = 0 : i64, tpu.core_type = #tpu.core_type<tc>} {
    %get3A = arith.constant 0 : index
    %get3A_0 = arith.constant 0 : index
    %get3A_1 = arith.constant 0 : index
    %get3A_2 = vector.load %arg2[%get3A, %get3A_0, %get3A_1] : memref<2x10240x8xf32, #tpu.memory_space<vmem>>, vector<1x10240x8xf32>
    %get3A_3 = vector.shape_cast %get3A_2 : vector<1x10240x8xf32> to vector<10240x8xf32>
    %get3A_4 = arith.constant 1 : index
    %get3A_5 = arith.constant 0 : index
    %get3A_6 = arith.constant 0 : index
    %get3A_7 = vector.load %arg2[%get3A_4, %get3A_5, %get3A_6] : memref<2x10240x8xf32, #tpu.memory_space<vmem>>, vector<1x10240x8xf32>
    %get3A_8 = vector.shape_cast %get3A_7 : vector<1x10240x8xf32> to vector<10240x8xf32>
    %add3A = arith.addf %get3A_3, %get3A_8 : vector<10240x8xf32>
    %slice3A = vector.extract_strided_slice %add3A {offsets = [0, 0], sizes = [10240, 1], strides = [1, 1]} : vector<10240x8xf32> to vector<10240x1xf32>
    %add3A_9 = arith.constant 1.000000e+00 : f32
    %add3A_10 = vector.broadcast %add3A_9 : f32 to vector<10240x1xf32>
    %add3A_11 = arith.addf %slice3A, %add3A_10 : vector<10240x1xf32>
    %rsqrt3A = math.rsqrt %add3A_11 : vector<10240x1xf32>
    %get3A_12 = arith.constant 0 : index
    %get3A_13 = arith.constant 0 : index
    %get3A_14 = vector.load %arg0[%get3A_12, %get3A_13] : memref<10000x128xf32, #tpu.memory_space<vmem>>, vector<10000x128xf32>
    %get3A_15 = arith.constant 0 : index
    %get3A_16 = arith.constant 0 : index
    %get3A_17 = vector.load %arg1[%get3A_15, %get3A_16] : memref<128x24xf32, #tpu.memory_space<vmem>>, vector<128x24xf32>
    %dot_general3A = arith.constant dense<0.000000e+00> : vector<10000x24xf32>
    %dot_general3A_18 = tpu.matmul %get3A_14, %get3A_17, %dot_general3A {dimension_numbers = #tpu.dot_dimension_numbers<[1], [0], [0], [1], [0, 0, 1, 1], [], []>, transpose_lhs_hint = false} : vector<10000x128xf32>, vector<128x24xf32>, vector<10000x24xf32> -> vector<10000x24xf32>
    %jit3A = arith.constant 0 : i32
    %convert_element_type3A = arith.sitofp %jit3A : i32 to f32
    %pad3A = vector.broadcast %convert_element_type3A : f32 to vector<240x24xf32>
    %pad3A_19 = tpu.concatenate %dot_general3A_18, %pad3A in 0 : vector<10000x24xf32>, vector<240x24xf32> -> vector<10240x24xf32>
    %mul3A = vector.broadcast %rsqrt3A : vector<10240x1xf32> to vector<10240x24xf32>
    %mul3A_20 = arith.mulf %pad3A_19, %mul3A : vector<10240x24xf32>
    %swap3A = arith.constant 0 : index
    %swap3A_21 = arith.constant 0 : index
    %swap3A_22 = vector.load %arg3[%swap3A, %swap3A_21] : memref<10240x24xf32, #tpu.memory_space<vmem>>, vector<10240x24xf32>
    tpu.vector_store %arg3[%swap3A, %swap3A_21], %mul3A_20 {strides = array<i32>} : memref<10240x24xf32, #tpu.memory_space<vmem>>, vector<10240x24xf32>,
    %swap3A_23 = arith.constant 0 : index
    %swap3A_24 = arith.constant 0 : index
    %swap3A_25 = vector.load %arg4[%swap3A_23, %swap3A_24] : memref<10240x1xf32, #tpu.memory_space<vmem>>, vector<10240x1xf32>
    tpu.vector_store %arg4[%swap3A_23, %swap3A_24], %rsqrt3A {strides = array<i32>} : memref<10240x1xf32, #tpu.memory_space<vmem>>, vector<10240x1xf32>,
    return
  }
}

module attributes {stable_mosaic.version = 14 : i64} {
  func.func @body(%arg0: memref<2x10240x24xf32, #tpu.memory_space<vmem>>, %arg1: memref<10240x24xf32, #tpu.memory_space<vmem>>, %arg2: memref<10240x1xf32, #tpu.memory_space<vmem>>, %arg3: memref<24x16xf32, #tpu.memory_space<vmem>>, %arg4: memref<1x24xf32, #tpu.memory_space<vmem>>, %arg5: memref<10240x16xf32, #tpu.memory_space<vmem>>) attributes {dimension_semantics = [], scalar_prefetch = 0 : i64, scratch_operands = 0 : i64, tpu.core_type = #tpu.core_type<tc>} {
    %get3A = arith.constant 0 : index
    %get3A_0 = arith.constant 0 : index
    %get3A_1 = arith.constant 0 : index
    %get3A_2 = vector.load %arg0[%get3A, %get3A_0, %get3A_1] : memref<2x10240x24xf32, #tpu.memory_space<vmem>>, vector<1x10240x24xf32>
    %get3A_3 = vector.shape_cast %get3A_2 : vector<1x10240x24xf32> to vector<10240x24xf32>
    %get3A_4 = arith.constant 1 : index
    %get3A_5 = arith.constant 0 : index
    %get3A_6 = arith.constant 0 : index
    %get3A_7 = vector.load %arg0[%get3A_4, %get3A_5, %get3A_6] : memref<2x10240x24xf32, #tpu.memory_space<vmem>>, vector<1x10240x24xf32>
    %get3A_8 = vector.shape_cast %get3A_7 : vector<1x10240x24xf32> to vector<10240x24xf32>
    %add3A = arith.addf %get3A_3, %get3A_8 : vector<10240x24xf32>
    %get3A_9 = arith.constant 0 : index
    %get3A_10 = arith.constant 0 : index
    %get3A_11 = vector.load %arg1[%get3A_9, %get3A_10] : memref<10240x24xf32, #tpu.memory_space<vmem>>, vector<10240x24xf32>
    %add3A_12 = arith.addf %add3A, %get3A_11 : vector<10240x24xf32>
    %get3A_13 = arith.constant 0 : index
    %get3A_14 = arith.constant 0 : index
    %get3A_15 = vector.load %arg2[%get3A_13, %get3A_14] : memref<10240x1xf32, #tpu.memory_space<vmem>>, vector<10240x1xf32>
    %mul3A = vector.broadcast %get3A_15 : vector<10240x1xf32> to vector<10240x24xf32>
    %mul3A_16 = arith.mulf %mul3A, %add3A_12 : vector<10240x24xf32>
    %get3A_17 = arith.constant 0 : index
    %get3A_18 = arith.constant 0 : index
    %get3A_19 = vector.load %arg4[%get3A_17, %get3A_18] : memref<1x24xf32, #tpu.memory_space<vmem>>, vector<1x24xf32>
    %add3A_20 = vector.broadcast %get3A_19 : vector<1x24xf32> to vector<10240x24xf32>
    %add3A_21 = arith.addf %mul3A_16, %add3A_20 : vector<10240x24xf32>
    %max3A = arith.constant 0.000000e+00 : f32
    %max3A_22 = vector.broadcast %max3A : f32 to vector<10240x24xf32>
    %max3A_23 = arith.maximumf %add3A_21, %max3A_22 : vector<10240x24xf32>
    %get3A_24 = arith.constant 0 : index
    %get3A_25 = arith.constant 0 : index
    %get3A_26 = vector.load %arg3[%get3A_24, %get3A_25] : memref<24x16xf32, #tpu.memory_space<vmem>>, vector<24x16xf32>
    %dot_general3A = arith.constant dense<0.000000e+00> : vector<10240x16xf32>
    %dot_general3A_27 = tpu.matmul %max3A_23, %get3A_26, %dot_general3A {dimension_numbers = #tpu.dot_dimension_numbers<[1], [0], [0], [1], [0, 0, 1, 1], [], []>, transpose_lhs_hint = false} : vector<10240x24xf32>, vector<24x16xf32>, vector<10240x16xf32> -> vector<10240x16xf32>
    %get3A_28 = arith.constant 0 : index
    %get3A_29 = arith.constant 0 : index
    %get3A_30 = vector.load %arg2[%get3A_28, %get3A_29] : memref<10240x1xf32, #tpu.memory_space<vmem>>, vector<10240x1xf32>
    %mul3A_31 = vector.broadcast %get3A_30 : vector<10240x1xf32> to vector<10240x16xf32>
    %mul3A_32 = arith.mulf %dot_general3A_27, %mul3A_31 : vector<10240x16xf32>
    %swap3A = arith.constant 0 : index
    %swap3A_33 = arith.constant 0 : index
    %swap3A_34 = vector.load %arg5[%swap3A, %swap3A_33] : memref<10240x16xf32, #tpu.memory_space<vmem>>, vector<10240x16xf32>
    tpu.vector_store %arg5[%swap3A, %swap3A_33], %mul3A_32 {strides = array<i32>} : memref<10240x16xf32, #tpu.memory_space<vmem>>, vector<10240x16xf32>,
    return
  }
}

module attributes {stable_mosaic.version = 14 : i64} {
  func.func @body(%arg0: memref<2x10240x16xf32, #tpu.memory_space<vmem>>, %arg1: memref<10240x16xf32, #tpu.memory_space<vmem>>, %arg2: memref<10240x1xf32, #tpu.memory_space<vmem>>, %arg3: memref<1x16xf32, #tpu.memory_space<vmem>>, %arg4: memref<10000x10xf32, #tpu.memory_space<vmem>>) attributes {dimension_semantics = [], scalar_prefetch = 0 : i64, scratch_operands = 0 : i64, tpu.core_type = #tpu.core_type<tc>} {
    %get3A = arith.constant 0 : index
    %get3A_0 = arith.constant 0 : index
    %get3A_1 = arith.constant 0 : index
    %get3A_2 = vector.load %arg0[%get3A, %get3A_0, %get3A_1] : memref<2x10240x16xf32, #tpu.memory_space<vmem>>, vector<1x10240x16xf32>
    %get3A_3 = vector.shape_cast %get3A_2 : vector<1x10240x16xf32> to vector<10240x16xf32>
    %get3A_4 = arith.constant 1 : index
    %get3A_5 = arith.constant 0 : index
    %get3A_6 = arith.constant 0 : index
    %get3A_7 = vector.load %arg0[%get3A_4, %get3A_5, %get3A_6] : memref<2x10240x16xf32, #tpu.memory_space<vmem>>, vector<1x10240x16xf32>
    %get3A_8 = vector.shape_cast %get3A_7 : vector<1x10240x16xf32> to vector<10240x16xf32>
    %add3A = arith.addf %get3A_3, %get3A_8 : vector<10240x16xf32>
    %get3A_9 = arith.constant 0 : index
    %get3A_10 = arith.constant 0 : index
    %get3A_11 = vector.load %arg1[%get3A_9, %get3A_10] : memref<10240x16xf32, #tpu.memory_space<vmem>>, vector<10240x16xf32>
    %add3A_12 = arith.addf %add3A, %get3A_11 : vector<10240x16xf32>
    %get3A_13 = arith.constant 0 : index
    %get3A_14 = arith.constant 0 : index
    %get3A_15 = vector.load %arg2[%get3A_13, %get3A_14] : memref<10240x1xf32, #tpu.memory_space<vmem>>, vector<10240x1xf32>
    %mul3A = vector.broadcast %get3A_15 : vector<10240x1xf32> to vector<10240x16xf32>
    %mul3A_16 = arith.mulf %mul3A, %add3A_12 : vector<10240x16xf32>
    %get3A_17 = arith.constant 0 : index
    %get3A_18 = arith.constant 0 : index
    %get3A_19 = vector.load %arg3[%get3A_17, %get3A_18] : memref<1x16xf32, #tpu.memory_space<vmem>>, vector<1x16xf32>
    %add3A_20 = vector.broadcast %get3A_19 : vector<1x16xf32> to vector<10240x16xf32>
    %add3A_21 = arith.addf %mul3A_16, %add3A_20 : vector<10240x16xf32>
    %slice3A = vector.extract_strided_slice %add3A_21 {offsets = [0, 0], sizes = [10000, 10], strides = [1, 1]} : vector<10240x16xf32> to vector<10000x10xf32>
    %swap3A = arith.constant 0 : index
    %swap3A_22 = arith.constant 0 : index
    %swap3A_23 = vector.load %arg4[%swap3A, %swap3A_22] : memref<10000x10xf32, #tpu.memory_space<vmem>>, vector<10000x10xf32>
    tpu.vector_store %arg4[%swap3A, %swap3A_22], %slice3A {strides = array<i32>} : memref<10000x10xf32, #tpu.memory_space<vmem>>, vector<10000x10xf32>,
    return
  }
}

</mosaic_0001>

<sc_bundles>
// kernel: kernel.11.cloned.1.call-start
scs
__scs_entry_jumppad:
0x0: {  	(pc) =	sbr.rel $0x88, $3  }
0x1: {  	(tag) =	ssettag $0x0;
	lr =	simm.s32 $0x1  }
0x2: {  	[smem:$0x3F9B] =	sst lr;
	_ =	strace $0xD0000000  }
0x3: {  	_ = 	snop  }
0x4: {  	_ = 	snop  }
0x5: {  	_ = 	snop  }
0x6: {  	_ = 	snop  }
0x7: {  	_ = 	snop  }
__scs_overlays_trampoline_lowered:
0x8: {  	[smem:$0x3FAA] =	sst s0  }
0x9: {  	[smem:$0x3FAB] =	sst s1  }
0xa: {  	[smem:$0x3FAC] =	sst s2  }
0xb: {  	[smem:$0x3FAD] =	sst s3  }
0xc: {  	[smem:$0x3FAE] =	sst s4  }
0xd: {  	[smem:$0x3FAF] =	sst s5  }
0xe: {  	[smem:$0x3FB0] =	sst s6  }
0xf: {  	[smem:$0x3FB1] =	sst s7  }
0x10: {  	[smem:$0x3FB2] =	sst s8  }
0x11: {  	[smem:$0x3FB3] =	sst s9;
	s0 =	simm.s32 @!p0 $0x0  }
0x12: {  	s1 =	sld [smem:$0x3F99];
	s0 =	simm.s32 @p0 $0x1  }
0x13: {  	[smem:$0x3FB4] =	sst s0;
	s0 =	simm.s32 @!p1 $0x0  }
0x14: {  	s2 =	sld [smem:$0x3F98];
	s0 =	simm.s32 @p1 $0x1  }
0x15: {  	[smem:$0x3FB5] =	sst s0;
	s0 =	simm.s32 @!p2 $0x0  }
0x16: {  	s3 =	sld [smem:$0x3FDB];
	s0 =	simm.s32 @p2 $0x1  }
0x17: {  	s4 =	simm.s32 $0x1BF5;
	[smem:$0x3FB7] =	sst s0  }
0x18: {  	s0 =	sld [smem:$0x3F9A];
	_ =	swait.ge [sflag:s4], $0x0  }
0x19: {  	s7 =	sld [smem:$0x3F9B]  }
0x1a: {  	s8 =	sadd.s32 $0xFFFFE003, lr  }
0x1b: {  	s9 =	sadd.s32 $0xFFFFFEF7, lr;
	s5 =	simm.s32 $0xFFFFFFFF;
	p2 =	slt.u32 s8, $0xFFFFF086  }
0x1c: {  	p1 =	slt.u32 s9, $0xF7A;
	s5 =	simm.s32 @!p2 $0x0  }
0x1d: {  	s5 =	simm.s32 @p1 $0x1;
	p0 =	seq.s32 s7, s2  }
0x1e: {  	s7 =	smul.u32 @!p0 $0xF7A, s2;
	p2 =	seq.s32 @!p0 s5, $0x0  }
0x1f: {  	s9 =	smul.u32 $0xF7A, s1;
	s8 =	simm.s32 @!p0 $0x1BF5;
	p2 =	por !p2, p0  }
0x20: {  	[sflag:s8] =	ssyncset.s32 @!p0 $0xFFFFF086;
	s6 =	sadd.s32 @!p0 s3, s7;
	s7 =	simm.s32 @!p0 $0x108  }
0x21: {  	s3 =	sadd.s32 s3, s9;
	s6 =	sadd.s32 @!p0 $0x88, s6;
	s7 =	simm.s32 @p2 $0x1082  }
0x22: {  	[simem:s7], [sflag:s8] =	dma.local @!p0 [hbm:s6], $0xF7A  }
0x23: {  	s9 =	sor.u32 $0xD0000000, s2;
	s6 =	simm.s32 $0x108;
	_ =	swait.ge @!p0 [sflag:s8], $0x0  }
0x24: {  	s3 =	sadd.s32 $0x88, s3;
	s6 =	simm.s32 @!p1 $0x1082;
	[sflag:s4] =	ssyncset.s32 $0xFFFFF086  }
0x25: {  	[simem:s6], [sflag:s4] =	dma.local [hbm:s3], $0xF7A  }
0x26: {  	[smem:$0x3F9B] =	sst s1;
	(tag) =	ssettag s2;
	_ =	strace s9  }
0x27: {  	s1 =	sld [smem:$0x3FAB]  }
0x28: {  	s2 =	sld [smem:$0x3FAC]  }
0x29: {  	s4 =	sld [smem:$0x3FAE]  }
0x2a: {  	p0 =	seq.s32 s5, $0x0;
	s5 =	sld [smem:$0x3FAF]  }
0x2b: {  	s6 =	sld [smem:$0x3FB0]  }
0x2c: {  	s7 =	sld [smem:$0x3FB1]  }
0x2d: {  	s3 =	simm.s32 $0x108;
	s8 =	sld [smem:$0x3FB2]  }
0x2e: {  	s3 =	simm.s32 @!p0 $0x1082;
	s9 =	sld [smem:$0x3FB3]  }
0x2f: {  	lr =	sadd.s32 s0, s3;
	s0 =	sld [smem:$0x3FAA]  }
0x30: {  	s3 =	sld [smem:$0x3FAD]  }
0x31: {  	[smem:$0x3FB6] =	sst s10  }
0x32: {  	s10 =	sld [smem:$0x3FB4];
	_ =	sdelay $0x3  }
0x33: {  	p0 =	seq.s32 s10, $0x1;
	s10 =	sld [smem:$0x3FB6];
	_ =	sdelay $0x3  }
0x34: {  	[smem:$0x3FB6] =	sst s10  }
0x35: {  	s10 =	sld [smem:$0x3FB5];
	_ =	sdelay $0x3  }
0x36: {  	p1 =	seq.s32 s10, $0x1;
	s10 =	sld [smem:$0x3FB6];
	_ =	sdelay $0x3  }
0x37: {  	[smem:$0x3FB6] =	sst s10  }
0x38: {  	s10 =	sld [smem:$0x3FB7]  }
0x39: {  	_ = 	snop;
	(pc) =	sbr.ind lr, $3  }
0x3a: {  	_ = 	snop  }
0x3b: {  	_ = 	snop  }
0x3c: {  	p2 =	seq.s32 s10, $0x1;
	s10 =	sld [smem:$0x3FB6]  }
0x3d: {  	_ =	shalt  }
0x3e: {  	_ =	shalt  }
0x3f: {  	_ =	shalt  }
0x40: {  	_ =	shalt  }
0x41: {  	_ =	shalt  }
0x42: {  	_ =	shalt  }
0x43: {  	_ =	shalt  }
0x44: {  	_ =	shalt  }
0x45: {  	_ =	shalt  }
0x46: {  	_ =	shalt  }
0x47: {  	_ =	shalt  }
0x48: {  	_ =	shalt  }
0x49: {  	_ =	shalt  }
0x4a: {  	_ =	shalt  }
0x4b: {  	_ =	shalt  }
0x4c: {  	_ =	shalt  }
0x4d: {  	_ =	shalt  }
0x4e: {  	_ =	shalt  }
0x4f: {  	_ =	shalt  }
0x50: {  	_ =	shalt  }
0x51: {  	_ =	shalt  }
0x52: {  	_ =	shalt  }
0x53: {  	_ =	shalt  }
0x54: {  	_ =	shalt  }
0x55: {  	_ =	shalt  }
0x56: {  	_ =	shalt  }
0x57: {  	_ =	shalt  }
0x58: {  	_ =	shalt  }
0x59: {  	_ =	shalt  }
0x5a: {  	_ =	shalt  }
0x5b: {  	_ =	shalt  }
0x5c: {  	_ =	shalt  }
0x5d: {  	_ =	shalt  }
0x5e: {  	_ =	shalt  }
0x5f: {  	_ =	shalt  }
0x60: {  	_ =	shalt  }
0x61: {  	_ =	shalt  }
0x62: {  	_ =	shalt  }
0x63: {  	_ =	shalt  }
0x64: {  	_ =	shalt  }
0x65: {  	_ =	shalt  }
0x66: {  	_ =	shalt  }
0x67: {  	_ =	shalt  }
0x68: {  	_ =	shalt  }
0x69: {  	_ =	shalt  }
0x6a: {  	_ =	shalt  }
0x6b: {  	_ =	shalt  }
0x6c: {  	_ =	shalt  }
0x6d: {  	_ =	shalt  }
0x6e: {  	_ =	shalt  }
0x6f: {  	_ =	shalt  }
0x70: {  	_ =	shalt  }
0x71: {  	_ =	shalt  }
0x72: {  	_ =	shalt  }
0x73: {  	_ =	shalt  }
0x74: {  	_ =	shalt  }
0x75: {  	_ =	shalt  }
0x76: {  	_ =	shalt  }
0x77: {  	_ =	shalt  }
0x78: {  	_ =	shalt  }
0x79: {  	_ =	shalt  }
0x7a: {  	_ =	shalt  }
0x7b: {  	_ =	shalt  }
0x7c: {  	_ =	shalt  }
0x7d: {  	_ =	shalt  }
0x7e: {  	_ =	shalt  }
0x7f: {  	_ =	shalt  }
0x80: {  	_ =	shalt  }
0x81: {  	_ =	shalt  }
0x82: {  	_ =	shalt  }
0x83: {  	_ =	shalt  }
0x84: {  	_ =	shalt  }
0x85: {  	_ =	shalt  }
0x86: {  	_ =	shalt  }
0x87: {  	_ =	shalt  }
.Lfunc_end0:
.L_simem_size_0:
called_computation.1_lowered:
.L_overlay_start_0:
0x88: {  	s2 =	sld [smem:$0x3FD9]  }
0x89: {  	s3 =	sld [smem:$0x3FFE];
	_ =	sdelay $0x1  }
0x8a: {  	s1 =	srdreg.scid  }
0x8b: {  	s0 =	sand.u32 $0x1, s1  }
0x8c: {  	s16 =	sshll.u32 s0, $0xA;
	s2 =	sadd.s32 s3, s2  }
0x8d: {  	s2 =	sadd.s32 s2, s16  }
0x8e: {  	[smem:$0x3FC2] =	sst s2  }
0x8f: {  	_ = 	snop  }
0x90: {  	(tm) =	ssettm $0x1  }
0x91: {  	s17 =	sld [smem:$0x3FFB];
	_ =	sdelay $0x3  }
0x92: {  	_ =	strace s17  }
0x93: {  	s2 =	sld [smem:$0x3FFC];
	_ =	sdelay $0x3  }
0x94: {  	_ =	strace s2  }
0x95: {  	s2 =	sld [smem:$0x3FFD];
	_ =	sdelay $0x3  }
0x96: {  	_ =	strace s2  }
0x97: {  	_ =	strace $0x8FFFFFFF  }
0x98: {  	s18 =	sld [smem:$0x3FDB];
	_ =	sdelay $0x1  }
0x99: {  	s19 =	simm.s32 $_scs_section_size  }
0x9a: {  	s4 =	simm.s32 $_size__tile_overlayer_lowered;
	s5 =	simm.s32 $_tile_overlayer_lowered  }
0x9b: {  	s22 =	simm.s32 $0x1BFF;
	s21 =	sshll.u32 s5, $0x1;
	s2 =	sadd.s32 s19, s18  }
0x9c: {  	s6 =	simm.s32 $0x0;
	s20 =	sshll.u32 s4, $0x1;
	s4 =	sadd.s32 s21, s2  }
0x9d: {  	[timem:s6], [sflag:s22] =	dma.local [hbm:s4], s20  }
0x9e: {  	_ =	swait.ge [sflag:s22], s20  }
0x9f: {  	s3 =	ssub.s32 $0x0, s20;
	[sflag:s22] =	ssyncset.done $0x0  }
0xa0: {  	[sflag:s22] =	ssyncadd.s32 s3;
	_ =	sdelay $0x1  }
0xa1: {  	s23 =	simm.s32 $0x1B8B  }
0xa2: {  	_ =	swait.ge [sflag:s23], $0x1  }
0xa3: {  	[sflag:s23] =	ssyncset.done $0x0  }
0xa4: {  	s25 =	simm.s32 $0x1B8E;
	s24 =	sld [smem:$0x3FFE];
	[sflag:s23] =	ssyncadd.s32 $0xFFFFFFFF  }
0xa5: {  	s26 =	simm.s32 $execute0_lowered;
	[smem:$0x3FD2] =	sst s25  }
0xa6: {  	s4 =	sshll.u32 s26, $0x1;
	_ =	strace $0x80000049;
	[dreg:$0x1] =	wrdreg $0xFFFFFFFF  }
0xa7: {  	s28 =	simm.s32 $_size_execute0_lowered;
	s2 =	sadd.s32 s2, s4;
	[dreg:$0x0] =	wrdreg $0x0  }
0xa8: {  	s4 =	sshll.u32 s28, $0x1;
	[dreg:$0x2] =	wrdreg s2  }
0xa9: {  	[dreg:$0x3] =	wrdreg s4  }
0xaa: {  	[dreg:$0x4] =	wrdreg $0xC0  }
0xab: {  	_ =	task [dreg:s6], $0x5FFFF  }
0xac: {  	[dreg:$0x1] =	wrdreg $0xFFFFFFFF  }
0xad: {  	[dreg:$0x0] =	wrdreg $0x60  }
0xae: {  	[dreg:$0x2] =	wrdreg s24  }
0xaf: {  	[dreg:$0x3] =	wrdreg $0x50000  }
0xb0: {  	[dreg:$0x4] =	wrdreg $0x9  }
0xb1: {  	_ =	task.clear_ibuf [dreg:s6], $0x5FFFF;
	_ =	strace $0x90000049  }
0xb2: {  	s29 =	simm.s32 $0x9;
	_ =	strace $0x8000004B  }
0xb3: {  	_ =	swait.ge [sflag:s29], $0x1  }
0xb4: {  	[sflag:s29] =	ssyncadd.s32 $0xFFFFFFFF  }
0xb5: {  	_ =	strace $0x9000004B  }
0xb6: {  	_ =	sfence  }
0xb7: {  	s30 =	sld [smem:$0x0];
	_ =	sdelay $0x2  }
0xb8: {  	s31 =	sshll.u32 s1, $0xD;
	s1 =	sshrl.u32 s1, $0x2  }
0xb9: {  	s3 =	sand.u32 $0x4000, s31;
	s1 =	sadd.s32 s1, s30  }
0xba: {  	s0 =	sor.u32 s3, s0;
	s1 =	sshll.u32 s1, $0x11  }
0xbb: {  	s0 =	sor.u32 s1, s0  }
0xbc: {  	s0 =	sadd.s32 $0x8F2B, s0  }
0xbd: {  	[sflag:s0] =	ssyncadd.remote.s32 $0x1  }
0xbe: {  	_ =	sfence.sel $0xFFFF  }
0xbf: {  	[dreg:$0x0] =	wrdreg $0xFFFFFFFF;
	(pc) =	sbr.abs _section_cstart, $3  }
0xc0: {  	[dreg:$0x1] =	wrdreg $0xFFFFFFFF  }
0xc1: {  	_ =	task.clear_ibuf [dreg:s6], $0x2FFFF;
	_ =	strace $0x9FFFFFFF  }
0xc2: {  	(tm) =	ssettm $0x7FFFFFFF  }
0xc3: {  	_ =	shalt  }
tec
execute0_lowered:
.L_overlay_start_1:
0x0: {  	(tag) =	ssettag $0x1  }
0x1: {  	s0 =	srdreg.scid;
	s3 =	rddreg [dreg:$0x0]  }
0x2: {  	s8 =	stileid.u32;
	s2 =	rddreg [dreg:$0x1]  }
0x3: {  	s4 =	simm.s32 $0x0;
	s14 =	simm.s32 $0x7D;
	s15 =	simm.s32 $0x8C00  }
0x4: {  	s17 =	simm.s32 $0x97B8;
	s19 =	simm.s32 $0xA370;
	s21 =	simm.s32 $0xAF28  }
0x5: {  	s23 =	simm.s32 $0xBAE0;
	s28 =	simm.s32 $0xD250;
	s30 =	simm.s32 $0xDE08  }
0x6: {  	s31 =	simm.s32 $0x1;
	s13 =	simm.s32 $0x4;
	s16 =	simm.s32 $0x5  }
0x7: {  	s18 =	simm.s32 $0x6;
	s20 =	simm.s32 $0x7;
	s22 =	simm.s32 $0x8  }
0x8: {  	s29 =	simm.s32 $0xB;
	s9 =	simm.s32 $0xF;
	s10 =	simm.s32 $0x10  }
0x9: {  	s0 =	sand.u32 $0x1, s0;
	s1 =	sshll.u32 s8, $0x1;
	s5 =	smul.u32 $0x3C00, s8  }
0xa: {  	[smem:$0x7FF] =	sst s4;
	s4 =	sadd.s32 $0x1A800, s3;
	s25 =	sshll.u32 s8, $0x6  }
0xb: {  	s8 =	simm.s32 $0xE;
	s1 =	sor.u32 s0, s1;
	s6 =	smul.u32 $0x3C000, s0  }
0xc: {  	_ =	strace $0x8000004A;
	s0 =	ssub.s32 $0x2, s0;
	s11 =	sor.u32 $0x1C11, s25  }
0xd: {  	s25 =	simm.s32 $0xC698;
	s1 =	smul.u32 $0x500, s1;
	s7 =	sshrl.u32 s5, $0x3  }
0xe: {  	s24 =	sshrl.u32 s0, $0x1;
	[dreg:$0x4] =	wrdreg s11;
	s6 =	sadd.s32 s5, s6  }
0xf: {  	s7 =	sadd.s32 s7, s3;
	s0 =	ssub.s32 s0, s24;
	s5 =	sadd.s32 s5, s2  }
0x10: {  	s24 =	simm.s32 $0x9;
	s1 =	sadd.s32 s1, s3;
	s7 =	sadd.s32 $0x22000, s7  }
0x11: {  	s6 =	sshrl.u32 s6, $0x3;
	s0 =	smax.u32 s0, $0x1;
	[dreg:$0x3] =	wrdreg s7  }
0x12: {  	s12 =	sshrl.u32 s5, $0x3;
	s5 =	simm.s32 $0xC;
	[dreg:$0x8] =	wrdreg s0  }
.Ltmp0:
0x13: {  	s26 =	sadd.s32 $0x10800, s1;
	[dreg:$0x9] =	wrdreg s12;
	(pc) =	sbr.rel .LBB2_1-.Ltmp0, $4  }
0x14: {  	s3 =	sadd.s32 s6, s3;
	s1 =	sadd.s32 $0x1600, s1;
	[dreg:$0x5] =	wrdreg s26  }
0x15: {  	s0 =	simm.s32 $0x3;
	s6 =	simm.s32 $0x0;
	[dreg:$0x6] =	wrdreg s1  }
0x16: {  	s7 =	simm.s32 $0xD;
	s3 =	sadd.s32 $0x29800, s3;
	[dreg:$0xa] =	wrdreg s6  }
0x17: {  	s1 =	simm.s32 $0x2;
	s26 =	simm.s32 $0xA;
	[dreg:$0x7] =	wrdreg s3  }
.LBB2_3:
0x18: {  	_ =	swait.ge [sflag:s26], $0xBB8  }
0x19: {  	[sflag:s26] =	ssyncset.done $0x0  }
0x1a: {  	[sflag:s26] =	ssyncadd.s32 $0xFFFFF448  }
0x1b: {  	_ =	swait.ge [sflag:s29], $0xBB8  }
0x1c: {  	[sflag:s29] =	ssyncset.done $0x0  }
0x1d: {  	[sflag:s29] =	ssyncadd.s32 $0xFFFFF448  }
0x1e: {  	_ =	swait.ge [sflag:s5], $0xBB8  }
0x1f: {  	[sflag:s5] =	ssyncset.done $0x0  }
0x20: {  	[sflag:s5] =	ssyncadd.s32 $0xFFFFF448  }
0x21: {  	_ =	swait.ge [sflag:s7], $0xBB8  }
0x22: {  	[sflag:s7] =	ssyncset.done $0x0  }
0x23: {  	[sflag:s7] =	ssyncadd.s32 $0xFFFFF448  }
0x24: {  	_ =	swait.ge [sflag:s8], $0xBB8  }
0x25: {  	[sflag:s8] =	ssyncset.done $0x0  }
0x26: {  	[sflag:s8] =	ssyncadd.s32 $0xFFFFF448  }
0x27: {  	_ =	swait.ge [sflag:s9], $0xBB8  }
0x28: {  	[sflag:s9] =	ssyncset.done $0x0  }
0x29: {  	[sflag:s9] =	ssyncadd.s32 $0xFFFFF448  }
0x2a: {  	_ =	swait.ge [sflag:s10], $0xBB8  }
0x2b: {  	[sflag:s10] =	ssyncset.done $0x0  }
0x2c: {  	[sflag:s10] =	ssyncadd.s32 $0xFFFFF448  }
.LBB2_5:
0x2d: {  	[bflag:$0x0] =	sbarrier.arrive $0xFFFF  }
0x2e: {  	s11 =	rddreg [dreg:$0x4]  }
0x2f: {  	s6 =	rddreg [dreg:$0x7]  }
0x30: {  	s12 =	rddreg [dreg:$0x9]  }
0x31: {  	[hbm:s6], [sflag:s11] =	dma.local [spmem:s12], $0x780  }
0x32: {  	s6 =	simm.s32 $0x11  }
0x33: {  	_ =	swait.ge [sflag:s6], $0x780  }
0x34: {  	s3 =	rddreg [dreg:$0xa]  }
0x35: {  	[sflag:s6] =	ssyncset.done $0x0;
	s6 =	rddreg [dreg:$0x8];
	s3 =	sadd.s32 $0x1, s3  }
0x36: {  	p0 =	sne.s32 s3, s6  }
.Ltmp1:
0x37: {  	_ = 	snop;
	(pc) =	sbr.rel @!p0 .LBB2_6-.Ltmp1, $3  }
0x38: {  	_ =	sdelay $0x1  }
0x39: {  	s6 =	simm.s32 $0x11  }
0x3a: {  	[dreg:$0xa] =	wrdreg s3;
	[sflag:s6] =	ssyncadd.s32 $0xFFFFF880  }
.LBB2_1:
0x3b: {  	s3 =	simm.s32 $0x11;
	s6 =	rddreg [dreg:$0x3]  }
0x3c: {  	[spmem:s12], [sflag:s11] =	dma.local [hbm:s6], $0x780  }
0x3d: {  	_ =	swait.ge [sflag:s3], $0x780  }
0x3e: {  	[sflag:s3] =	ssyncset.done $0x0  }
0x3f: {  	s6 =	simm.s32 $0x0;
	s12 =	rddreg [dreg:$0x5];
	[sflag:s3] =	ssyncadd.s32 $0xFFFFF880  }
0x40: {  	[tilespmem:s6], [sflag:$0x11] =	stream.linear.gather [hbm4b:s12+s6], $0x2800, $0x38;
	[tilespmem:$0xE9C0] =	vst v63  }
0x41: {  	_ =	swait.ge [sflag:s3], $0x2800  }
0x42: {  	[sflag:s3] =	ssyncset.done $0x0  }
0x43: {  	s12 =	simm.s32 $0x2800;
	s11 =	rddreg [dreg:$0x6];
	[sflag:s3] =	ssyncadd.s32 $0xFFFFD800  }
0x44: {  	[tilespmem:s12], [sflag:$0x11] =	stream.linear.gather [hbm4b:s11+s6], $0x2800, $0x38;
	[tilespmem:$0xE9C0] =	vst v63  }
0x45: {  	_ =	swait.ge [sflag:s3], $0x2800  }
0x46: {  	[sflag:s3] =	ssyncset.done $0x0  }
0x47: {  	[sflag:s3] =	ssyncadd.s32 $0xFFFFD800  }
0x48: {  	[bflag:$0x0] =	sbarrier.arrive $0xFFFF  }
0x49: {  	[tilespmem:s15], [sflag:$0x1] =	stream.indirect.gather [hbm4b:s4+s14], $0x18, s6, s14, $0xb8;
	[tilespmem:$0xE9C0] =	vst v63  }
0x4a: {  	s12 =	simm.s32 $0x80  }
0x4b: {  	[tilespmem:s17], [sflag:$0x2] =	stream.indirect.gather [hbm4b:s4+s14], $0x18, s12, s14, $0xb8;
	[tilespmem:$0xE9C0] =	vst v63  }
0x4c: {  	s6 =	simm.s32 $0x100  }
0x4d: {  	[tilespmem:s19], [sflag:$0x3] =	stream.indirect.gather [hbm4b:s4+s14], $0x18, s6, s14, $0xb8;
	[tilespmem:$0xE9C0] =	vst v63  }
0x4e: {  	s11 =	simm.s32 $0x180  }
0x4f: {  	[tilespmem:s21], [sflag:$0x4] =	stream.indirect.gather [hbm4b:s4+s14], $0x18, s11, s14, $0xb8;
	[tilespmem:$0xE9C0] =	vst v63  }
0x50: {  	s12 =	simm.s32 $0x200  }
0x51: {  	[tilespmem:s23], [sflag:$0x5] =	stream.indirect.gather [hbm4b:s4+s14], $0x18, s12, s14, $0xb8;
	[tilespmem:$0xE9C0] =	vst v63  }
0x52: {  	s6 =	simm.s32 $0x280  }
0x53: {  	[tilespmem:s25], [sflag:$0x6] =	stream.indirect.gather [hbm4b:s4+s14], $0x18, s6, s14, $0xb8;
	[tilespmem:$0xE9C0] =	vst v63  }
0x54: {  	s11 =	simm.s32 $0x300  }
0x55: {  	[tilespmem:s28], [sflag:$0x7] =	stream.indirect.gather [hbm4b:s4+s14], $0x18, s11, s14, $0xb8;
	[tilespmem:$0xE9C0] =	vst v63  }
0x56: {  	s12 =	simm.s32 $0x380;
	s6 =	simm.s32 $0x0  }
0x57: {  	[tilespmem:s30], [sflag:$0x8] =	stream.indirect.gather [hbm4b:s4+s14], $0x18, s12, s14, $0xb8;
	[tilespmem:$0xE9C0] =	vst v63  }
.LBB2_2:
0x58: {  	_ =	swait.ge [sflag:s31], $0xBB8  }
0x59: {  	s11 =	sshra.s32 s6, $0x2;
	[sflag:s31] =	ssyncset.done $0x0  }
0x5a: {  	s12 =	sadd.s32 $0x2800, s11;
	[sflag:s31] =	ssyncadd.s32 $0xFFFFF448  }
0x5b: {  	[spmem:s2] =	stream.indirect.scatter.add.f32 [tilespmem:s15], [sflag:$0x9], $0x18, s12, s14, $0xb8;
	[tilespmem:$0xE9C0] =	vst v63  }
0x5c: {  	_ =	swait.ge [sflag:s1], $0xBB8  }
0x5d: {  	[sflag:s1] =	ssyncset.done $0x0  }
0x5e: {  	s3 =	sadd.s32 $0x2880, s11;
	[sflag:s1] =	ssyncadd.s32 $0xFFFFF448  }
0x5f: {  	[spmem:s2] =	stream.indirect.scatter.add.f32 [tilespmem:s17], [sflag:$0xA], $0x18, s3, s14, $0xb8;
	[tilespmem:$0xE9C0] =	vst v63  }
0x60: {  	_ =	swait.ge [sflag:s0], $0xBB8  }
0x61: {  	[sflag:s0] =	ssyncset.done $0x0  }
0x62: {  	s3 =	sadd.s32 $0x2900, s11;
	[sflag:s0] =	ssyncadd.s32 $0xFFFFF448  }
0x63: {  	[spmem:s2] =	stream.indirect.scatter.add.f32 [tilespmem:s19], [sflag:$0xB], $0x18, s3, s14, $0xb8;
	[tilespmem:$0xE9C0] =	vst v63  }
0x64: {  	_ =	swait.ge [sflag:s13], $0xBB8  }
0x65: {  	[sflag:s13] =	ssyncset.done $0x0  }
0x66: {  	s3 =	sadd.s32 $0x2980, s11;
	[sflag:s13] =	ssyncadd.s32 $0xFFFFF448  }
0x67: {  	[spmem:s2] =	stream.indirect.scatter.add.f32 [tilespmem:s21], [sflag:$0xC], $0x18, s3, s14, $0xb8;
	[tilespmem:$0xE9C0] =	vst v63  }
0x68: {  	_ =	swait.ge [sflag:s16], $0xBB8  }
0x69: {  	[sflag:s16] =	ssyncset.done $0x0  }
0x6a: {  	s3 =	sadd.s32 $0x2A00, s11;
	[sflag:s16] =	ssyncadd.s32 $0xFFFFF448  }
0x6b: {  	[spmem:s2] =	stream.indirect.scatter.add.f32 [tilespmem:s23], [sflag:$0xD], $0x18, s3, s14, $0xb8;
	[tilespmem:$0xE9C0] =	vst v63  }
0x6c: {  	_ =	swait.ge [sflag:s18], $0xBB8  }
0x6d: {  	[sflag:s18] =	ssyncset.done $0x0  }
0x6e: {  	s3 =	sadd.s32 $0x2A80, s11;
	[sflag:s18] =	ssyncadd.s32 $0xFFFFF448  }
0x6f: {  	[spmem:s2] =	stream.indirect.scatter.add.f32 [tilespmem:s25], [sflag:$0xE], $0x18, s3, s14, $0xb8;
	[tilespmem:$0xE9C0] =	vst v63  }
0x70: {  	_ =	swait.ge [sflag:s20], $0xBB8  }
0x71: {  	[sflag:s20] =	ssyncset.done $0x0  }
0x72: {  	s3 =	sadd.s32 $0x2B00, s11;
	[sflag:s20] =	ssyncadd.s32 $0xFFFFF448  }
0x73: {  	[spmem:s2] =	stream.indirect.scatter.add.f32 [tilespmem:s28], [sflag:$0xF], $0x18, s3, s14, $0xb8;
	[tilespmem:$0xE9C0] =	vst v63  }
0x74: {  	_ =	swait.ge [sflag:s22], $0xBB8  }
0x75: {  	p0 =	sne.s32 s6, $0x9000;
	[sflag:s22] =	ssyncset.done $0x0  }
.Ltmp2:
0x76: {  	s3 =	sadd.s32 $0x2B80, s11;
	[sflag:s22] =	ssyncadd.s32 $0xFFFFF448;
	(pc) =	sbr.rel @!p0 .LBB2_3-.Ltmp2, $4  }
0x77: {  	[spmem:s2] =	stream.indirect.scatter.add.f32 [tilespmem:s30], [sflag:$0x10], $0x18, s3, s14, $0xb8;
	[tilespmem:$0xE9C0] =	vst v63  }
0x78: {  	_ =	swait.ge [sflag:s24], $0xBB8  }
0x79: {  	[sflag:s24] =	ssyncset.done $0x0  }
0x7a: {  	[sflag:s24] =	ssyncadd.s32 $0xFFFFF448  }
0x7b: {  	s12 =	sadd.s32 $0x400, s11  }
0x7c: {  	[tilespmem:s15], [sflag:$0x1] =	stream.indirect.gather [hbm4b:s4+s14], $0x18, s12, s14, $0xb8;
	[tilespmem:$0xE9C0] =	vst v63  }
0x7d: {  	_ =	swait.ge [sflag:s26], $0xBB8  }
0x7e: {  	[sflag:s26] =	ssyncset.done $0x0  }
0x7f: {  	s3 =	sadd.s32 $0x480, s11;
	[sflag:s26] =	ssyncadd.s32 $0xFFFFF448  }
0x80: {  	[tilespmem:s17], [sflag:$0x2] =	stream.indirect.gather [hbm4b:s4+s14], $0x18, s3, s14, $0xb8;
	[tilespmem:$0xE9C0] =	vst v63  }
0x81: {  	_ =	swait.ge [sflag:s29], $0xBB8  }
0x82: {  	[sflag:s29] =	ssyncset.done $0x0  }
0x83: {  	s3 =	sadd.s32 $0x500, s11;
	[sflag:s29] =	ssyncadd.s32 $0xFFFFF448  }
0x84: {  	[tilespmem:s19], [sflag:$0x3] =	stream.indirect.gather [hbm4b:s4+s14], $0x18, s3, s14, $0xb8;
	[tilespmem:$0xE9C0] =	vst v63  }
0x85: {  	_ =	swait.ge [sflag:s5], $0xBB8  }
0x86: {  	[sflag:s5] =	ssyncset.done $0x0  }
0x87: {  	s3 =	sadd.s32 $0x580, s11;
	[sflag:s5] =	ssyncadd.s32 $0xFFFFF448  }
0x88: {  	[tilespmem:s21], [sflag:$0x4] =	stream.indirect.gather [hbm4b:s4+s14], $0x18, s3, s14, $0xb8;
	[tilespmem:$0xE9C0] =	vst v63  }
0x89: {  	_ =	swait.ge [sflag:s7], $0xBB8  }
0x8a: {  	[sflag:s7] =	ssyncset.done $0x0  }
0x8b: {  	s3 =	sadd.s32 $0x600, s11;
	[sflag:s7] =	ssyncadd.s32 $0xFFFFF448  }
0x8c: {  	[tilespmem:s23], [sflag:$0x5] =	stream.indirect.gather [hbm4b:s4+s14], $0x18, s3, s14, $0xb8;
	[tilespmem:$0xE9C0] =	vst v63  }
0x8d: {  	_ =	swait.ge [sflag:s8], $0xBB8  }
0x8e: {  	[sflag:s8] =	ssyncset.done $0x0  }
0x8f: {  	s3 =	sadd.s32 $0x680, s11;
	[sflag:s8] =	ssyncadd.s32 $0xFFFFF448  }
0x90: {  	[tilespmem:s25], [sflag:$0x6] =	stream.indirect.gather [hbm4b:s4+s14], $0x18, s3, s14, $0xb8;
	[tilespmem:$0xE9C0] =	vst v63  }
0x91: {  	_ =	swait.ge [sflag:s9], $0xBB8  }
0x92: {  	s6 =	sadd.s32 $0x1000, s6;
	[sflag:s9] =	ssyncset.done $0x0  }
0x93: {  	p0 =	sne.s32 s6, $0xA000;
	s3 =	sadd.s32 $0x700, s11;
	[sflag:s9] =	ssyncadd.s32 $0xFFFFF448  }
0x94: {  	[tilespmem:s28], [sflag:$0x7] =	stream.indirect.gather [hbm4b:s4+s14], $0x18, s3, s14, $0xb8;
	[tilespmem:$0xE9C0] =	vst v63  }
.Ltmp3:
0x95: {  	_ = 	snop;
	(pc) =	sbr.rel @p0 .LBB2_2-.Ltmp3, $4  }
.Ltmp4:
0x96: {  	_ =	swait.ge [sflag:s10], $0xBB8;
	(pc) =	sbr.rel @!p0 .LBB2_5-.Ltmp4, $4  }
0x97: {  	[sflag:s10] =	ssyncset.done $0x0  }
0x98: {  	s12 =	sadd.s32 $0x780, s11;
	[sflag:s10] =	ssyncadd.s32 $0xFFFFF448  }
0x99: {  	[tilespmem:s30], [sflag:$0x8] =	stream.indirect.gather [hbm4b:s4+s14], $0x18, s12, s14, $0xb8;
	[tilespmem:$0xE9C0] =	vst v63  }
0x9a: {  	_ = 	snop  }
.LBB2_6:
0x9b: {  	_ =	sfence.sel $0x180000  }
0x9c: {  	[bflag:$0x0] =	sbarrier.arrive $0xFFFF  }
0x9d: {  	_ =	strace $0x9000004A  }
0x9e: {  	s0 =	stileid.u32;
	[bflag:$0x2] =	sbarrier.arrive $0xFFFF  }
0x9f: {  	p0 =	sne.s32 s0, $0x0;
	s0 =	rddreg [dreg:$0x2]  }
0xa0: {  	s0 =	sadd.s32 @!p0 $0x100000, s0  }
0xa1: {  	[sflag:s0] =	ssyncadd.tile.s32 @!p0 $0x1;
	_ =	shalt  }
.Lfunc_end2:
_tile_overlayer_lowered:
.L_overlay_start_2:
0xa2: {  	(tag) =	ssettag $0x2  }
0xa3: {  	s0 =	rddreg [dreg:$0x0];
	s2 =	stileid.u32  }
0xa4: {  	s1 =	rddreg [dreg:$0x1];
	p0 =	sne.s32 s2, $0x0  }
0xa5: {  	s3 =	rddreg [dreg:$0x2];
	[bflag:$0x3] =	sbarrier.arrive $0xFFFF;
	s2 =	simm.s32 @!p0 $0x1C11  }
0xa6: {  	[timem:s3], [sflag:s2] =	dma.local @!p0 [hbm:s0], s1  }
0xa7: {  	s0 =	simm.s32 @!p0 $0x11  }
0xa8: {  	_ =	swait.ge @!p0 [sflag:s0], s1  }
0xa9: {  	s1 =	ssub.s32 @!p0 $0x0, s1;
	[sflag:s0] =	ssyncset.done @!p0 $0x0  }
0xaa: {  	[sflag:s0] =	ssyncadd.s32 @!p0 s1  }
0xab: {  	[bflag:$0x3] =	sbarrier.arrive $0xFFFF  }
0xac: {  	_ =	shalt  }

// kernel: kernel.14.cloned.1.call-start
scs
__scs_entry_jumppad:
0x0: {  	(pc) =	sbr.rel $0x88, $3  }
0x1: {  	(tag) =	ssettag $0x0;
	lr =	simm.s32 $0x1  }
0x2: {  	[smem:$0x3F9B] =	sst lr;
	_ =	strace $0xD0000000  }
0x3: {  	_ = 	snop  }
0x4: {  	_ = 	snop  }
0x5: {  	_ = 	snop  }
0x6: {  	_ = 	snop  }
0x7: {  	_ = 	snop  }
__scs_overlays_trampoline_lowered:
0x8: {  	[smem:$0x3FAA] =	sst s0  }
0x9: {  	[smem:$0x3FAB] =	sst s1  }
0xa: {  	[smem:$0x3FAC] =	sst s2  }
0xb: {  	[smem:$0x3FAD] =	sst s3  }
0xc: {  	[smem:$0x3FAE] =	sst s4  }
0xd: {  	[smem:$0x3FAF] =	sst s5  }
0xe: {  	[smem:$0x3FB0] =	sst s6  }
0xf: {  	[smem:$0x3FB1] =	sst s7  }
0x10: {  	[smem:$0x3FB2] =	sst s8  }
0x11: {  	[smem:$0x3FB3] =	sst s9;
	s0 =	simm.s32 @!p0 $0x0  }
0x12: {  	s1 =	sld [smem:$0x3F99];
	s0 =	simm.s32 @p0 $0x1  }
0x13: {  	[smem:$0x3FB4] =	sst s0;
	s0 =	simm.s32 @!p1 $0x0  }
0x14: {  	s2 =	sld [smem:$0x3F98];
	s0 =	simm.s32 @p1 $0x1  }
0x15: {  	[smem:$0x3FB5] =	sst s0;
	s0 =	simm.s32 @!p2 $0x0  }
0x16: {  	s3 =	sld [smem:$0x3FDB];
	s0 =	simm.s32 @p2 $0x1  }
0x17: {  	s4 =	simm.s32 $0x1BF5;
	[smem:$0x3FB7] =	sst s0  }
0x18: {  	s0 =	sld [smem:$0x3F9A];
	_ =	swait.ge [sflag:s4], $0x0  }
0x19: {  	s7 =	sld [smem:$0x3F9B]  }
0x1a: {  	s8 =	sadd.s32 $0xFFFFE003, lr  }
0x1b: {  	s9 =	sadd.s32 $0xFFFFFEF7, lr;
	s5 =	simm.s32 $0xFFFFFFFF;
	p2 =	slt.u32 s8, $0xFFFFF086  }
0x1c: {  	p1 =	slt.u32 s9, $0xF7A;
	s5 =	simm.s32 @!p2 $0x0  }
0x1d: {  	s5 =	simm.s32 @p1 $0x1;
	p0 =	seq.s32 s7, s2  }
0x1e: {  	s7 =	smul.u32 @!p0 $0xF7A, s2;
	p2 =	seq.s32 @!p0 s5, $0x0  }
0x1f: {  	s9 =	smul.u32 $0xF7A, s1;
	s8 =	simm.s32 @!p0 $0x1BF5;
	p2 =	por !p2, p0  }
0x20: {  	[sflag:s8] =	ssyncset.s32 @!p0 $0xFFFFF086;
	s6 =	sadd.s32 @!p0 s3, s7;
	s7 =	simm.s32 @!p0 $0x108  }
0x21: {  	s3 =	sadd.s32 s3, s9;
	s6 =	sadd.s32 @!p0 $0x88, s6;
	s7 =	simm.s32 @p2 $0x1082  }
0x22: {  	[simem:s7], [sflag:s8] =	dma.local @!p0 [hbm:s6], $0xF7A  }
0x23: {  	s9 =	sor.u32 $0xD0000000, s2;
	s6 =	simm.s32 $0x108;
	_ =	swait.ge @!p0 [sflag:s8], $0x0  }
0x24: {  	s3 =	sadd.s32 $0x88, s3;
	s6 =	simm.s32 @!p1 $0x1082;
	[sflag:s4] =	ssyncset.s32 $0xFFFFF086  }
0x25: {  	[simem:s6], [sflag:s4] =	dma.local [hbm:s3], $0xF7A  }
0x26: {  	[smem:$0x3F9B] =	sst s1;
	(tag) =	ssettag s2;
	_ =	strace s9  }
0x27: {  	s1 =	sld [smem:$0x3FAB]  }
0x28: {  	s2 =	sld [smem:$0x3FAC]  }
0x29: {  	s4 =	sld [smem:$0x3FAE]  }
0x2a: {  	p0 =	seq.s32 s5, $0x0;
	s5 =	sld [smem:$0x3FAF]  }
0x2b: {  	s6 =	sld [smem:$0x3FB0]  }
0x2c: {  	s7 =	sld [smem:$0x3FB1]  }
0x2d: {  	s3 =	simm.s32 $0x108;
	s8 =	sld [smem:$0x3FB2]  }
0x2e: {  	s3 =	simm.s32 @!p0 $0x1082;
	s9 =	sld [smem:$0x3FB3]  }
0x2f: {  	lr =	sadd.s32 s0, s3;
	s0 =	sld [smem:$0x3FAA]  }
0x30: {  	s3 =	sld [smem:$0x3FAD]  }
0x31: {  	[smem:$0x3FB6] =	sst s10  }
0x32: {  	s10 =	sld [smem:$0x3FB4];
	_ =	sdelay $0x3  }
0x33: {  	p0 =	seq.s32 s10, $0x1;
	s10 =	sld [smem:$0x3FB6];
	_ =	sdelay $0x3  }
0x34: {  	[smem:$0x3FB6] =	sst s10  }
0x35: {  	s10 =	sld [smem:$0x3FB5];
	_ =	sdelay $0x3  }
0x36: {  	p1 =	seq.s32 s10, $0x1;
	s10 =	sld [smem:$0x3FB6];
	_ =	sdelay $0x3  }
0x37: {  	[smem:$0x3FB6] =	sst s10  }
0x38: {  	s10 =	sld [smem:$0x3FB7]  }
0x39: {  	_ = 	snop;
	(pc) =	sbr.ind lr, $3  }
0x3a: {  	_ = 	snop  }
0x3b: {  	_ = 	snop  }
0x3c: {  	p2 =	seq.s32 s10, $0x1;
	s10 =	sld [smem:$0x3FB6]  }
0x3d: {  	_ =	shalt  }
0x3e: {  	_ =	shalt  }
0x3f: {  	_ =	shalt  }
0x40: {  	_ =	shalt  }
0x41: {  	_ =	shalt  }
0x42: {  	_ =	shalt  }
0x43: {  	_ =	shalt  }
0x44: {  	_ =	shalt  }
0x45: {  	_ =	shalt  }
0x46: {  	_ =	shalt  }
0x47: {  	_ =	shalt  }
0x48: {  	_ =	shalt  }
0x49: {  	_ =	shalt  }
0x4a: {  	_ =	shalt  }
0x4b: {  	_ =	shalt  }
0x4c: {  	_ =	shalt  }
0x4d: {  	_ =	shalt  }
0x4e: {  	_ =	shalt  }
0x4f: {  	_ =	shalt  }
0x50: {  	_ =	shalt  }
0x51: {  	_ =	shalt  }
0x52: {  	_ =	shalt  }
0x53: {  	_ =	shalt  }
0x54: {  	_ =	shalt  }
0x55: {  	_ =	shalt  }
0x56: {  	_ =	shalt  }
0x57: {  	_ =	shalt  }
0x58: {  	_ =	shalt  }
0x59: {  	_ =	shalt  }
0x5a: {  	_ =	shalt  }
0x5b: {  	_ =	shalt  }
0x5c: {  	_ =	shalt  }
0x5d: {  	_ =	shalt  }
0x5e: {  	_ =	shalt  }
0x5f: {  	_ =	shalt  }
0x60: {  	_ =	shalt  }
0x61: {  	_ =	shalt  }
0x62: {  	_ =	shalt  }
0x63: {  	_ =	shalt  }
0x64: {  	_ =	shalt  }
0x65: {  	_ =	shalt  }
0x66: {  	_ =	shalt  }
0x67: {  	_ =	shalt  }
0x68: {  	_ =	shalt  }
0x69: {  	_ =	shalt  }
0x6a: {  	_ =	shalt  }
0x6b: {  	_ =	shalt  }
0x6c: {  	_ =	shalt  }
0x6d: {  	_ =	shalt  }
0x6e: {  	_ =	shalt  }
0x6f: {  	_ =	shalt  }
0x70: {  	_ =	shalt  }
0x71: {  	_ =	shalt  }
0x72: {  	_ =	shalt  }
0x73: {  	_ =	shalt  }
0x74: {  	_ =	shalt  }
0x75: {  	_ =	shalt  }
0x76: {  	_ =	shalt  }
0x77: {  	_ =	shalt  }
0x78: {  	_ =	shalt  }
0x79: {  	_ =	shalt  }
0x7a: {  	_ =	shalt  }
0x7b: {  	_ =	shalt  }
0x7c: {  	_ =	shalt  }
0x7d: {  	_ =	shalt  }
0x7e: {  	_ =	shalt  }
0x7f: {  	_ =	shalt  }
0x80: {  	_ =	shalt  }
0x81: {  	_ =	shalt  }
0x82: {  	_ =	shalt  }
0x83: {  	_ =	shalt  }
0x84: {  	_ =	shalt  }
0x85: {  	_ =	shalt  }
0x86: {  	_ =	shalt  }
0x87: {  	_ =	shalt  }
.Lfunc_end0:
.L_simem_size_0:
called_computation.2_lowered:
.L_overlay_start_0:
0x88: {  	s2 =	sld [smem:$0x3FD9]  }
0x89: {  	s3 =	sld [smem:$0x3FFE];
	_ =	sdelay $0x1  }
0x8a: {  	s1 =	srdreg.scid  }
0x8b: {  	s0 =	sand.u32 $0x1, s1  }
0x8c: {  	s16 =	sshll.u32 s0, $0xA;
	s2 =	sadd.s32 s3, s2  }
0x8d: {  	s2 =	sadd.s32 s2, s16  }
0x8e: {  	[smem:$0x3FC2] =	sst s2  }
0x8f: {  	_ = 	snop  }
0x90: {  	(tm) =	ssettm $0x1  }
0x91: {  	s17 =	sld [smem:$0x3FFB];
	_ =	sdelay $0x3  }
0x92: {  	_ =	strace s17  }
0x93: {  	s2 =	sld [smem:$0x3FFC];
	_ =	sdelay $0x3  }
0x94: {  	_ =	strace s2  }
0x95: {  	s2 =	sld [smem:$0x3FFD];
	_ =	sdelay $0x3  }
0x96: {  	_ =	strace s2  }
0x97: {  	_ =	strace $0x8FFFFFFF  }
0x98: {  	s18 =	sld [smem:$0x3FDB];
	_ =	sdelay $0x1  }
0x99: {  	s19 =	simm.s32 $_scs_section_size  }
0x9a: {  	s4 =	simm.s32 $_size__tile_overlayer_lowered;
	s5 =	simm.s32 $_tile_overlayer_lowered  }
0x9b: {  	s22 =	simm.s32 $0x1BFF;
	s21 =	sshll.u32 s5, $0x1;
	s2 =	sadd.s32 s19, s18  }
0x9c: {  	s6 =	simm.s32 $0x0;
	s20 =	sshll.u32 s4, $0x1;
	s4 =	sadd.s32 s21, s2  }
0x9d: {  	[timem:s6], [sflag:s22] =	dma.local [hbm:s4], s20  }
0x9e: {  	_ =	swait.ge [sflag:s22], s20  }
0x9f: {  	s3 =	ssub.s32 $0x0, s20;
	[sflag:s22] =	ssyncset.done $0x0  }
0xa0: {  	[sflag:s22] =	ssyncadd.s32 s3;
	_ =	sdelay $0x1  }
0xa1: {  	s23 =	simm.s32 $0x1B8B  }
0xa2: {  	_ =	swait.ge [sflag:s23], $0x1  }
0xa3: {  	[sflag:s23] =	ssyncset.done $0x0  }
0xa4: {  	s25 =	simm.s32 $0x1B8E;
	s24 =	sld [smem:$0x3FFE];
	[sflag:s23] =	ssyncadd.s32 $0xFFFFFFFF  }
0xa5: {  	s26 =	simm.s32 $execute0_lowered;
	[smem:$0x3FD2] =	sst s25  }
0xa6: {  	s4 =	sshll.u32 s26, $0x1;
	_ =	strace $0x8000004C;
	[dreg:$0x1] =	wrdreg $0xFFFFFFFF  }
0xa7: {  	s28 =	simm.s32 $_size_execute0_lowered;
	s2 =	sadd.s32 s2, s4;
	[dreg:$0x0] =	wrdreg $0x0  }
0xa8: {  	s4 =	sshll.u32 s28, $0x1;
	[dreg:$0x2] =	wrdreg s2  }
0xa9: {  	[dreg:$0x3] =	wrdreg s4  }
0xaa: {  	[dreg:$0x4] =	wrdreg $0xC0  }
0xab: {  	_ =	task [dreg:s6], $0x5FFFF  }
0xac: {  	[dreg:$0x1] =	wrdreg $0xFFFFFFFF  }
0xad: {  	[dreg:$0x0] =	wrdreg $0x60  }
0xae: {  	[dreg:$0x2] =	wrdreg s24  }
0xaf: {  	[dreg:$0x3] =	wrdreg $0x50000  }
0xb0: {  	[dreg:$0x4] =	wrdreg $0x9  }
0xb1: {  	_ =	task.clear_ibuf [dreg:s6], $0x5FFFF;
	_ =	strace $0x9000004C  }
0xb2: {  	s29 =	simm.s32 $0x9;
	_ =	strace $0x8000004E  }
0xb3: {  	_ =	swait.ge [sflag:s29], $0x1  }
0xb4: {  	[sflag:s29] =	ssyncadd.s32 $0xFFFFFFFF  }
0xb5: {  	_ =	strace $0x9000004E  }
0xb6: {  	_ =	sfence  }
0xb7: {  	s30 =	sld [smem:$0x0];
	_ =	sdelay $0x2  }
0xb8: {  	s31 =	sshll.u32 s1, $0xD;
	s1 =	sshrl.u32 s1, $0x2  }
0xb9: {  	s3 =	sand.u32 $0x4000, s31;
	s1 =	sadd.s32 s1, s30  }
0xba: {  	s0 =	sor.u32 s3, s0;
	s1 =	sshll.u32 s1, $0x11  }
0xbb: {  	s0 =	sor.u32 s1, s0  }
0xbc: {  	s0 =	sadd.s32 $0x8F2B, s0  }
0xbd: {  	[sflag:s0] =	ssyncadd.remote.s32 $0x1  }
0xbe: {  	_ =	sfence.sel $0xFFFF  }
0xbf: {  	[dreg:$0x0] =	wrdreg $0xFFFFFFFF;
	(pc) =	sbr.abs _section_cstart, $3  }
0xc0: {  	[dreg:$0x1] =	wrdreg $0xFFFFFFFF  }
0xc1: {  	_ =	task.clear_ibuf [dreg:s6], $0x2FFFF;
	_ =	strace $0x9FFFFFFF  }
0xc2: {  	(tm) =	ssettm $0x7FFFFFFF  }
0xc3: {  	_ =	shalt  }
tec
execute0_lowered:
.L_overlay_start_1:
0x0: {  	(tag) =	ssettag $0x1  }
0x1: {  	s0 =	srdreg.scid;
	s3 =	rddreg [dreg:$0x0]  }
0x2: {  	s8 =	stileid.u32;
	s2 =	rddreg [dreg:$0x1]  }
0x3: {  	s4 =	simm.s32 $0x0;
	s14 =	simm.s32 $0x7D;
	s15 =	simm.s32 $0x7800  }
0x4: {  	s17 =	simm.s32 $0x7FD0;
	s19 =	simm.s32 $0x87A0;
	s21 =	simm.s32 $0x8F70  }
0x5: {  	s23 =	simm.s32 $0x9740;
	s28 =	simm.s32 $0xA6E0;
	s30 =	simm.s32 $0xAEB0  }
0x6: {  	s31 =	simm.s32 $0x1;
	s13 =	simm.s32 $0x4;
	s16 =	simm.s32 $0x5  }
0x7: {  	s18 =	simm.s32 $0x6;
	s20 =	simm.s32 $0x7;
	s22 =	simm.s32 $0x8  }
0x8: {  	s29 =	simm.s32 $0xB;
	s9 =	simm.s32 $0xF;
	s10 =	simm.s32 $0x10  }
0x9: {  	s0 =	sand.u32 $0x1, s0;
	s1 =	sshll.u32 s8, $0x1;
	s5 =	smul.u32 $0x2800, s8  }
0xa: {  	[smem:$0x7FF] =	sst s4;
	s4 =	sadd.s32 $0xB600, s3;
	s25 =	sshll.u32 s8, $0x6  }
0xb: {  	s8 =	simm.s32 $0xE;
	s1 =	sor.u32 s0, s1;
	s6 =	smul.u32 $0x28000, s0  }
0xc: {  	_ =	strace $0x8000004D;
	s0 =	ssub.s32 $0x2, s0;
	s11 =	sor.u32 $0x1C11, s25  }
0xd: {  	s25 =	simm.s32 $0x9F10;
	s1 =	smul.u32 $0x500, s1;
	s7 =	sshrl.u32 s5, $0x3  }
0xe: {  	s24 =	sshrl.u32 s0, $0x1;
	[dreg:$0x4] =	wrdreg s11;
	s6 =	sadd.s32 s5, s6  }
0xf: {  	s7 =	sadd.s32 s7, s3;
	s0 =	ssub.s32 s0, s24;
	s5 =	sadd.s32 s5, s2  }
0x10: {  	s24 =	simm.s32 $0x9;
	s1 =	sadd.s32 s1, s3;
	s7 =	sadd.s32 $0x1A800, s7  }
0x11: {  	s6 =	sshrl.u32 s6, $0x3;
	s0 =	smax.u32 s0, $0x1;
	[dreg:$0x3] =	wrdreg s7  }
0x12: {  	s12 =	sshrl.u32 s5, $0x3;
	s5 =	simm.s32 $0xC;
	[dreg:$0x8] =	wrdreg s0  }
.Ltmp0:
0x13: {  	s26 =	sadd.s32 $0x10800, s1;
	[dreg:$0x9] =	wrdreg s12;
	(pc) =	sbr.rel .LBB2_1-.Ltmp0, $4  }
0x14: {  	s3 =	sadd.s32 s6, s3;
	s1 =	sadd.s32 $0x1600, s1;
	[dreg:$0x5] =	wrdreg s26  }
0x15: {  	s0 =	simm.s32 $0x3;
	s6 =	simm.s32 $0x0;
	[dreg:$0x6] =	wrdreg s1  }
0x16: {  	s7 =	simm.s32 $0xD;
	s3 =	sadd.s32 $0x1F800, s3;
	[dreg:$0xa] =	wrdreg s6  }
0x17: {  	s1 =	simm.s32 $0x2;
	s26 =	simm.s32 $0xA;
	[dreg:$0x7] =	wrdreg s3  }
.LBB2_3:
0x18: {  	_ =	swait.ge [sflag:s26], $0x7D0  }
0x19: {  	[sflag:s26] =	ssyncset.done $0x0  }
0x1a: {  	[sflag:s26] =	ssyncadd.s32 $0xFFFFF830  }
0x1b: {  	_ =	swait.ge [sflag:s29], $0x7D0  }
0x1c: {  	[sflag:s29] =	ssyncset.done $0x0  }
0x1d: {  	[sflag:s29] =	ssyncadd.s32 $0xFFFFF830  }
0x1e: {  	_ =	swait.ge [sflag:s5], $0x7D0  }
0x1f: {  	[sflag:s5] =	ssyncset.done $0x0  }
0x20: {  	[sflag:s5] =	ssyncadd.s32 $0xFFFFF830  }
0x21: {  	_ =	swait.ge [sflag:s7], $0x7D0  }
0x22: {  	[sflag:s7] =	ssyncset.done $0x0  }
0x23: {  	[sflag:s7] =	ssyncadd.s32 $0xFFFFF830  }
0x24: {  	_ =	swait.ge [sflag:s8], $0x7D0  }
0x25: {  	[sflag:s8] =	ssyncset.done $0x0  }
0x26: {  	[sflag:s8] =	ssyncadd.s32 $0xFFFFF830  }
0x27: {  	_ =	swait.ge [sflag:s9], $0x7D0  }
0x28: {  	[sflag:s9] =	ssyncset.done $0x0  }
0x29: {  	[sflag:s9] =	ssyncadd.s32 $0xFFFFF830  }
0x2a: {  	_ =	swait.ge [sflag:s10], $0x7D0  }
0x2b: {  	[sflag:s10] =	ssyncset.done $0x0  }
0x2c: {  	[sflag:s10] =	ssyncadd.s32 $0xFFFFF830  }
.LBB2_5:
0x2d: {  	[bflag:$0x0] =	sbarrier.arrive $0xFFFF  }
0x2e: {  	s11 =	rddreg [dreg:$0x4]  }
0x2f: {  	s6 =	rddreg [dreg:$0x7]  }
0x30: {  	s12 =	rddreg [dreg:$0x9]  }
0x31: {  	[hbm:s6], [sflag:s11] =	dma.local [spmem:s12], $0x500  }
0x32: {  	s6 =	simm.s32 $0x11  }
0x33: {  	_ =	swait.ge [sflag:s6], $0x500  }
0x34: {  	s3 =	rddreg [dreg:$0xa]  }
0x35: {  	[sflag:s6] =	ssyncset.done $0x0;
	s6 =	rddreg [dreg:$0x8];
	s3 =	sadd.s32 $0x1, s3  }
0x36: {  	p0 =	sne.s32 s3, s6  }
.Ltmp1:
0x37: {  	_ = 	snop;
	(pc) =	sbr.rel @!p0 .LBB2_6-.Ltmp1, $3  }
0x38: {  	_ =	sdelay $0x1  }
0x39: {  	s6 =	simm.s32 $0x11  }
0x3a: {  	[dreg:$0xa] =	wrdreg s3;
	[sflag:s6] =	ssyncadd.s32 $0xFFFFFB00  }
.LBB2_1:
0x3b: {  	s3 =	simm.s32 $0x11;
	s6 =	rddreg [dreg:$0x3]  }
0x3c: {  	[spmem:s12], [sflag:s11] =	dma.local [hbm:s6], $0x500  }
0x3d: {  	_ =	swait.ge [sflag:s3], $0x500  }
0x3e: {  	[sflag:s3] =	ssyncset.done $0x0  }
0x3f: {  	s6 =	simm.s32 $0x0;
	s12 =	rddreg [dreg:$0x5];
	[sflag:s3] =	ssyncadd.s32 $0xFFFFFB00  }
0x40: {  	[tilespmem:s6], [sflag:$0x11] =	stream.linear.gather [hbm4b:s12+s6], $0x2800, $0x38;
	[tilespmem:$0xB680] =	vst v63  }
0x41: {  	_ =	swait.ge [sflag:s3], $0x2800  }
0x42: {  	[sflag:s3] =	ssyncset.done $0x0  }
0x43: {  	s12 =	simm.s32 $0x2800;
	s11 =	rddreg [dreg:$0x6];
	[sflag:s3] =	ssyncadd.s32 $0xFFFFD800  }
0x44: {  	[tilespmem:s12], [sflag:$0x11] =	stream.linear.gather [hbm4b:s11+s6], $0x2800, $0x38;
	[tilespmem:$0xB680] =	vst v63  }
0x45: {  	_ =	swait.ge [sflag:s3], $0x2800  }
0x46: {  	[sflag:s3] =	ssyncset.done $0x0  }
0x47: {  	[sflag:s3] =	ssyncadd.s32 $0xFFFFD800  }
0x48: {  	[bflag:$0x0] =	sbarrier.arrive $0xFFFF  }
0x49: {  	[tilespmem:s15], [sflag:$0x1] =	stream.indirect.gather [hbm4b:s4+s14], $0x10, s6, s14, $0xb8;
	[tilespmem:$0xB680] =	vst v63  }
0x4a: {  	s12 =	simm.s32 $0x80  }
0x4b: {  	[tilespmem:s17], [sflag:$0x2] =	stream.indirect.gather [hbm4b:s4+s14], $0x10, s12, s14, $0xb8;
	[tilespmem:$0xB680] =	vst v63  }
0x4c: {  	s6 =	simm.s32 $0x100  }
0x4d: {  	[tilespmem:s19], [sflag:$0x3] =	stream.indirect.gather [hbm4b:s4+s14], $0x10, s6, s14, $0xb8;
	[tilespmem:$0xB680] =	vst v63  }
0x4e: {  	s11 =	simm.s32 $0x180  }
0x4f: {  	[tilespmem:s21], [sflag:$0x4] =	stream.indirect.gather [hbm4b:s4+s14], $0x10, s11, s14, $0xb8;
	[tilespmem:$0xB680] =	vst v63  }
0x50: {  	s12 =	simm.s32 $0x200  }
0x51: {  	[tilespmem:s23], [sflag:$0x5] =	stream.indirect.gather [hbm4b:s4+s14], $0x10, s12, s14, $0xb8;
	[tilespmem:$0xB680] =	vst v63  }
0x52: {  	s6 =	simm.s32 $0x280  }
0x53: {  	[tilespmem:s25], [sflag:$0x6] =	stream.indirect.gather [hbm4b:s4+s14], $0x10, s6, s14, $0xb8;
	[tilespmem:$0xB680] =	vst v63  }
0x54: {  	s11 =	simm.s32 $0x300  }
0x55: {  	[tilespmem:s28], [sflag:$0x7] =	stream.indirect.gather [hbm4b:s4+s14], $0x10, s11, s14, $0xb8;
	[tilespmem:$0xB680] =	vst v63  }
0x56: {  	s12 =	simm.s32 $0x380;
	s6 =	simm.s32 $0x0  }
0x57: {  	[tilespmem:s30], [sflag:$0x8] =	stream.indirect.gather [hbm4b:s4+s14], $0x10, s12, s14, $0xb8;
	[tilespmem:$0xB680] =	vst v63  }
.LBB2_2:
0x58: {  	_ =	swait.ge [sflag:s31], $0x7D0  }
0x59: {  	s11 =	sshra.s32 s6, $0x2;
	[sflag:s31] =	ssyncset.done $0x0  }
0x5a: {  	s12 =	sadd.s32 $0x2800, s11;
	[sflag:s31] =	ssyncadd.s32 $0xFFFFF830  }
0x5b: {  	[spmem:s2] =	stream.indirect.scatter.add.f32 [tilespmem:s15], [sflag:$0x9], $0x10, s12, s14, $0xb8;
	[tilespmem:$0xB680] =	vst v63  }
0x5c: {  	_ =	swait.ge [sflag:s1], $0x7D0  }
0x5d: {  	[sflag:s1] =	ssyncset.done $0x0  }
0x5e: {  	s3 =	sadd.s32 $0x2880, s11;
	[sflag:s1] =	ssyncadd.s32 $0xFFFFF830  }
0x5f: {  	[spmem:s2] =	stream.indirect.scatter.add.f32 [tilespmem:s17], [sflag:$0xA], $0x10, s3, s14, $0xb8;
	[tilespmem:$0xB680] =	vst v63  }
0x60: {  	_ =	swait.ge [sflag:s0], $0x7D0  }
0x61: {  	[sflag:s0] =	ssyncset.done $0x0  }
0x62: {  	s3 =	sadd.s32 $0x2900, s11;
	[sflag:s0] =	ssyncadd.s32 $0xFFFFF830  }
0x63: {  	[spmem:s2] =	stream.indirect.scatter.add.f32 [tilespmem:s19], [sflag:$0xB], $0x10, s3, s14, $0xb8;
	[tilespmem:$0xB680] =	vst v63  }
0x64: {  	_ =	swait.ge [sflag:s13], $0x7D0  }
0x65: {  	[sflag:s13] =	ssyncset.done $0x0  }
0x66: {  	s3 =	sadd.s32 $0x2980, s11;
	[sflag:s13] =	ssyncadd.s32 $0xFFFFF830  }
0x67: {  	[spmem:s2] =	stream.indirect.scatter.add.f32 [tilespmem:s21], [sflag:$0xC], $0x10, s3, s14, $0xb8;
	[tilespmem:$0xB680] =	vst v63  }
0x68: {  	_ =	swait.ge [sflag:s16], $0x7D0  }
0x69: {  	[sflag:s16] =	ssyncset.done $0x0  }
0x6a: {  	s3 =	sadd.s32 $0x2A00, s11;
	[sflag:s16] =	ssyncadd.s32 $0xFFFFF830  }
0x6b: {  	[spmem:s2] =	stream.indirect.scatter.add.f32 [tilespmem:s23], [sflag:$0xD], $0x10, s3, s14, $0xb8;
	[tilespmem:$0xB680] =	vst v63  }
0x6c: {  	_ =	swait.ge [sflag:s18], $0x7D0  }
0x6d: {  	[sflag:s18] =	ssyncset.done $0x0  }
0x6e: {  	s3 =	sadd.s32 $0x2A80, s11;
	[sflag:s18] =	ssyncadd.s32 $0xFFFFF830  }
0x6f: {  	[spmem:s2] =	stream.indirect.scatter.add.f32 [tilespmem:s25], [sflag:$0xE], $0x10, s3, s14, $0xb8;
	[tilespmem:$0xB680] =	vst v63  }
0x70: {  	_ =	swait.ge [sflag:s20], $0x7D0  }
0x71: {  	[sflag:s20] =	ssyncset.done $0x0  }
0x72: {  	s3 =	sadd.s32 $0x2B00, s11;
	[sflag:s20] =	ssyncadd.s32 $0xFFFFF830  }
0x73: {  	[spmem:s2] =	stream.indirect.scatter.add.f32 [tilespmem:s28], [sflag:$0xF], $0x10, s3, s14, $0xb8;
	[tilespmem:$0xB680] =	vst v63  }
0x74: {  	_ =	swait.ge [sflag:s22], $0x7D0  }
0x75: {  	p0 =	sne.s32 s6, $0x9000;
	[sflag:s22] =	ssyncset.done $0x0  }
.Ltmp2:
0x76: {  	s3 =	sadd.s32 $0x2B80, s11;
	[sflag:s22] =	ssyncadd.s32 $0xFFFFF830;
	(pc) =	sbr.rel @!p0 .LBB2_3-.Ltmp2, $4  }
0x77: {  	[spmem:s2] =	stream.indirect.scatter.add.f32 [tilespmem:s30], [sflag:$0x10], $0x10, s3, s14, $0xb8;
	[tilespmem:$0xB680] =	vst v63  }
0x78: {  	_ =	swait.ge [sflag:s24], $0x7D0  }
0x79: {  	[sflag:s24] =	ssyncset.done $0x0  }
0x7a: {  	[sflag:s24] =	ssyncadd.s32 $0xFFFFF830  }
0x7b: {  	s12 =	sadd.s32 $0x400, s11  }
0x7c: {  	[tilespmem:s15], [sflag:$0x1] =	stream.indirect.gather [hbm4b:s4+s14], $0x10, s12, s14, $0xb8;
	[tilespmem:$0xB680] =	vst v63  }
0x7d: {  	_ =	swait.ge [sflag:s26], $0x7D0  }
0x7e: {  	[sflag:s26] =	ssyncset.done $0x0  }
0x7f: {  	s3 =	sadd.s32 $0x480, s11;
	[sflag:s26] =	ssyncadd.s32 $0xFFFFF830  }
0x80: {  	[tilespmem:s17], [sflag:$0x2] =	stream.indirect.gather [hbm4b:s4+s14], $0x10, s3, s14, $0xb8;
	[tilespmem:$0xB680] =	vst v63  }
0x81: {  	_ =	swait.ge [sflag:s29], $0x7D0  }
0x82: {  	[sflag:s29] =	ssyncset.done $0x0  }
0x83: {  	s3 =	sadd.s32 $0x500, s11;
	[sflag:s29] =	ssyncadd.s32 $0xFFFFF830  }
0x84: {  	[tilespmem:s19], [sflag:$0x3] =	stream.indirect.gather [hbm4b:s4+s14], $0x10, s3, s14, $0xb8;
	[tilespmem:$0xB680] =	vst v63  }
0x85: {  	_ =	swait.ge [sflag:s5], $0x7D0  }
0x86: {  	[sflag:s5] =	ssyncset.done $0x0  }
0x87: {  	s3 =	sadd.s32 $0x580, s11;
	[sflag:s5] =	ssyncadd.s32 $0xFFFFF830  }
0x88: {  	[tilespmem:s21], [sflag:$0x4] =	stream.indirect.gather [hbm4b:s4+s14], $0x10, s3, s14, $0xb8;
	[tilespmem:$0xB680] =	vst v63  }
0x89: {  	_ =	swait.ge [sflag:s7], $0x7D0  }
0x8a: {  	[sflag:s7] =	ssyncset.done $0x0  }
0x8b: {  	s3 =	sadd.s32 $0x600, s11;
	[sflag:s7] =	ssyncadd.s32 $0xFFFFF830  }
0x8c: {  	[tilespmem:s23], [sflag:$0x5] =	stream.indirect.gather [hbm4b:s4+s14], $0x10, s3, s14, $0xb8;
	[tilespmem:$0xB680] =	vst v63  }
0x8d: {  	_ =	swait.ge [sflag:s8], $0x7D0  }
0x8e: {  	[sflag:s8] =	ssyncset.done $0x0  }
0x8f: {  	s3 =	sadd.s32 $0x680, s11;
	[sflag:s8] =	ssyncadd.s32 $0xFFFFF830  }
0x90: {  	[tilespmem:s25], [sflag:$0x6] =	stream.indirect.gather [hbm4b:s4+s14], $0x10, s3, s14, $0xb8;
	[tilespmem:$0xB680] =	vst v63  }
0x91: {  	_ =	swait.ge [sflag:s9], $0x7D0  }
0x92: {  	s6 =	sadd.s32 $0x1000, s6;
	[sflag:s9] =	ssyncset.done $0x0  }
0x93: {  	p0 =	sne.s32 s6, $0xA000;
	s3 =	sadd.s32 $0x700, s11;
	[sflag:s9] =	ssyncadd.s32 $0xFFFFF830  }
0x94: {  	[tilespmem:s28], [sflag:$0x7] =	stream.indirect.gather [hbm4b:s4+s14], $0x10, s3, s14, $0xb8;
	[tilespmem:$0xB680] =	vst v63  }
.Ltmp3:
0x95: {  	_ = 	snop;
	(pc) =	sbr.rel @p0 .LBB2_2-.Ltmp3, $4  }
.Ltmp4:
0x96: {  	_ =	swait.ge [sflag:s10], $0x7D0;
	(pc) =	sbr.rel @!p0 .LBB2_5-.Ltmp4, $4  }
0x97: {  	[sflag:s10] =	ssyncset.done $0x0  }
0x98: {  	s12 =	sadd.s32 $0x780, s11;
	[sflag:s10] =	ssyncadd.s32 $0xFFFFF830  }
0x99: {  	[tilespmem:s30], [sflag:$0x8] =	stream.indirect.gather [hbm4b:s4+s14], $0x10, s12, s14, $0xb8;
	[tilespmem:$0xB680] =	vst v63  }
0x9a: {  	_ = 	snop  }
.LBB2_6:
0x9b: {  	_ =	sfence.sel $0x180000  }
0x9c: {  	[bflag:$0x0] =	sbarrier.arrive $0xFFFF  }
0x9d: {  	_ =	strace $0x9000004D  }
0x9e: {  	s0 =	stileid.u32;
	[bflag:$0x2] =	sbarrier.arrive $0xFFFF  }
0x9f: {  	p0 =	sne.s32 s0, $0x0;
	s0 =	rddreg [dreg:$0x2]  }
0xa0: {  	s0 =	sadd.s32 @!p0 $0x100000, s0  }
0xa1: {  	[sflag:s0] =	ssyncadd.tile.s32 @!p0 $0x1;
	_ =	shalt  }
.Lfunc_end2:
_tile_overlayer_lowered:
.L_overlay_start_2:
0xa2: {  	(tag) =	ssettag $0x2  }
0xa3: {  	s0 =	rddreg [dreg:$0x0];
	s2 =	stileid.u32  }
0xa4: {  	s1 =	rddreg [dreg:$0x1];
	p0 =	sne.s32 s2, $0x0  }
0xa5: {  	s3 =	rddreg [dreg:$0x2];
	[bflag:$0x3] =	sbarrier.arrive $0xFFFF;
	s2 =	simm.s32 @!p0 $0x1C11  }
0xa6: {  	[timem:s3], [sflag:s2] =	dma.local @!p0 [hbm:s0], s1  }
0xa7: {  	s0 =	simm.s32 @!p0 $0x11  }
0xa8: {  	_ =	swait.ge @!p0 [sflag:s0], s1  }
0xa9: {  	s1 =	ssub.s32 @!p0 $0x0, s1;
	[sflag:s0] =	ssyncset.done @!p0 $0x0  }
0xaa: {  	[sflag:s0] =	ssyncadd.s32 @!p0 s1  }
0xab: {  	[bflag:$0x3] =	sbarrier.arrive $0xFFFF  }
0xac: {  	_ =	shalt  }

// kernel: kernel.8.cloned.1.call-start
scs
__scs_entry_jumppad:
0x0: {  	(pc) =	sbr.rel $0x88, $3  }
0x1: {  	(tag) =	ssettag $0x0;
	lr =	simm.s32 $0x1  }
0x2: {  	[smem:$0x3F9B] =	sst lr;
	_ =	strace $0xD0000000  }
0x3: {  	_ = 	snop  }
0x4: {  	_ = 	snop  }
0x5: {  	_ = 	snop  }
0x6: {  	_ = 	snop  }
0x7: {  	_ = 	snop  }
__scs_overlays_trampoline_lowered:
0x8: {  	[smem:$0x3FAA] =	sst s0  }
0x9: {  	[smem:$0x3FAB] =	sst s1  }
0xa: {  	[smem:$0x3FAC] =	sst s2  }
0xb: {  	[smem:$0x3FAD] =	sst s3  }
0xc: {  	[smem:$0x3FAE] =	sst s4  }
0xd: {  	[smem:$0x3FAF] =	sst s5  }
0xe: {  	[smem:$0x3FB0] =	sst s6  }
0xf: {  	[smem:$0x3FB1] =	sst s7  }
0x10: {  	[smem:$0x3FB2] =	sst s8  }
0x11: {  	[smem:$0x3FB3] =	sst s9;
	s0 =	simm.s32 @!p0 $0x0  }
0x12: {  	s1 =	sld [smem:$0x3F99];
	s0 =	simm.s32 @p0 $0x1  }
0x13: {  	[smem:$0x3FB4] =	sst s0;
	s0 =	simm.s32 @!p1 $0x0  }
0x14: {  	s2 =	sld [smem:$0x3F98];
	s0 =	simm.s32 @p1 $0x1  }
0x15: {  	[smem:$0x3FB5] =	sst s0;
	s0 =	simm.s32 @!p2 $0x0  }
0x16: {  	s3 =	sld [smem:$0x3FDB];
	s0 =	simm.s32 @p2 $0x1  }
0x17: {  	s4 =	simm.s32 $0x1BF5;
	[smem:$0x3FB7] =	sst s0  }
0x18: {  	s0 =	sld [smem:$0x3F9A];
	_ =	swait.ge [sflag:s4], $0x0  }
0x19: {  	s7 =	sld [smem:$0x3F9B]  }
0x1a: {  	s8 =	sadd.s32 $0xFFFFE003, lr  }
0x1b: {  	s9 =	sadd.s32 $0xFFFFFEF7, lr;
	s5 =	simm.s32 $0xFFFFFFFF;
	p2 =	slt.u32 s8, $0xFFFFF086  }
0x1c: {  	p1 =	slt.u32 s9, $0xF7A;
	s5 =	simm.s32 @!p2 $0x0  }
0x1d: {  	s5 =	simm.s32 @p1 $0x1;
	p0 =	seq.s32 s7, s2  }
0x1e: {  	s7 =	smul.u32 @!p0 $0xF7A, s2;
	p2 =	seq.s32 @!p0 s5, $0x0  }
0x1f: {  	s9 =	smul.u32 $0xF7A, s1;
	s8 =	simm.s32 @!p0 $0x1BF5;
	p2 =	por !p2, p0  }
0x20: {  	[sflag:s8] =	ssyncset.s32 @!p0 $0xFFFFF086;
	s6 =	sadd.s32 @!p0 s3, s7;
	s7 =	simm.s32 @!p0 $0x108  }
0x21: {  	s3 =	sadd.s32 s3, s9;
	s6 =	sadd.s32 @!p0 $0x88, s6;
	s7 =	simm.s32 @p2 $0x1082  }
0x22: {  	[simem:s7], [sflag:s8] =	dma.local @!p0 [hbm:s6], $0xF7A  }
0x23: {  	s9 =	sor.u32 $0xD0000000, s2;
	s6 =	simm.s32 $0x108;
	_ =	swait.ge @!p0 [sflag:s8], $0x0  }
0x24: {  	s3 =	sadd.s32 $0x88, s3;
	s6 =	simm.s32 @!p1 $0x1082;
	[sflag:s4] =	ssyncset.s32 $0xFFFFF086  }
0x25: {  	[simem:s6], [sflag:s4] =	dma.local [hbm:s3], $0xF7A  }
0x26: {  	[smem:$0x3F9B] =	sst s1;
	(tag) =	ssettag s2;
	_ =	strace s9  }
0x27: {  	s1 =	sld [smem:$0x3FAB]  }
0x28: {  	s2 =	sld [smem:$0x3FAC]  }
0x29: {  	s4 =	sld [smem:$0x3FAE]  }
0x2a: {  	p0 =	seq.s32 s5, $0x0;
	s5 =	sld [smem:$0x3FAF]  }
0x2b: {  	s6 =	sld [smem:$0x3FB0]  }
0x2c: {  	s7 =	sld [smem:$0x3FB1]  }
0x2d: {  	s3 =	simm.s32 $0x108;
	s8 =	sld [smem:$0x3FB2]  }
0x2e: {  	s3 =	simm.s32 @!p0 $0x1082;
	s9 =	sld [smem:$0x3FB3]  }
0x2f: {  	lr =	sadd.s32 s0, s3;
	s0 =	sld [smem:$0x3FAA]  }
0x30: {  	s3 =	sld [smem:$0x3FAD]  }
0x31: {  	[smem:$0x3FB6] =	sst s10  }
0x32: {  	s10 =	sld [smem:$0x3FB4];
	_ =	sdelay $0x3  }
0x33: {  	p0 =	seq.s32 s10, $0x1;
	s10 =	sld [smem:$0x3FB6];
	_ =	sdelay $0x3  }
0x34: {  	[smem:$0x3FB6] =	sst s10  }
0x35: {  	s10 =	sld [smem:$0x3FB5];
	_ =	sdelay $0x3  }
0x36: {  	p1 =	seq.s32 s10, $0x1;
	s10 =	sld [smem:$0x3FB6];
	_ =	sdelay $0x3  }
0x37: {  	[smem:$0x3FB6] =	sst s10  }
0x38: {  	s10 =	sld [smem:$0x3FB7]  }
0x39: {  	_ = 	snop;
	(pc) =	sbr.ind lr, $3  }
0x3a: {  	_ = 	snop  }
0x3b: {  	_ = 	snop  }
0x3c: {  	p2 =	seq.s32 s10, $0x1;
	s10 =	sld [smem:$0x3FB6]  }
0x3d: {  	_ =	shalt  }
0x3e: {  	_ =	shalt  }
0x3f: {  	_ =	shalt  }
0x40: {  	_ =	shalt  }
0x41: {  	_ =	shalt  }
0x42: {  	_ =	shalt  }
0x43: {  	_ =	shalt  }
0x44: {  	_ =	shalt  }
0x45: {  	_ =	shalt  }
0x46: {  	_ =	shalt  }
0x47: {  	_ =	shalt  }
0x48: {  	_ =	shalt  }
0x49: {  	_ =	shalt  }
0x4a: {  	_ =	shalt  }
0x4b: {  	_ =	shalt  }
0x4c: {  	_ =	shalt  }
0x4d: {  	_ =	shalt  }
0x4e: {  	_ =	shalt  }
0x4f: {  	_ =	shalt  }
0x50: {  	_ =	shalt  }
0x51: {  	_ =	shalt  }
0x52: {  	_ =	shalt  }
0x53: {  	_ =	shalt  }
0x54: {  	_ =	shalt  }
0x55: {  	_ =	shalt  }
0x56: {  	_ =	shalt  }
0x57: {  	_ =	shalt  }
0x58: {  	_ =	shalt  }
0x59: {  	_ =	shalt  }
0x5a: {  	_ =	shalt  }
0x5b: {  	_ =	shalt  }
0x5c: {  	_ =	shalt  }
0x5d: {  	_ =	shalt  }
0x5e: {  	_ =	shalt  }
0x5f: {  	_ =	shalt  }
0x60: {  	_ =	shalt  }
0x61: {  	_ =	shalt  }
0x62: {  	_ =	shalt  }
0x63: {  	_ =	shalt  }
0x64: {  	_ =	shalt  }
0x65: {  	_ =	shalt  }
0x66: {  	_ =	shalt  }
0x67: {  	_ =	shalt  }
0x68: {  	_ =	shalt  }
0x69: {  	_ =	shalt  }
0x6a: {  	_ =	shalt  }
0x6b: {  	_ =	shalt  }
0x6c: {  	_ =	shalt  }
0x6d: {  	_ =	shalt  }
0x6e: {  	_ =	shalt  }
0x6f: {  	_ =	shalt  }
0x70: {  	_ =	shalt  }
0x71: {  	_ =	shalt  }
0x72: {  	_ =	shalt  }
0x73: {  	_ =	shalt  }
0x74: {  	_ =	shalt  }
0x75: {  	_ =	shalt  }
0x76: {  	_ =	shalt  }
0x77: {  	_ =	shalt  }
0x78: {  	_ =	shalt  }
0x79: {  	_ =	shalt  }
0x7a: {  	_ =	shalt  }
0x7b: {  	_ =	shalt  }
0x7c: {  	_ =	shalt  }
0x7d: {  	_ =	shalt  }
0x7e: {  	_ =	shalt  }
0x7f: {  	_ =	shalt  }
0x80: {  	_ =	shalt  }
0x81: {  	_ =	shalt  }
0x82: {  	_ =	shalt  }
0x83: {  	_ =	shalt  }
0x84: {  	_ =	shalt  }
0x85: {  	_ =	shalt  }
0x86: {  	_ =	shalt  }
0x87: {  	_ =	shalt  }
.Lfunc_end0:
.L_simem_size_0:
called_computation_lowered:
.L_overlay_start_0:
0x88: {  	s2 =	sld [smem:$0x3FD9]  }
0x89: {  	s3 =	sld [smem:$0x3FFE];
	_ =	sdelay $0x1  }
0x8a: {  	s1 =	srdreg.scid  }
0x8b: {  	s0 =	sand.u32 $0x1, s1  }
0x8c: {  	s17 =	sshll.u32 s0, $0xA;
	s2 =	sadd.s32 s3, s2  }
0x8d: {  	s2 =	sadd.s32 s2, s17  }
0x8e: {  	[smem:$0x3FC2] =	sst s2  }
0x8f: {  	_ = 	snop  }
0x90: {  	s2 =	sld [smem:$0x3FD0];
	(tm) =	ssettm $0x1  }
0x91: {  	s18 =	sld [smem:$0x3FFB];
	_ =	sdelay $0x3  }
0x92: {  	_ =	strace s18  }
0x93: {  	s3 =	sld [smem:$0x3FFC];
	_ =	sdelay $0x3  }
0x94: {  	_ =	strace s3  }
0x95: {  	s3 =	sld [smem:$0x3FFD];
	_ =	sdelay $0x3  }
0x96: {  	_ =	strace s3  }
0x97: {  	_ =	strace $0x8FFFFFFF  }
0x98: {  	s19 =	sld [smem:$0x3FDB];
	_ =	sdelay $0x1  }
0x99: {  	s4 =	simm.s32 $_scs_section_size  }
0x9a: {  	s5 =	simm.s32 $_size__tile_overlayer_lowered;
	s6 =	simm.s32 $_tile_overlayer_lowered  }
0x9b: {  	s22 =	simm.s32 $0x1BFF;
	s21 =	sshll.u32 s6, $0x1;
	s3 =	sadd.s32 s4, s19  }
0x9c: {  	s7 =	simm.s32 $0x0;
	s20 =	sshll.u32 s5, $0x1;
	s5 =	sadd.s32 s21, s3  }
0x9d: {  	[timem:s7], [sflag:s22] =	dma.local [hbm:s5], s20  }
0x9e: {  	_ =	swait.ge [sflag:s22], s20  }
0x9f: {  	s4 =	ssub.s32 $0x0, s20;
	[sflag:s22] =	ssyncset.done $0x0  }
0xa0: {  	[sflag:s22] =	ssyncadd.s32 s4;
	_ =	sdelay $0x1  }
0xa1: {  	s23 =	simm.s32 $0x1B8B  }
0xa2: {  	_ =	swait.ge [sflag:s23], $0x1  }
0xa3: {  	[sflag:s23] =	ssyncset.done $0x0  }
0xa4: {  	s25 =	simm.s32 $0x1B8E;
	s24 =	sld [smem:$0x3FFE];
	[sflag:s23] =	ssyncadd.s32 $0xFFFFFFFF  }
0xa5: {  	s26 =	simm.s32 $execute0_lowered;
	[smem:$0x3FD2] =	sst s25  }
0xa6: {  	s5 =	sshll.u32 s26, $0x1;
	_ =	strace $0x80000046;
	[dreg:$0x1] =	wrdreg $0xFFFFFFFF  }
0xa7: {  	s28 =	simm.s32 $_size_execute0_lowered;
	s3 =	sadd.s32 s3, s5;
	[dreg:$0x0] =	wrdreg $0x0  }
0xa8: {  	s5 =	sshll.u32 s28, $0x1;
	[dreg:$0x2] =	wrdreg s3  }
0xa9: {  	[dreg:$0x3] =	wrdreg s5  }
0xaa: {  	[dreg:$0x4] =	wrdreg $0xC0  }
0xab: {  	_ =	task [dreg:s7], $0x5FFFF  }
0xac: {  	[dreg:$0x1] =	wrdreg $0xFFFFFFFF  }
0xad: {  	[dreg:$0x0] =	wrdreg $0x60  }
0xae: {  	[dreg:$0x2] =	wrdreg s24  }
0xaf: {  	[dreg:$0x3] =	wrdreg s2  }
0xb0: {  	[dreg:$0x4] =	wrdreg $0x2BE80  }
0xb1: {  	[dreg:$0x5] =	wrdreg $0x9  }
0xb2: {  	_ =	task.clear_ibuf [dreg:s7], $0x6FFFF;
	_ =	strace $0x90000046  }
0xb3: {  	s29 =	simm.s32 $0x9;
	_ =	strace $0x80000048  }
0xb4: {  	_ =	swait.ge [sflag:s29], $0x1  }
0xb5: {  	[sflag:s29] =	ssyncadd.s32 $0xFFFFFFFF  }
0xb6: {  	_ =	strace $0x90000048  }
0xb7: {  	_ =	sfence  }
0xb8: {  	s30 =	sld [smem:$0x0];
	_ =	sdelay $0x2  }
0xb9: {  	s31 =	sshll.u32 s1, $0xD;
	s1 =	sshrl.u32 s1, $0x2  }
0xba: {  	s3 =	sand.u32 $0x4000, s31;
	s1 =	sadd.s32 s1, s30  }
0xbb: {  	s0 =	sor.u32 s3, s0;
	s1 =	sshll.u32 s1, $0x11  }
0xbc: {  	s0 =	sor.u32 s1, s0  }
0xbd: {  	s0 =	sadd.s32 $0x8F2B, s0  }
0xbe: {  	[sflag:s0] =	ssyncadd.remote.s32 $0x1  }
0xbf: {  	_ =	sfence.sel $0xFFFF  }
0xc0: {  	[dreg:$0x0] =	wrdreg $0xFFFFFFFF;
	(pc) =	sbr.abs _section_cstart, $3  }
0xc1: {  	[dreg:$0x1] =	wrdreg $0xFFFFFFFF  }
0xc2: {  	_ =	task.clear_ibuf [dreg:s7], $0x2FFFF;
	_ =	strace $0x9FFFFFFF  }
0xc3: {  	(tm) =	ssettm $0x7FFFFFFF  }
tec
execute0_lowered:
.L_overlay_start_1:
0x0: {  	(tag) =	ssettag $0x1  }
0x1: {  	s5 =	rddreg [dreg:$0x0]  }
0x2: {  	s6 =	rddreg [dreg:$0x1]  }
0x3: {  	s2 =	rddreg [dreg:$0x2]  }
0x4: {  	s0 =	rddreg [dreg:$0x3]  }
0x5: {  	s3 =	srdreg.scid;
	s1 =	stileid.u32;
	s13 =	simm.s32 $0x7D  }
0x6: {  	s14 =	simm.s32 $0x1;
	s15 =	simm.s32 $0x0;
	s4 =	sand.u32 $0x1, s3  }
0x7: {  	s7 =	sshll.u32 s1, $0x1;
	s8 =	smul.u32 $0x1400, s1;
	s3 =	simm.s32 $0x0  }
0x8: {  	s11 =	sshll.u32 s1, $0x6;
	s7 =	sor.u32 s4, s7;
	s9 =	smul.u32 $0x14000, s4  }
0x9: {  	[smem:$0x7FF] =	sst s3;
	s10 =	ssub.s32 $0x2, s4;
	s4 =	sadd.s32 $0xB600, s5  }
0xa: {  	s7 =	smul.u32 $0x500, s7;
	_ =	strace $0x80000047;
	s30 =	sshrl.u32 s10, $0x1  }
0xb: {  	s31 =	sshrl.u32 s8, $0x3;
	s12 =	sadd.s32 s8, s2;
	s9 =	sadd.s32 s8, s9  }
0xc: {  	s10 =	ssub.s32 s10, s30;
	s7 =	sadd.s32 s7, s5;
	s9 =	sshrl.u32 s9, $0x3  }
0xd: {  	s9 =	sadd.s32 s9, s5;
	s5 =	sadd.s32 s6, s31;
	s6 =	sor.u32 $0x1C02, s11  }
0xe: {  	s7 =	sadd.s32 $0x1600, s7;
	s11 =	simm.s32 $0x2;
	s8 =	sadd.s32 $0xB800, s9  }
0xf: {  	s9 =	smax.u32 s10, $0x1;
	s10 =	sshrl.u32 s12, $0x3;
	s12 =	simm.s32 $0x2800  }
.LBB2_1:
0x10: {  	[spmem:s10], [sflag:s6] =	dma.local [hbm:s5], $0x280  }
0x11: {  	_ =	swait.ge [sflag:s11], $0x280  }
0x12: {  	[sflag:s11] =	ssyncset.done $0x0  }
0x13: {  	[sflag:s11] =	ssyncadd.s32 $0xFFFFFD80  }
0x14: {  	[tilespmem:s3], [sflag:$0x2] =	stream.linear.gather [hbm4b:s7+s3], $0x2800, $0x38;
	[tilespmem:$0x3FE8] =	vst v63  }
0x15: {  	_ =	swait.ge [sflag:s11], $0x2800  }
0x16: {  	[sflag:s11] =	ssyncset.done $0x0  }
0x17: {  	[sflag:s11] =	ssyncadd.s32 $0xFFFFD800  }
0x18: {  	[tilespmem:s12], [sflag:$0x2] =	stream.linear.gather [hbm4b:s4+s3], $0x3E8, $0x38;
	[tilespmem:$0x3FE8] =	vst v63  }
0x19: {  	_ =	swait.ge [sflag:s11], $0x3E8  }
0x1a: {  	[sflag:s11] =	ssyncset.done $0x0  }
0x1b: {  	p0 =	por $0x1, $0x1;
	[sflag:s11] =	ssyncadd.s32 $0xFFFFFC18  }
0x1c: {  	s18 =	simm.s32 @!p0 $0x1;
	[bflag:$0x0] =	sbarrier.arrive $0xFFFF  }
0x1d: {  	[spmem:s2] =	stream.indirect.scatter.add.f32 [tilespmem:s12], [sflag:$0x1], $0x8, s3, s13, $0xb8;
	[tilespmem:$0x3FE8] =	vst v63  }
0x1e: {  	_ =	swait.ge @!p0 [sflag:s18], $0x3E8  }
0x1f: {  	s16 =	simm.s32 $0x1;
	s17 =	simm.s32 $0x0;
	[sflag:s18] =	ssyncset.done @!p0 $0x0  }
.LBB2_2:
0x20: {  	[sflag:s18] =	ssyncadd.s32 @!p0 $0xFFFFFC18  }
0x21: {  	s17 =	sadd.s32 $0x80, s17;
	s18 =	smov.u32 s16;
	s16 =	sadd.s32 $0x1, s16  }
0x22: {  	p1 =	sne.s32 s16, $0x50  }
0x23: {  	[spmem:s2] =	stream.indirect.scatter.add.f32 [tilespmem:s12], [sflag:$0x1], $0x8, s17, s13, $0xb8;
	[tilespmem:$0x3FE8] =	vst v63  }
.Ltmp0:
0x24: {  	_ = 	snop;
	(pc) =	sbr.rel @p1 .LBB2_2-.Ltmp0, $4  }
0x25: {  	p0 =	slt.u32 s18, $0x10  }
0x26: {  	s18 =	simm.s32 @!p0 $0x1  }
0x27: {  	_ =	swait.ge @!p0 [sflag:s18], $0x3E8  }
0x28: {  	[sflag:s18] =	ssyncset.done @!p0 $0x0  }
0x29: {  	[sflag:s18] =	ssyncadd.s32 @!p0 $0xFFFFFC18  }
0x2a: {  	_ =	swait.ge [sflag:s14], $0x3E8  }
0x2b: {  	[sflag:s14] =	ssyncset.done $0x0  }
0x2c: {  	[sflag:s14] =	ssyncadd.s32 $0xFFFFFC18  }
0x2d: {  	_ =	swait.ge [sflag:s14], $0x3E8  }
0x2e: {  	[sflag:s14] =	ssyncset.done $0x0  }
0x2f: {  	[sflag:s14] =	ssyncadd.s32 $0xFFFFFC18  }
0x30: {  	_ =	swait.ge [sflag:s14], $0x3E8  }
0x31: {  	[sflag:s14] =	ssyncset.done $0x0  }
0x32: {  	[sflag:s14] =	ssyncadd.s32 $0xFFFFFC18  }
0x33: {  	_ =	swait.ge [sflag:s14], $0x3E8  }
0x34: {  	[sflag:s14] =	ssyncset.done $0x0  }
0x35: {  	[sflag:s14] =	ssyncadd.s32 $0xFFFFFC18  }
0x36: {  	_ =	swait.ge [sflag:s14], $0x3E8  }
0x37: {  	[sflag:s14] =	ssyncset.done $0x0  }
0x38: {  	[sflag:s14] =	ssyncadd.s32 $0xFFFFFC18  }
0x39: {  	_ =	swait.ge [sflag:s14], $0x3E8  }
0x3a: {  	[sflag:s14] =	ssyncset.done $0x0  }
0x3b: {  	[sflag:s14] =	ssyncadd.s32 $0xFFFFFC18  }
0x3c: {  	_ =	swait.ge [sflag:s14], $0x3E8  }
0x3d: {  	[sflag:s14] =	ssyncset.done $0x0  }
0x3e: {  	[sflag:s14] =	ssyncadd.s32 $0xFFFFFC18  }
0x3f: {  	_ =	swait.ge [sflag:s14], $0x3E8  }
0x40: {  	[sflag:s14] =	ssyncset.done $0x0  }
0x41: {  	[sflag:s14] =	ssyncadd.s32 $0xFFFFFC18  }
0x42: {  	_ =	swait.ge [sflag:s14], $0x3E8  }
0x43: {  	[sflag:s14] =	ssyncset.done $0x0  }
0x44: {  	[sflag:s14] =	ssyncadd.s32 $0xFFFFFC18  }
0x45: {  	_ =	swait.ge [sflag:s14], $0x3E8  }
0x46: {  	[sflag:s14] =	ssyncset.done $0x0  }
0x47: {  	[sflag:s14] =	ssyncadd.s32 $0xFFFFFC18  }
0x48: {  	_ =	swait.ge [sflag:s14], $0x3E8  }
0x49: {  	[sflag:s14] =	ssyncset.done $0x0  }
0x4a: {  	[sflag:s14] =	ssyncadd.s32 $0xFFFFFC18  }
0x4b: {  	_ =	swait.ge [sflag:s14], $0x3E8  }
0x4c: {  	[sflag:s14] =	ssyncset.done $0x0  }
0x4d: {  	[sflag:s14] =	ssyncadd.s32 $0xFFFFFC18  }
0x4e: {  	_ =	swait.ge [sflag:s14], $0x3E8  }
0x4f: {  	[sflag:s14] =	ssyncset.done $0x0  }
0x50: {  	[sflag:s14] =	ssyncadd.s32 $0xFFFFFC18  }
0x51: {  	_ =	swait.ge [sflag:s14], $0x3E8  }
0x52: {  	[sflag:s14] =	ssyncset.done $0x0  }
0x53: {  	[sflag:s14] =	ssyncadd.s32 $0xFFFFFC18  }
0x54: {  	_ =	swait.ge [sflag:s14], $0x3E8  }
0x55: {  	[sflag:s14] =	ssyncset.done $0x0  }
0x56: {  	[sflag:s14] =	ssyncadd.s32 $0xFFFFFC18  }
0x57: {  	_ =	swait.ge [sflag:s14], $0x3E8  }
0x58: {  	s15 =	sadd.s32 $0x1, s15;
	[sflag:s14] =	ssyncset.done $0x0  }
0x59: {  	p0 =	sne.s32 s15, s9;
	[sflag:s14] =	ssyncadd.s32 $0xFFFFFC18  }
.Ltmp1:
0x5a: {  	[bflag:$0x0] =	sbarrier.arrive $0xFFFF;
	(pc) =	sbr.rel @p0 .LBB2_1-.Ltmp1, $4  }
0x5b: {  	[hbm:s8], [sflag:s6] =	dma.local [spmem:s10], $0x280  }
0x5c: {  	_ =	swait.ge [sflag:s11], $0x280  }
0x5d: {  	[sflag:s11] =	ssyncset.done $0x0  }
0x5e: {  	[sflag:s11] =	ssyncadd.s32 $0xFFFFFD80  }
0x5f: {  	_ =	sfence.sel $0x180000  }
0x60: {  	[bflag:$0x0] =	sbarrier.arrive $0xFFFF  }
0x61: {  	p0 =	sne.s32 s1, $0x0;
	_ =	strace $0x90000047  }
0x62: {  	s0 =	sadd.s32 @!p0 $0x100000, s0;
	[bflag:$0x2] =	sbarrier.arrive $0xFFFF  }
0x63: {  	[sflag:s0] =	ssyncadd.tile.s32 @!p0 $0x1;
	_ =	shalt  }
.Lfunc_end2:
_tile_overlayer_lowered:
.L_overlay_start_2:
0x64: {  	(tag) =	ssettag $0x2  }
0x65: {  	s0 =	rddreg [dreg:$0x0];
	s2 =	stileid.u32  }
0x66: {  	s1 =	rddreg [dreg:$0x1];
	p0 =	sne.s32 s2, $0x0  }
0x67: {  	s3 =	rddreg [dreg:$0x2];
	[bflag:$0x3] =	sbarrier.arrive $0xFFFF;
	s2 =	simm.s32 @!p0 $0x1C02  }
0x68: {  	[timem:s3], [sflag:s2] =	dma.local @!p0 [hbm:s0], s1  }
0x69: {  	s0 =	simm.s32 @!p0 $0x2  }
0x6a: {  	_ =	swait.ge @!p0 [sflag:s0], s1  }
0x6b: {  	s1 =	ssub.s32 @!p0 $0x0, s1;
	[sflag:s0] =	ssyncset.done @!p0 $0x0  }
0x6c: {  	[sflag:s0] =	ssyncadd.s32 @!p0 s1  }
0x6d: {  	[bflag:$0x3] =	sbarrier.arrive $0xFFFF  }
0x6e: {  	_ =	shalt  }

</sc_bundles>
